<compile_context>
chip_gen: v7x
topology: tpu7x:2x2x1
jax: 0.10.2.dev20260603
libtpu: 0.0.44.dev20260713+nightly
codegen_flags: <defaults>
</compile_context>

<pallas_src>
import functools

import jax
import jax.numpy as jnp
from jax import lax
from jax.experimental import pallas as pl
from jax.experimental.pallas import tpu as pltpu
from jax.experimental.pallas import tpu_sc as plsc

D = 64
C = 10
NNEG = 20
ROWS = C + C * NNEG
RP = 216
BUF_ROWS = 224
NBLK = BUF_ROWS // 16
CH0, CH1 = 112, 104
NC, NS = 2, 16
NW = NC * NS


def _perm(v, idx):
    return lax.gather(
        v, idx[:, None],
        lax.GatherDimensionNumbers(offset_dims=(), collapsed_slice_dims=(0,),
                                   start_index_map=(0,)),
        (1,), mode=lax.GatherScatterMode.PROMISE_IN_BOUNDS)


def _log1p_series(u):
    t = u / (2.0 + u)
    t2 = t * t
    p = 1.0 / 9.0 + t2 * (1.0 / 11.0)
    p = 1.0 / 7.0 + t2 * p
    p = 1.0 / 5.0 + t2 * p
    p = 1.0 / 3.0 + t2 * p
    return 2.0 * t * (1.0 + t2 * p)


def _body(bpw, ovec_hbm, idx_hbm, iw_hbm, ivec_hbm, out_hbm,
          idx_vf, idx_v, iw_v, ivb, buf0, buf1, acc_v,
          semi, sem0, sem1):
    wid = lax.axis_index("c") * NS + lax.axis_index("s")
    base = wid * bpw
    lane = lax.iota(jnp.int32, 16)

    pltpu.sync_copy(idx_hbm.at[pl.ds(base, bpw), :], idx_vf)
    pltpu.sync_copy(iw_hbm.at[pl.ds(base, bpw)], iw_v)
    pltpu.async_copy(ivec_hbm.at[iw_v], ivb, semi)

    def conv(b, _):
        for off in (list(range(0, 13 * 16, 16)) + [RP - 16]):
            idx_v[b, pl.ds(off, 16)] = idx_vf[b, pl.ds(off, 16)].astype(
                jnp.int32)
        return 0

    lax.fori_loop(0, bpw, conv, 0)
    pltpu.make_async_copy(ivec_hbm.at[iw_v], ivb, semi).wait()

    zero16 = jnp.zeros((16,), jnp.float32)
    for buf in (buf0, buf1):
        for r in range(RP, BUF_ROWS):
            for c4 in range(D // 16):
                buf[r, pl.ds(c4 * 16, 16)] = zero16

    bufs = (buf0, buf1)
    sems = (sem0, sem1)

    def issue(j, b):
        pltpu.async_copy(ovec_hbm.at[idx_v.at[b, :]],
                         bufs[j].at[pl.ds(0, RP)], sems[j])

    def drain(j, b):
        pltpu.make_async_copy(ovec_hbm.at[idx_v.at[b, :]],
                              bufs[j].at[pl.ds(0, RP)], sems[j]).wait()

    xor_idx = [jnp.asarray(jnp.arange(16, dtype=jnp.int32) ^ (1 << lv))
               for lv in range(4)]

    def compute(j, b, acc):
        buf = bufs[j]
        ivs = [ivb[b, pl.ds(g * 16, 16)] for g in range(D // 16)]

        def kstep(k, acc):
            rowv = lane + k * 16
            vecs = []
            for r in range(16):
                row = k * 16 + r
                p = buf[row, pl.ds(0, 16)] * ivs[0]
                for g in range(1, D // 16):
                    p = p + buf[row, pl.ds(g * 16, 16)] * ivs[g]
                vecs.append(p)
            for lv in range(4):
                m = 1 << lv
                sel = (lane & m) == 0
                nxt = []
                for q in range(len(vecs) // 2):
                    a = vecs[2 * q]
                    bb = vecs[2 * q + 1]
                    a = a + _perm(a, xor_idx[lv])
                    bb = bb + _perm(bb, xor_idx[lv])
                    nxt.append(jnp.where(sel, a, bb))
                vecs = nxt
            s = vecs[0]
            z = jnp.where(rowv < C, -s, s)
            w = jnp.where(rowv < ROWS, 0.1, 0.0)
            u = jnp.exp(-jnp.abs(z))
            return acc + w * (jnp.maximum(z, 0.0) + _log1p_series(u))

        return lax.fori_loop(0, NBLK, kstep, acc)

    nbuf = len(bufs)
    for j in range(nbuf):
        issue(j, j)

    def outer(o, acc):
        for j in range(nbuf):
            b = o * nbuf + j
            drain(j, b)
            acc = compute(j, b, acc)

            @pl.when(b + nbuf < bpw)
            def _():
                issue(j, b + nbuf)
        return acc

    acc = lax.fori_loop(0, bpw // nbuf, outer, zero16)
    acc_v[...] = acc * (1.0 / float(bpw * NW))
    pltpu.sync_copy(acc_v, out_hbm.at[pl.ds(wid * 16, 16)])


def kernel(iword, owords, nwords, ivec_w, ovec_w):
    b = iword.shape[0]
    bpw = b // NW
    idx_all = jnp.concatenate(
        [owords.astype(jnp.float32), nwords.astype(jnp.float32),
         jnp.zeros((b, RP - ROWS), jnp.float32)], axis=1)
    mesh = plsc.VectorSubcoreMesh(core_axis_name="c", subcore_axis_name="s")
    run = pl.kernel(
        functools.partial(_body, bpw),
        out_type=jax.ShapeDtypeStruct((NW * 16,), jnp.float32),
        mesh=mesh,
        compiler_params=pltpu.CompilerParams(needs_layout_passes=False,
                                             use_tc_tiling_on_sc=False),
        scratch_types=[
            pltpu.VMEM((bpw, RP), jnp.float32),
            pltpu.VMEM((bpw, RP), jnp.int32),
            pltpu.VMEM((bpw,), jnp.int32),
            pltpu.VMEM((bpw, D), jnp.float32),
            pltpu.VMEM((BUF_ROWS, D), jnp.float32),
            pltpu.VMEM((BUF_ROWS, D), jnp.float32),
            pltpu.VMEM((16,), jnp.float32),
            pltpu.SemaphoreType.DMA,
            pltpu.SemaphoreType.DMA,
            pltpu.SemaphoreType.DMA,
        ],
    )
    partials = run(ovec_w, idx_all, iword.astype(jnp.int32), ivec_w)
    return jnp.sum(partials)

# --- scband reference (transcript-rebuilt; emitter-appended) ---
"""Pipeline reference for scband-skip-gram-ns-49563922596771 (READ-ONLY COPY).

The authoritative reference and input builder live on the scoring server;
editing this copy changes nothing except your own understanding.
"""

import jax, jax.numpy as jnp
import numpy as np

V = 1000000
D = 64
NNEG = 20
B = 4096
C = 10

def setup_inputs(seed: int = 0) -> dict:
    key = jax.random.key(seed)
    k1, k2, k3, k4 = jax.random.split(key, 4)
    iword = jax.random.randint(k1, (B,), 0, V, dtype=jnp.int64) if jax.config.jax_enable_x64 else jax.random.randint(k1, (B,), 0, V)
    owords = jax.random.randint(k2, (B, C), 0, V)
    nwords = jax.random.randint(k3, (B, C * NNEG), 0, V)
    initrange = 0.5 / D
    ivec_w = jax.random.uniform(k4, (V, D), minval=-initrange, maxval=initrange, dtype=jnp.float32)
    ovec_w = jnp.zeros((V, D), dtype=jnp.float32)
    return {"iword": iword, "owords": owords, "nwords": nwords, "ivec_w": ivec_w, "ovec_w": ovec_w}

def reference(iword, owords, nwords, ivec_w, ovec_w):
    context_size = owords.shape[1]
    # embedding lookups (gather)
    ivectors = jnp.take(ivec_w, iword, axis=0)[:, :, None]          # [B, D, 1]
    ovectors = jnp.take(ovec_w, owords, axis=0)                      # [B, C, D]
    nvectors = -jnp.take(ovec_w, nwords, axis=0)                     # [B, C*NNEG, D]
    # batched matmul + sigmoid/log as in torch
    o_scores = jnp.squeeze(jnp.matmul(ovectors, ivectors), -1)       # [B, C]
    n_scores = jnp.squeeze(jnp.matmul(nvectors, ivectors), -1)       # [B, C*NNEG]
    oloss = jnp.log(jax.nn.sigmoid(o_scores)).mean(axis=1)           # [B]
    nloss = jnp.log(jax.nn.sigmoid(n_scores)).reshape(-1, context_size, NNEG).sum(axis=2).mean(axis=1)  # [B]
    return -(oloss + nloss).mean()

if __name__ == "__main__":
    import jax
    _d = setup_inputs()
    print(jax.jit(kernel)(*tuple(_d.values())))

</pallas_src>

<mosaic_0001>
#map = affine_map<(d0, d1) -> (0, 0)>
#map1 = affine_map<(d0, d1) -> (0)>
module attributes {stable_mosaic.version = 14 : i64} {
  func.func @_body(%arg0: i32, %arg1: i32, %arg2: memref<1000000x64xf32, #tpu.memory_space<hbm>>, %arg3: memref<4096x216xf32, #tpu.memory_space<hbm>>, %arg4: memref<4096xi32, #tpu.memory_space<hbm>>, %arg5: memref<1000000x64xf32, #tpu.memory_space<hbm>>, %arg6: memref<512xf32, #tpu.memory_space<hbm>>, %arg7: memref<128x216xf32, #tpu.memory_space<vmem>>, %arg8: memref<128x216xi32, #tpu.memory_space<vmem>>, %arg9: memref<128xi32, #tpu.memory_space<vmem>>, %arg10: memref<128x64xf32, #tpu.memory_space<vmem>>, %arg11: memref<224x64xf32, #tpu.memory_space<vmem>>, %arg12: memref<224x64xf32, #tpu.memory_space<vmem>>, %arg13: memref<16xf32, #tpu.memory_space<vmem>>, %arg14: memref<!tpu.dma_semaphore, #tpu.memory_space<semaphore_mem>>, %arg15: memref<!tpu.dma_semaphore, #tpu.memory_space<semaphore_mem>>, %arg16: memref<!tpu.dma_semaphore, #tpu.memory_space<semaphore_mem>>) attributes {dimension_semantics = [#tpu.dimension_semantics<core_parallel>, #tpu.dimension_semantics<subcore_parallel>], iteration_bounds = array<i64: 2, 16>, scalar_prefetch = 0 : i64, scratch_operands = 10 : i64, tpu.core_type = #tpu.core_type<sc_vector_subcore>, window_params = [{transform_indices = #map}, {transform_indices = #map}, {transform_indices = #map1}, {transform_indices = #map}, {transform_indices = #map1}]} {
    %mul3A = arith.constant 16 : i32
    %mul3A_0 = arith.muli %arg0, %mul3A : i32
    %add3A = arith.addi %mul3A_0, %arg1 : i32
    %mul3A_1 = arith.constant 128 : i32
    %mul3A_2 = arith.muli %add3A, %mul3A_1 : i32
    %iota3A = tpu.iota {dimensions = array<i32: 0>} : vector<16xi32>
    "tpu.region"() ({
      %run_scoped3A = tpu.sem_alloc : memref<!tpu.dma_semaphore, #tpu.memory_space<semaphore_mem>>
      %dma_start3A_317 = arith.constant 0 : i32
      %dma_start3A_318 = tpu.memref_slice %arg3[%mul3A_2, %dma_start3A_317] : memref<4096x216xf32, #tpu.memory_space<hbm>> -> memref<128x216xf32, #tpu.memory_space<hbm>>
      %dma_start3A_319 = arith.constant 0 : i32
      %dma_start3A_320 = tpu.memref_slice %arg3[%mul3A_2, %dma_start3A_319] : memref<4096x216xf32, #tpu.memory_space<hbm>> -> memref<128x216xf32, #tpu.memory_space<hbm>>
      tpu.enqueue_dma source(%dma_start3A_320 : memref<128x216xf32, #tpu.memory_space<hbm>>) target(%arg7 : memref<128x216xf32, #tpu.memory_space<vmem>>) target_semaphore(%run_scoped3A : memref<!tpu.dma_semaphore, #tpu.memory_space<semaphore_mem>>)
      %dma_wait3A_321 = arith.constant 0 : i32
      %dma_wait3A_322 = tpu.memref_slice %arg3[%mul3A_2, %dma_wait3A_321] : memref<4096x216xf32, #tpu.memory_space<hbm>> -> memref<128x216xf32, #tpu.memory_space<hbm>>
      %dma_wait3A_323 = arith.constant 0 : i32
      %dma_wait3A_324 = tpu.memref_slice %arg3[%mul3A_2, %dma_wait3A_323] : memref<4096x216xf32, #tpu.memory_space<hbm>> -> memref<128x216xf32, #tpu.memory_space<hbm>>
      tpu.wait_dma2 semaphore(%run_scoped3A : memref<!tpu.dma_semaphore, #tpu.memory_space<semaphore_mem>>) src(%dma_wait3A_324 : memref<128x216xf32, #tpu.memory_space<hbm>>) dst(%arg7 : memref<128x216xf32, #tpu.memory_space<vmem>>)
      tpu.yield
    }) : () -> ()
    "tpu.region"() ({
      %run_scoped3A = tpu.sem_alloc : memref<!tpu.dma_semaphore, #tpu.memory_space<semaphore_mem>>
      %dma_start3A_317 = tpu.memref_slice %arg4[%mul3A_2] : memref<4096xi32, #tpu.memory_space<hbm>> -> memref<128xi32, #tpu.memory_space<hbm>>
      %dma_start3A_318 = tpu.memref_slice %arg4[%mul3A_2] : memref<4096xi32, #tpu.memory_space<hbm>> -> memref<128xi32, #tpu.memory_space<hbm>>
      tpu.enqueue_dma source(%dma_start3A_318 : memref<128xi32, #tpu.memory_space<hbm>>) target(%arg9 : memref<128xi32, #tpu.memory_space<vmem>>) target_semaphore(%run_scoped3A : memref<!tpu.dma_semaphore, #tpu.memory_space<semaphore_mem>>)
      %dma_wait3A_319 = tpu.memref_slice %arg4[%mul3A_2] : memref<4096xi32, #tpu.memory_space<hbm>> -> memref<128xi32, #tpu.memory_space<hbm>>
      %dma_wait3A_320 = tpu.memref_slice %arg4[%mul3A_2] : memref<4096xi32, #tpu.memory_space<hbm>> -> memref<128xi32, #tpu.memory_space<hbm>>
      tpu.wait_dma2 semaphore(%run_scoped3A : memref<!tpu.dma_semaphore, #tpu.memory_space<semaphore_mem>>) src(%dma_wait3A_320 : memref<128xi32, #tpu.memory_space<hbm>>) dst(%arg9 : memref<128xi32, #tpu.memory_space<vmem>>)
      tpu.yield
    }) : () -> ()
    %dma_start3A = arith.constant 0 : i32
    %dma_start3A_3 = arith.constant 0 : i32
    %dma_start3A_4 = tpu.memref_slice %arg5[%dma_start3A, %dma_start3A_3] : memref<1000000x64xf32, #tpu.memory_space<hbm>> -> memref<1000000x64xf32, #tpu.memory_space<hbm>>
    tpu.enqueue_indirect_dma source(%dma_start3A_4 : memref<1000000x64xf32, #tpu.memory_space<hbm>>) target(%arg10 : memref<128x64xf32, #tpu.memory_space<vmem>>) offsets(%arg9 : memref<128xi32, #tpu.memory_space<vmem>>) semaphore(%arg14 : memref<!tpu.dma_semaphore, #tpu.memory_space<semaphore_mem>>)
    %scan3A = arith.constant 0 : i32
    %scan3A_5 = arith.constant 0 : i32
    %scan3A_6 = arith.constant 128 : i32
    %scan3A_7 = arith.addi %scan3A_5, %scan3A_6 : i32
    %scan3A_8 = arith.constant 1 : i32
    %scan3A_9 = scf.for %scan3A_317 = %scan3A_5 to %scan3A_7 step %scan3A_8 iter_args(%scan3A_318 = %scan3A) -> (i32)  : i32 {
      %get3A = arith.index_cast %scan3A_317 : i32 to index
      %get3A_319 = arith.constant 0 : index
      %get3A_320 = tpu.vector_load %arg7[%get3A, %get3A_319] {strides = array<i32>} : memref<128x216xf32, #tpu.memory_space<vmem>>, vector<16xf32>,
      %convert_element_type3A = arith.fptosi %get3A_320 : vector<16xf32> to vector<16xi32>
      %swap3A_321 = arith.index_cast %scan3A_317 : i32 to index
      %swap3A_322 = arith.constant 0 : index
      %swap3A_323 = tpu.vector_load %arg8[%swap3A_321, %swap3A_322] {strides = array<i32>} : memref<128x216xi32, #tpu.memory_space<vmem>>, vector<16xi32>,
      tpu.vector_store %arg8[%swap3A_321, %swap3A_322], %convert_element_type3A {strides = array<i32>} : memref<128x216xi32, #tpu.memory_space<vmem>>, vector<16xi32>,
      %get3A_324 = arith.index_cast %scan3A_317 : i32 to index
      %get3A_325 = arith.constant 16 : index
      %get3A_326 = tpu.vector_load %arg7[%get3A_324, %get3A_325] {strides = array<i32>} : memref<128x216xf32, #tpu.memory_space<vmem>>, vector<16xf32>,
      %convert_element_type3A_327 = arith.fptosi %get3A_326 : vector<16xf32> to vector<16xi32>
      %swap3A_328 = arith.index_cast %scan3A_317 : i32 to index
      %swap3A_329 = arith.constant 16 : index
      %swap3A_330 = tpu.vector_load %arg8[%swap3A_328, %swap3A_329] {strides = array<i32>} : memref<128x216xi32, #tpu.memory_space<vmem>>, vector<16xi32>,
      tpu.vector_store %arg8[%swap3A_328, %swap3A_329], %convert_element_type3A_327 {strides = array<i32>} : memref<128x216xi32, #tpu.memory_space<vmem>>, vector<16xi32>,
      %get3A_331 = arith.index_cast %scan3A_317 : i32 to index
      %get3A_332 = arith.constant 32 : index
      %get3A_333 = tpu.vector_load %arg7[%get3A_331, %get3A_332] {strides = array<i32>} : memref<128x216xf32, #tpu.memory_space<vmem>>, vector<16xf32>,
      %convert_element_type3A_334 = arith.fptosi %get3A_333 : vector<16xf32> to vector<16xi32>
      %swap3A_335 = arith.index_cast %scan3A_317 : i32 to index
      %swap3A_336 = arith.constant 32 : index
      %swap3A_337 = tpu.vector_load %arg8[%swap3A_335, %swap3A_336] {strides = array<i32>} : memref<128x216xi32, #tpu.memory_space<vmem>>, vector<16xi32>,
      tpu.vector_store %arg8[%swap3A_335, %swap3A_336], %convert_element_type3A_334 {strides = array<i32>} : memref<128x216xi32, #tpu.memory_space<vmem>>, vector<16xi32>,
      %get3A_338 = arith.index_cast %scan3A_317 : i32 to index
      %get3A_339 = arith.constant 48 : index
      %get3A_340 = tpu.vector_load %arg7[%get3A_338, %get3A_339] {strides = array<i32>} : memref<128x216xf32, #tpu.memory_space<vmem>>, vector<16xf32>,
      %convert_element_type3A_341 = arith.fptosi %get3A_340 : vector<16xf32> to vector<16xi32>
      %swap3A_342 = arith.index_cast %scan3A_317 : i32 to index
      %swap3A_343 = arith.constant 48 : index
      %swap3A_344 = tpu.vector_load %arg8[%swap3A_342, %swap3A_343] {strides = array<i32>} : memref<128x216xi32, #tpu.memory_space<vmem>>, vector<16xi32>,
      tpu.vector_store %arg8[%swap3A_342, %swap3A_343], %convert_element_type3A_341 {strides = array<i32>} : memref<128x216xi32, #tpu.memory_space<vmem>>, vector<16xi32>,
      %get3A_345 = arith.index_cast %scan3A_317 : i32 to index
      %get3A_346 = arith.constant 64 : index
      %get3A_347 = tpu.vector_load %arg7[%get3A_345, %get3A_346] {strides = array<i32>} : memref<128x216xf32, #tpu.memory_space<vmem>>, vector<16xf32>,
      %convert_element_type3A_348 = arith.fptosi %get3A_347 : vector<16xf32> to vector<16xi32>
      %swap3A_349 = arith.index_cast %scan3A_317 : i32 to index
      %swap3A_350 = arith.constant 64 : index
      %swap3A_351 = tpu.vector_load %arg8[%swap3A_349, %swap3A_350] {strides = array<i32>} : memref<128x216xi32, #tpu.memory_space<vmem>>, vector<16xi32>,
      tpu.vector_store %arg8[%swap3A_349, %swap3A_350], %convert_element_type3A_348 {strides = array<i32>} : memref<128x216xi32, #tpu.memory_space<vmem>>, vector<16xi32>,
      %get3A_352 = arith.index_cast %scan3A_317 : i32 to index
      %get3A_353 = arith.constant 80 : index
      %get3A_354 = tpu.vector_load %arg7[%get3A_352, %get3A_353] {strides = array<i32>} : memref<128x216xf32, #tpu.memory_space<vmem>>, vector<16xf32>,
      %convert_element_type3A_355 = arith.fptosi %get3A_354 : vector<16xf32> to vector<16xi32>
      %swap3A_356 = arith.index_cast %scan3A_317 : i32 to index
      %swap3A_357 = arith.constant 80 : index
      %swap3A_358 = tpu.vector_load %arg8[%swap3A_356, %swap3A_357] {strides = array<i32>} : memref<128x216xi32, #tpu.memory_space<vmem>>, vector<16xi32>,
      tpu.vector_store %arg8[%swap3A_356, %swap3A_357], %convert_element_type3A_355 {strides = array<i32>} : memref<128x216xi32, #tpu.memory_space<vmem>>, vector<16xi32>,
      %get3A_359 = arith.index_cast %scan3A_317 : i32 to index
      %get3A_360 = arith.constant 96 : index
      %get3A_361 = tpu.vector_load %arg7[%get3A_359, %get3A_360] {strides = array<i32>} : memref<128x216xf32, #tpu.memory_space<vmem>>, vector<16xf32>,
      %convert_element_type3A_362 = arith.fptosi %get3A_361 : vector<16xf32> to vector<16xi32>
      %swap3A_363 = arith.index_cast %scan3A_317 : i32 to index
      %swap3A_364 = arith.constant 96 : index
      %swap3A_365 = tpu.vector_load %arg8[%swap3A_363, %swap3A_364] {strides = array<i32>} : memref<128x216xi32, #tpu.memory_space<vmem>>, vector<16xi32>,
      tpu.vector_store %arg8[%swap3A_363, %swap3A_364], %convert_element_type3A_362 {strides = array<i32>} : memref<128x216xi32, #tpu.memory_space<vmem>>, vector<16xi32>,
      %get3A_366 = arith.index_cast %scan3A_317 : i32 to index
      %get3A_367 = arith.constant 112 : index
      %get3A_368 = tpu.vector_load %arg7[%get3A_366, %get3A_367] {strides = array<i32>} : memref<128x216xf32, #tpu.memory_space<vmem>>, vector<16xf32>,
      %convert_element_type3A_369 = arith.fptosi %get3A_368 : vector<16xf32> to vector<16xi32>
      %swap3A_370 = arith.index_cast %scan3A_317 : i32 to index
      %swap3A_371 = arith.constant 112 : index
      %swap3A_372 = tpu.vector_load %arg8[%swap3A_370, %swap3A_371] {strides = array<i32>} : memref<128x216xi32, #tpu.memory_space<vmem>>, vector<16xi32>,
      tpu.vector_store %arg8[%swap3A_370, %swap3A_371], %convert_element_type3A_369 {strides = array<i32>} : memref<128x216xi32, #tpu.memory_space<vmem>>, vector<16xi32>,
      %get3A_373 = arith.index_cast %scan3A_317 : i32 to index
      %get3A_374 = arith.constant 128 : index
      %get3A_375 = tpu.vector_load %arg7[%get3A_373, %get3A_374] {strides = array<i32>} : memref<128x216xf32, #tpu.memory_space<vmem>>, vector<16xf32>,
      %convert_element_type3A_376 = arith.fptosi %get3A_375 : vector<16xf32> to vector<16xi32>
      %swap3A_377 = arith.index_cast %scan3A_317 : i32 to index
      %swap3A_378 = arith.constant 128 : index
      %swap3A_379 = tpu.vector_load %arg8[%swap3A_377, %swap3A_378] {strides = array<i32>} : memref<128x216xi32, #tpu.memory_space<vmem>>, vector<16xi32>,
      tpu.vector_store %arg8[%swap3A_377, %swap3A_378], %convert_element_type3A_376 {strides = array<i32>} : memref<128x216xi32, #tpu.memory_space<vmem>>, vector<16xi32>,
      %get3A_380 = arith.index_cast %scan3A_317 : i32 to index
      %get3A_381 = arith.constant 144 : index
      %get3A_382 = tpu.vector_load %arg7[%get3A_380, %get3A_381] {strides = array<i32>} : memref<128x216xf32, #tpu.memory_space<vmem>>, vector<16xf32>,
      %convert_element_type3A_383 = arith.fptosi %get3A_382 : vector<16xf32> to vector<16xi32>
      %swap3A_384 = arith.index_cast %scan3A_317 : i32 to index
      %swap3A_385 = arith.constant 144 : index
      %swap3A_386 = tpu.vector_load %arg8[%swap3A_384, %swap3A_385] {strides = array<i32>} : memref<128x216xi32, #tpu.memory_space<vmem>>, vector<16xi32>,
      tpu.vector_store %arg8[%swap3A_384, %swap3A_385], %convert_element_type3A_383 {strides = array<i32>} : memref<128x216xi32, #tpu.memory_space<vmem>>, vector<16xi32>,
      %get3A_387 = arith.index_cast %scan3A_317 : i32 to index
      %get3A_388 = arith.constant 160 : index
      %get3A_389 = tpu.vector_load %arg7[%get3A_387, %get3A_388] {strides = array<i32>} : memref<128x216xf32, #tpu.memory_space<vmem>>, vector<16xf32>,
      %convert_element_type3A_390 = arith.fptosi %get3A_389 : vector<16xf32> to vector<16xi32>
      %swap3A_391 = arith.index_cast %scan3A_317 : i32 to index
      %swap3A_392 = arith.constant 160 : index
      %swap3A_393 = tpu.vector_load %arg8[%swap3A_391, %swap3A_392] {strides = array<i32>} : memref<128x216xi32, #tpu.memory_space<vmem>>, vector<16xi32>,
      tpu.vector_store %arg8[%swap3A_391, %swap3A_392], %convert_element_type3A_390 {strides = array<i32>} : memref<128x216xi32, #tpu.memory_space<vmem>>, vector<16xi32>,
      %get3A_394 = arith.index_cast %scan3A_317 : i32 to index
      %get3A_395 = arith.constant 176 : index
      %get3A_396 = tpu.vector_load %arg7[%get3A_394, %get3A_395] {strides = array<i32>} : memref<128x216xf32, #tpu.memory_space<vmem>>, vector<16xf32>,
      %convert_element_type3A_397 = arith.fptosi %get3A_396 : vector<16xf32> to vector<16xi32>
      %swap3A_398 = arith.index_cast %scan3A_317 : i32 to index
      %swap3A_399 = arith.constant 176 : index
      %swap3A_400 = tpu.vector_load %arg8[%swap3A_398, %swap3A_399] {strides = array<i32>} : memref<128x216xi32, #tpu.memory_space<vmem>>, vector<16xi32>,
      tpu.vector_store %arg8[%swap3A_398, %swap3A_399], %convert_element_type3A_397 {strides = array<i32>} : memref<128x216xi32, #tpu.memory_space<vmem>>, vector<16xi32>,
      %get3A_401 = arith.index_cast %scan3A_317 : i32 to index
      %get3A_402 = arith.constant 192 : index
      %get3A_403 = tpu.vector_load %arg7[%get3A_401, %get3A_402] {strides = array<i32>} : memref<128x216xf32, #tpu.memory_space<vmem>>, vector<16xf32>,
      %convert_element_type3A_404 = arith.fptosi %get3A_403 : vector<16xf32> to vector<16xi32>
      %swap3A_405 = arith.index_cast %scan3A_317 : i32 to index
      %swap3A_406 = arith.constant 192 : index
      %swap3A_407 = tpu.vector_load %arg8[%swap3A_405, %swap3A_406] {strides = array<i32>} : memref<128x216xi32, #tpu.memory_space<vmem>>, vector<16xi32>,
      tpu.vector_store %arg8[%swap3A_405, %swap3A_406], %convert_element_type3A_404 {strides = array<i32>} : memref<128x216xi32, #tpu.memory_space<vmem>>, vector<16xi32>,
      %get3A_408 = arith.index_cast %scan3A_317 : i32 to index
      %get3A_409 = arith.constant 200 : index
      %get3A_410 = tpu.vector_load %arg7[%get3A_408, %get3A_409] {strides = array<i32>} : memref<128x216xf32, #tpu.memory_space<vmem>>, vector<16xf32>,
      %convert_element_type3A_411 = arith.fptosi %get3A_410 : vector<16xf32> to vector<16xi32>
      %swap3A_412 = arith.index_cast %scan3A_317 : i32 to index
      %swap3A_413 = arith.constant 200 : index
      %swap3A_414 = tpu.vector_load %arg8[%swap3A_412, %swap3A_413] {strides = array<i32>} : memref<128x216xi32, #tpu.memory_space<vmem>>, vector<16xi32>,
      tpu.vector_store %arg8[%swap3A_412, %swap3A_413], %convert_element_type3A_411 {strides = array<i32>} : memref<128x216xi32, #tpu.memory_space<vmem>>, vector<16xi32>,
      %scan3A_415 = arith.constant 0 : i32
      scf.yield %scan3A_415 : i32
    }
    %scan3A_10 = arith.constant 128 : i32
    %dma_wait3A = arith.constant 0 : i32
    %dma_wait3A_11 = arith.constant 0 : i32
    %dma_wait3A_12 = tpu.memref_slice %arg5[%dma_wait3A, %dma_wait3A_11] : memref<1000000x64xf32, #tpu.memory_space<hbm>> -> memref<1000000x64xf32, #tpu.memory_space<hbm>>
    tpu.wait_indirect_dma semaphore(%arg14 : memref<!tpu.dma_semaphore, #tpu.memory_space<semaphore_mem>>) src(%dma_wait3A_12 : memref<1000000x64xf32, #tpu.memory_space<hbm>>) dst(%arg10 : memref<128x64xf32, #tpu.memory_space<vmem>>)
    %broadcast_in_dim3A = arith.constant 0.000000e+00 : f32
    %broadcast_in_dim3A_13 = vector.broadcast %broadcast_in_dim3A : f32 to vector<16xf32>
    %swap3A = arith.constant 216 : i32
    %swap3A_14 = arith.index_cast %swap3A : i32 to index
    %swap3A_15 = arith.constant 0 : index
    %swap3A_16 = tpu.vector_load %arg11[%swap3A_14, %swap3A_15] {strides = array<i32>} : memref<224x64xf32, #tpu.memory_space<vmem>>, vector<16xf32>,
    tpu.vector_store %arg11[%swap3A_14, %swap3A_15], %broadcast_in_dim3A_13 {strides = array<i32>} : memref<224x64xf32, #tpu.memory_space<vmem>>, vector<16xf32>,
    %swap3A_17 = arith.constant 216 : i32
    %swap3A_18 = arith.index_cast %swap3A_17 : i32 to index
    %swap3A_19 = arith.constant 16 : index
    %swap3A_20 = tpu.vector_load %arg11[%swap3A_18, %swap3A_19] {strides = array<i32>} : memref<224x64xf32, #tpu.memory_space<vmem>>, vector<16xf32>,
    tpu.vector_store %arg11[%swap3A_18, %swap3A_19], %broadcast_in_dim3A_13 {strides = array<i32>} : memref<224x64xf32, #tpu.memory_space<vmem>>, vector<16xf32>,
    %swap3A_21 = arith.constant 216 : i32
    %swap3A_22 = arith.index_cast %swap3A_21 : i32 to index
    %swap3A_23 = arith.constant 32 : index
    %swap3A_24 = tpu.vector_load %arg11[%swap3A_22, %swap3A_23] {strides = array<i32>} : memref<224x64xf32, #tpu.memory_space<vmem>>, vector<16xf32>,
    tpu.vector_store %arg11[%swap3A_22, %swap3A_23], %broadcast_in_dim3A_13 {strides = array<i32>} : memref<224x64xf32, #tpu.memory_space<vmem>>, vector<16xf32>,
    %swap3A_25 = arith.constant 216 : i32
    %swap3A_26 = arith.index_cast %swap3A_25 : i32 to index
    %swap3A_27 = arith.constant 48 : index
    %swap3A_28 = tpu.vector_load %arg11[%swap3A_26, %swap3A_27] {strides = array<i32>} : memref<224x64xf32, #tpu.memory_space<vmem>>, vector<16xf32>,
    tpu.vector_store %arg11[%swap3A_26, %swap3A_27], %broadcast_in_dim3A_13 {strides = array<i32>} : memref<224x64xf32, #tpu.memory_space<vmem>>, vector<16xf32>,
    %swap3A_29 = arith.constant 217 : i32
    %swap3A_30 = arith.index_cast %swap3A_29 : i32 to index
    %swap3A_31 = arith.constant 0 : index
    %swap3A_32 = tpu.vector_load %arg11[%swap3A_30, %swap3A_31] {strides = array<i32>} : memref<224x64xf32, #tpu.memory_space<vmem>>, vector<16xf32>,
    tpu.vector_store %arg11[%swap3A_30, %swap3A_31], %broadcast_in_dim3A_13 {strides = array<i32>} : memref<224x64xf32, #tpu.memory_space<vmem>>, vector<16xf32>,
    %swap3A_33 = arith.constant 217 : i32
    %swap3A_34 = arith.index_cast %swap3A_33 : i32 to index
    %swap3A_35 = arith.constant 16 : index
    %swap3A_36 = tpu.vector_load %arg11[%swap3A_34, %swap3A_35] {strides = array<i32>} : memref<224x64xf32, #tpu.memory_space<vmem>>, vector<16xf32>,
    tpu.vector_store %arg11[%swap3A_34, %swap3A_35], %broadcast_in_dim3A_13 {strides = array<i32>} : memref<224x64xf32, #tpu.memory_space<vmem>>, vector<16xf32>,
    %swap3A_37 = arith.constant 217 : i32
    %swap3A_38 = arith.index_cast %swap3A_37 : i32 to index
    %swap3A_39 = arith.constant 32 : index
    %swap3A_40 = tpu.vector_load %arg11[%swap3A_38, %swap3A_39] {strides = array<i32>} : memref<224x64xf32, #tpu.memory_space<vmem>>, vector<16xf32>,
    tpu.vector_store %arg11[%swap3A_38, %swap3A_39], %broadcast_in_dim3A_13 {strides = array<i32>} : memref<224x64xf32, #tpu.memory_space<vmem>>, vector<16xf32>,
    %swap3A_41 = arith.constant 217 : i32
    %swap3A_42 = arith.index_cast %swap3A_41 : i32 to index
    %swap3A_43 = arith.constant 48 : index
    %swap3A_44 = tpu.vector_load %arg11[%swap3A_42, %swap3A_43] {strides = array<i32>} : memref<224x64xf32, #tpu.memory_space<vmem>>, vector<16xf32>,
    tpu.vector_store %arg11[%swap3A_42, %swap3A_43], %broadcast_in_dim3A_13 {strides = array<i32>} : memref<224x64xf32, #tpu.memory_space<vmem>>, vector<16xf32>,
    %swap3A_45 = arith.constant 218 : i32
    %swap3A_46 = arith.index_cast %swap3A_45 : i32 to index
    %swap3A_47 = arith.constant 0 : index
    %swap3A_48 = tpu.vector_load %arg11[%swap3A_46, %swap3A_47] {strides = array<i32>} : memref<224x64xf32, #tpu.memory_space<vmem>>, vector<16xf32>,
    tpu.vector_store %arg11[%swap3A_46, %swap3A_47], %broadcast_in_dim3A_13 {strides = array<i32>} : memref<224x64xf32, #tpu.memory_space<vmem>>, vector<16xf32>,
    %swap3A_49 = arith.constant 218 : i32
    %swap3A_50 = arith.index_cast %swap3A_49 : i32 to index
    %swap3A_51 = arith.constant 16 : index
    %swap3A_52 = tpu.vector_load %arg11[%swap3A_50, %swap3A_51] {strides = array<i32>} : memref<224x64xf32, #tpu.memory_space<vmem>>, vector<16xf32>,
    tpu.vector_store %arg11[%swap3A_50, %swap3A_51], %broadcast_in_dim3A_13 {strides = array<i32>} : memref<224x64xf32, #tpu.memory_space<vmem>>, vector<16xf32>,
    %swap3A_53 = arith.constant 218 : i32
    %swap3A_54 = arith.index_cast %swap3A_53 : i32 to index
    %swap3A_55 = arith.constant 32 : index
    %swap3A_56 = tpu.vector_load %arg11[%swap3A_54, %swap3A_55] {strides = array<i32>} : memref<224x64xf32, #tpu.memory_space<vmem>>, vector<16xf32>,
    tpu.vector_store %arg11[%swap3A_54, %swap3A_55], %broadcast_in_dim3A_13 {strides = array<i32>} : memref<224x64xf32, #tpu.memory_space<vmem>>, vector<16xf32>,
    %swap3A_57 = arith.constant 218 : i32
    %swap3A_58 = arith.index_cast %swap3A_57 : i32 to index
    %swap3A_59 = arith.constant 48 : index
    %swap3A_60 = tpu.vector_load %arg11[%swap3A_58, %swap3A_59] {strides = array<i32>} : memref<224x64xf32, #tpu.memory_space<vmem>>, vector<16xf32>,
    tpu.vector_store %arg11[%swap3A_58, %swap3A_59], %broadcast_in_dim3A_13 {strides = array<i32>} : memref<224x64xf32, #tpu.memory_space<vmem>>, vector<16xf32>,
    %swap3A_61 = arith.constant 219 : i32
    %swap3A_62 = arith.index_cast %swap3A_61 : i32 to index
    %swap3A_63 = arith.constant 0 : index
    %swap3A_64 = tpu.vector_load %arg11[%swap3A_62, %swap3A_63] {strides = array<i32>} : memref<224x64xf32, #tpu.memory_space<vmem>>, vector<16xf32>,
    tpu.vector_store %arg11[%swap3A_62, %swap3A_63], %broadcast_in_dim3A_13 {strides = array<i32>} : memref<224x64xf32, #tpu.memory_space<vmem>>, vector<16xf32>,
    %swap3A_65 = arith.constant 219 : i32
    %swap3A_66 = arith.index_cast %swap3A_65 : i32 to index
    %swap3A_67 = arith.constant 16 : index
    %swap3A_68 = tpu.vector_load %arg11[%swap3A_66, %swap3A_67] {strides = array<i32>} : memref<224x64xf32, #tpu.memory_space<vmem>>, vector<16xf32>,
    tpu.vector_store %arg11[%swap3A_66, %swap3A_67], %broadcast_in_dim3A_13 {strides = array<i32>} : memref<224x64xf32, #tpu.memory_space<vmem>>, vector<16xf32>,
    %swap3A_69 = arith.constant 219 : i32
    %swap3A_70 = arith.index_cast %swap3A_69 : i32 to index
    %swap3A_71 = arith.constant 32 : index
    %swap3A_72 = tpu.vector_load %arg11[%swap3A_70, %swap3A_71] {strides = array<i32>} : memref<224x64xf32, #tpu.memory_space<vmem>>, vector<16xf32>,
    tpu.vector_store %arg11[%swap3A_70, %swap3A_71], %broadcast_in_dim3A_13 {strides = array<i32>} : memref<224x64xf32, #tpu.memory_space<vmem>>, vector<16xf32>,
    %swap3A_73 = arith.constant 219 : i32
    %swap3A_74 = arith.index_cast %swap3A_73 : i32 to index
    %swap3A_75 = arith.constant 48 : index
    %swap3A_76 = tpu.vector_load %arg11[%swap3A_74, %swap3A_75] {strides = array<i32>} : memref<224x64xf32, #tpu.memory_space<vmem>>, vector<16xf32>,
    tpu.vector_store %arg11[%swap3A_74, %swap3A_75], %broadcast_in_dim3A_13 {strides = array<i32>} : memref<224x64xf32, #tpu.memory_space<vmem>>, vector<16xf32>,
    %swap3A_77 = arith.constant 220 : i32
    %swap3A_78 = arith.index_cast %swap3A_77 : i32 to index
    %swap3A_79 = arith.constant 0 : index
    %swap3A_80 = tpu.vector_load %arg11[%swap3A_78, %swap3A_79] {strides = array<i32>} : memref<224x64xf32, #tpu.memory_space<vmem>>, vector<16xf32>,
    tpu.vector_store %arg11[%swap3A_78, %swap3A_79], %broadcast_in_dim3A_13 {strides = array<i32>} : memref<224x64xf32, #tpu.memory_space<vmem>>, vector<16xf32>,
    %swap3A_81 = arith.constant 220 : i32
    %swap3A_82 = arith.index_cast %swap3A_81 : i32 to index
    %swap3A_83 = arith.constant 16 : index
    %swap3A_84 = tpu.vector_load %arg11[%swap3A_82, %swap3A_83] {strides = array<i32>} : memref<224x64xf32, #tpu.memory_space<vmem>>, vector<16xf32>,
    tpu.vector_store %arg11[%swap3A_82, %swap3A_83], %broadcast_in_dim3A_13 {strides = array<i32>} : memref<224x64xf32, #tpu.memory_space<vmem>>, vector<16xf32>,
    %swap3A_85 = arith.constant 220 : i32
    %swap3A_86 = arith.index_cast %swap3A_85 : i32 to index
    %swap3A_87 = arith.constant 32 : index
    %swap3A_88 = tpu.vector_load %arg11[%swap3A_86, %swap3A_87] {strides = array<i32>} : memref<224x64xf32, #tpu.memory_space<vmem>>, vector<16xf32>,
    tpu.vector_store %arg11[%swap3A_86, %swap3A_87], %broadcast_in_dim3A_13 {strides = array<i32>} : memref<224x64xf32, #tpu.memory_space<vmem>>, vector<16xf32>,
    %swap3A_89 = arith.constant 220 : i32
    %swap3A_90 = arith.index_cast %swap3A_89 : i32 to index
    %swap3A_91 = arith.constant 48 : index
    %swap3A_92 = tpu.vector_load %arg11[%swap3A_90, %swap3A_91] {strides = array<i32>} : memref<224x64xf32, #tpu.memory_space<vmem>>, vector<16xf32>,
    tpu.vector_store %arg11[%swap3A_90, %swap3A_91], %broadcast_in_dim3A_13 {strides = array<i32>} : memref<224x64xf32, #tpu.memory_space<vmem>>, vector<16xf32>,
    %swap3A_93 = arith.constant 221 : i32
    %swap3A_94 = arith.index_cast %swap3A_93 : i32 to index
    %swap3A_95 = arith.constant 0 : index
    %swap3A_96 = tpu.vector_load %arg11[%swap3A_94, %swap3A_95] {strides = array<i32>} : memref<224x64xf32, #tpu.memory_space<vmem>>, vector<16xf32>,
    tpu.vector_store %arg11[%swap3A_94, %swap3A_95], %broadcast_in_dim3A_13 {strides = array<i32>} : memref<224x64xf32, #tpu.memory_space<vmem>>, vector<16xf32>,
    %swap3A_97 = arith.constant 221 : i32
    %swap3A_98 = arith.index_cast %swap3A_97 : i32 to index
    %swap3A_99 = arith.constant 16 : index
    %swap3A_100 = tpu.vector_load %arg11[%swap3A_98, %swap3A_99] {strides = array<i32>} : memref<224x64xf32, #tpu.memory_space<vmem>>, vector<16xf32>,
    tpu.vector_store %arg11[%swap3A_98, %swap3A_99], %broadcast_in_dim3A_13 {strides = array<i32>} : memref<224x64xf32, #tpu.memory_space<vmem>>, vector<16xf32>,
    %swap3A_101 = arith.constant 221 : i32
    %swap3A_102 = arith.index_cast %swap3A_101 : i32 to index
    %swap3A_103 = arith.constant 32 : index
    %swap3A_104 = tpu.vector_load %arg11[%swap3A_102, %swap3A_103] {strides = array<i32>} : memref<224x64xf32, #tpu.memory_space<vmem>>, vector<16xf32>,
    tpu.vector_store %arg11[%swap3A_102, %swap3A_103], %broadcast_in_dim3A_13 {strides = array<i32>} : memref<224x64xf32, #tpu.memory_space<vmem>>, vector<16xf32>,
    %swap3A_105 = arith.constant 221 : i32
    %swap3A_106 = arith.index_cast %swap3A_105 : i32 to index
    %swap3A_107 = arith.constant 48 : index
    %swap3A_108 = tpu.vector_load %arg11[%swap3A_106, %swap3A_107] {strides = array<i32>} : memref<224x64xf32, #tpu.memory_space<vmem>>, vector<16xf32>,
    tpu.vector_store %arg11[%swap3A_106, %swap3A_107], %broadcast_in_dim3A_13 {strides = array<i32>} : memref<224x64xf32, #tpu.memory_space<vmem>>, vector<16xf32>,
    %swap3A_109 = arith.constant 222 : i32
    %swap3A_110 = arith.index_cast %swap3A_109 : i32 to index
    %swap3A_111 = arith.constant 0 : index
    %swap3A_112 = tpu.vector_load %arg11[%swap3A_110, %swap3A_111] {strides = array<i32>} : memref<224x64xf32, #tpu.memory_space<vmem>>, vector<16xf32>,
    tpu.vector_store %arg11[%swap3A_110, %swap3A_111], %broadcast_in_dim3A_13 {strides = array<i32>} : memref<224x64xf32, #tpu.memory_space<vmem>>, vector<16xf32>,
    %swap3A_113 = arith.constant 222 : i32
    %swap3A_114 = arith.index_cast %swap3A_113 : i32 to index
    %swap3A_115 = arith.constant 16 : index
    %swap3A_116 = tpu.vector_load %arg11[%swap3A_114, %swap3A_115] {strides = array<i32>} : memref<224x64xf32, #tpu.memory_space<vmem>>, vector<16xf32>,
    tpu.vector_store %arg11[%swap3A_114, %swap3A_115], %broadcast_in_dim3A_13 {strides = array<i32>} : memref<224x64xf32, #tpu.memory_space<vmem>>, vector<16xf32>,
    %swap3A_117 = arith.constant 222 : i32
    %swap3A_118 = arith.index_cast %swap3A_117 : i32 to index
    %swap3A_119 = arith.constant 32 : index
    %swap3A_120 = tpu.vector_load %arg11[%swap3A_118, %swap3A_119] {strides = array<i32>} : memref<224x64xf32, #tpu.memory_space<vmem>>, vector<16xf32>,
    tpu.vector_store %arg11[%swap3A_118, %swap3A_119], %broadcast_in_dim3A_13 {strides = array<i32>} : memref<224x64xf32, #tpu.memory_space<vmem>>, vector<16xf32>,
    %swap3A_121 = arith.constant 222 : i32
    %swap3A_122 = arith.index_cast %swap3A_121 : i32 to index
    %swap3A_123 = arith.constant 48 : index
    %swap3A_124 = tpu.vector_load %arg11[%swap3A_122, %swap3A_123] {strides = array<i32>} : memref<224x64xf32, #tpu.memory_space<vmem>>, vector<16xf32>,
    tpu.vector_store %arg11[%swap3A_122, %swap3A_123], %broadcast_in_dim3A_13 {strides = array<i32>} : memref<224x64xf32, #tpu.memory_space<vmem>>, vector<16xf32>,
    %swap3A_125 = arith.constant 223 : i32
    %swap3A_126 = arith.index_cast %swap3A_125 : i32 to index
    %swap3A_127 = arith.constant 0 : index
    %swap3A_128 = tpu.vector_load %arg11[%swap3A_126, %swap3A_127] {strides = array<i32>} : memref<224x64xf32, #tpu.memory_space<vmem>>, vector<16xf32>,
    tpu.vector_store %arg11[%swap3A_126, %swap3A_127], %broadcast_in_dim3A_13 {strides = array<i32>} : memref<224x64xf32, #tpu.memory_space<vmem>>, vector<16xf32>,
    %swap3A_129 = arith.constant 223 : i32
    %swap3A_130 = arith.index_cast %swap3A_129 : i32 to index
    %swap3A_131 = arith.constant 16 : index
    %swap3A_132 = tpu.vector_load %arg11[%swap3A_130, %swap3A_131] {strides = array<i32>} : memref<224x64xf32, #tpu.memory_space<vmem>>, vector<16xf32>,
    tpu.vector_store %arg11[%swap3A_130, %swap3A_131], %broadcast_in_dim3A_13 {strides = array<i32>} : memref<224x64xf32, #tpu.memory_space<vmem>>, vector<16xf32>,
    %swap3A_133 = arith.constant 223 : i32
    %swap3A_134 = arith.index_cast %swap3A_133 : i32 to index
    %swap3A_135 = arith.constant 32 : index
    %swap3A_136 = tpu.vector_load %arg11[%swap3A_134, %swap3A_135] {strides = array<i32>} : memref<224x64xf32, #tpu.memory_space<vmem>>, vector<16xf32>,
    tpu.vector_store %arg11[%swap3A_134, %swap3A_135], %broadcast_in_dim3A_13 {strides = array<i32>} : memref<224x64xf32, #tpu.memory_space<vmem>>, vector<16xf32>,
    %swap3A_137 = arith.constant 223 : i32
    %swap3A_138 = arith.index_cast %swap3A_137 : i32 to index
    %swap3A_139 = arith.constant 48 : index
    %swap3A_140 = tpu.vector_load %arg11[%swap3A_138, %swap3A_139] {strides = array<i32>} : memref<224x64xf32, #tpu.memory_space<vmem>>, vector<16xf32>,
    tpu.vector_store %arg11[%swap3A_138, %swap3A_139], %broadcast_in_dim3A_13 {strides = array<i32>} : memref<224x64xf32, #tpu.memory_space<vmem>>, vector<16xf32>,
    %swap3A_141 = arith.constant 216 : i32
    %swap3A_142 = arith.index_cast %swap3A_141 : i32 to index
    %swap3A_143 = arith.constant 0 : index
    %swap3A_144 = tpu.vector_load %arg12[%swap3A_142, %swap3A_143] {strides = array<i32>} : memref<224x64xf32, #tpu.memory_space<vmem>>, vector<16xf32>,
    tpu.vector_store %arg12[%swap3A_142, %swap3A_143], %broadcast_in_dim3A_13 {strides = array<i32>} : memref<224x64xf32, #tpu.memory_space<vmem>>, vector<16xf32>,
    %swap3A_145 = arith.constant 216 : i32
    %swap3A_146 = arith.index_cast %swap3A_145 : i32 to index
    %swap3A_147 = arith.constant 16 : index
    %swap3A_148 = tpu.vector_load %arg12[%swap3A_146, %swap3A_147] {strides = array<i32>} : memref<224x64xf32, #tpu.memory_space<vmem>>, vector<16xf32>,
    tpu.vector_store %arg12[%swap3A_146, %swap3A_147], %broadcast_in_dim3A_13 {strides = array<i32>} : memref<224x64xf32, #tpu.memory_space<vmem>>, vector<16xf32>,
    %swap3A_149 = arith.constant 216 : i32
    %swap3A_150 = arith.index_cast %swap3A_149 : i32 to index
    %swap3A_151 = arith.constant 32 : index
    %swap3A_152 = tpu.vector_load %arg12[%swap3A_150, %swap3A_151] {strides = array<i32>} : memref<224x64xf32, #tpu.memory_space<vmem>>, vector<16xf32>,
    tpu.vector_store %arg12[%swap3A_150, %swap3A_151], %broadcast_in_dim3A_13 {strides = array<i32>} : memref<224x64xf32, #tpu.memory_space<vmem>>, vector<16xf32>,
    %swap3A_153 = arith.constant 216 : i32
    %swap3A_154 = arith.index_cast %swap3A_153 : i32 to index
    %swap3A_155 = arith.constant 48 : index
    %swap3A_156 = tpu.vector_load %arg12[%swap3A_154, %swap3A_155] {strides = array<i32>} : memref<224x64xf32, #tpu.memory_space<vmem>>, vector<16xf32>,
    tpu.vector_store %arg12[%swap3A_154, %swap3A_155], %broadcast_in_dim3A_13 {strides = array<i32>} : memref<224x64xf32, #tpu.memory_space<vmem>>, vector<16xf32>,
    %swap3A_157 = arith.constant 217 : i32
    %swap3A_158 = arith.index_cast %swap3A_157 : i32 to index
    %swap3A_159 = arith.constant 0 : index
    %swap3A_160 = tpu.vector_load %arg12[%swap3A_158, %swap3A_159] {strides = array<i32>} : memref<224x64xf32, #tpu.memory_space<vmem>>, vector<16xf32>,
    tpu.vector_store %arg12[%swap3A_158, %swap3A_159], %broadcast_in_dim3A_13 {strides = array<i32>} : memref<224x64xf32, #tpu.memory_space<vmem>>, vector<16xf32>,
    %swap3A_161 = arith.constant 217 : i32
    %swap3A_162 = arith.index_cast %swap3A_161 : i32 to index
    %swap3A_163 = arith.constant 16 : index
    %swap3A_164 = tpu.vector_load %arg12[%swap3A_162, %swap3A_163] {strides = array<i32>} : memref<224x64xf32, #tpu.memory_space<vmem>>, vector<16xf32>,
    tpu.vector_store %arg12[%swap3A_162, %swap3A_163], %broadcast_in_dim3A_13 {strides = array<i32>} : memref<224x64xf32, #tpu.memory_space<vmem>>, vector<16xf32>,
    %swap3A_165 = arith.constant 217 : i32
    %swap3A_166 = arith.index_cast %swap3A_165 : i32 to index
    %swap3A_167 = arith.constant 32 : index
    %swap3A_168 = tpu.vector_load %arg12[%swap3A_166, %swap3A_167] {strides = array<i32>} : memref<224x64xf32, #tpu.memory_space<vmem>>, vector<16xf32>,
    tpu.vector_store %arg12[%swap3A_166, %swap3A_167], %broadcast_in_dim3A_13 {strides = array<i32>} : memref<224x64xf32, #tpu.memory_space<vmem>>, vector<16xf32>,
    %swap3A_169 = arith.constant 217 : i32
    %swap3A_170 = arith.index_cast %swap3A_169 : i32 to index
    %swap3A_171 = arith.constant 48 : index
    %swap3A_172 = tpu.vector_load %arg12[%swap3A_170, %swap3A_171] {strides = array<i32>} : memref<224x64xf32, #tpu.memory_space<vmem>>, vector<16xf32>,
    tpu.vector_store %arg12[%swap3A_170, %swap3A_171], %broadcast_in_dim3A_13 {strides = array<i32>} : memref<224x64xf32, #tpu.memory_space<vmem>>, vector<16xf32>,
    %swap3A_173 = arith.constant 218 : i32
    %swap3A_174 = arith.index_cast %swap3A_173 : i32 to index
    %swap3A_175 = arith.constant 0 : index
    %swap3A_176 = tpu.vector_load %arg12[%swap3A_174, %swap3A_175] {strides = array<i32>} : memref<224x64xf32, #tpu.memory_space<vmem>>, vector<16xf32>,
    tpu.vector_store %arg12[%swap3A_174, %swap3A_175], %broadcast_in_dim3A_13 {strides = array<i32>} : memref<224x64xf32, #tpu.memory_space<vmem>>, vector<16xf32>,
    %swap3A_177 = arith.constant 218 : i32
    %swap3A_178 = arith.index_cast %swap3A_177 : i32 to index
    %swap3A_179 = arith.constant 16 : index
    %swap3A_180 = tpu.vector_load %arg12[%swap3A_178, %swap3A_179] {strides = array<i32>} : memref<224x64xf32, #tpu.memory_space<vmem>>, vector<16xf32>,
    tpu.vector_store %arg12[%swap3A_178, %swap3A_179], %broadcast_in_dim3A_13 {strides = array<i32>} : memref<224x64xf32, #tpu.memory_space<vmem>>, vector<16xf32>,
    %swap3A_181 = arith.constant 218 : i32
    %swap3A_182 = arith.index_cast %swap3A_181 : i32 to index
    %swap3A_183 = arith.constant 32 : index
    %swap3A_184 = tpu.vector_load %arg12[%swap3A_182, %swap3A_183] {strides = array<i32>} : memref<224x64xf32, #tpu.memory_space<vmem>>, vector<16xf32>,
    tpu.vector_store %arg12[%swap3A_182, %swap3A_183], %broadcast_in_dim3A_13 {strides = array<i32>} : memref<224x64xf32, #tpu.memory_space<vmem>>, vector<16xf32>,
    %swap3A_185 = arith.constant 218 : i32
    %swap3A_186 = arith.index_cast %swap3A_185 : i32 to index
    %swap3A_187 = arith.constant 48 : index
    %swap3A_188 = tpu.vector_load %arg12[%swap3A_186, %swap3A_187] {strides = array<i32>} : memref<224x64xf32, #tpu.memory_space<vmem>>, vector<16xf32>,
    tpu.vector_store %arg12[%swap3A_186, %swap3A_187], %broadcast_in_dim3A_13 {strides = array<i32>} : memref<224x64xf32, #tpu.memory_space<vmem>>, vector<16xf32>,
    %swap3A_189 = arith.constant 219 : i32
    %swap3A_190 = arith.index_cast %swap3A_189 : i32 to index
    %swap3A_191 = arith.constant 0 : index
    %swap3A_192 = tpu.vector_load %arg12[%swap3A_190, %swap3A_191] {strides = array<i32>} : memref<224x64xf32, #tpu.memory_space<vmem>>, vector<16xf32>,
    tpu.vector_store %arg12[%swap3A_190, %swap3A_191], %broadcast_in_dim3A_13 {strides = array<i32>} : memref<224x64xf32, #tpu.memory_space<vmem>>, vector<16xf32>,
    %swap3A_193 = arith.constant 219 : i32
    %swap3A_194 = arith.index_cast %swap3A_193 : i32 to index
    %swap3A_195 = arith.constant 16 : index
    %swap3A_196 = tpu.vector_load %arg12[%swap3A_194, %swap3A_195] {strides = array<i32>} : memref<224x64xf32, #tpu.memory_space<vmem>>, vector<16xf32>,
    tpu.vector_store %arg12[%swap3A_194, %swap3A_195], %broadcast_in_dim3A_13 {strides = array<i32>} : memref<224x64xf32, #tpu.memory_space<vmem>>, vector<16xf32>,
    %swap3A_197 = arith.constant 219 : i32
    %swap3A_198 = arith.index_cast %swap3A_197 : i32 to index
    %swap3A_199 = arith.constant 32 : index
    %swap3A_200 = tpu.vector_load %arg12[%swap3A_198, %swap3A_199] {strides = array<i32>} : memref<224x64xf32, #tpu.memory_space<vmem>>, vector<16xf32>,
    tpu.vector_store %arg12[%swap3A_198, %swap3A_199], %broadcast_in_dim3A_13 {strides = array<i32>} : memref<224x64xf32, #tpu.memory_space<vmem>>, vector<16xf32>,
    %swap3A_201 = arith.constant 219 : i32
    %swap3A_202 = arith.index_cast %swap3A_201 : i32 to index
    %swap3A_203 = arith.constant 48 : index
    %swap3A_204 = tpu.vector_load %arg12[%swap3A_202, %swap3A_203] {strides = array<i32>} : memref<224x64xf32, #tpu.memory_space<vmem>>, vector<16xf32>,
    tpu.vector_store %arg12[%swap3A_202, %swap3A_203], %broadcast_in_dim3A_13 {strides = array<i32>} : memref<224x64xf32, #tpu.memory_space<vmem>>, vector<16xf32>,
    %swap3A_205 = arith.constant 220 : i32
    %swap3A_206 = arith.index_cast %swap3A_205 : i32 to index
    %swap3A_207 = arith.constant 0 : index
    %swap3A_208 = tpu.vector_load %arg12[%swap3A_206, %swap3A_207] {strides = array<i32>} : memref<224x64xf32, #tpu.memory_space<vmem>>, vector<16xf32>,
    tpu.vector_store %arg12[%swap3A_206, %swap3A_207], %broadcast_in_dim3A_13 {strides = array<i32>} : memref<224x64xf32, #tpu.memory_space<vmem>>, vector<16xf32>,
    %swap3A_209 = arith.constant 220 : i32
    %swap3A_210 = arith.index_cast %swap3A_209 : i32 to index
    %swap3A_211 = arith.constant 16 : index
    %swap3A_212 = tpu.vector_load %arg12[%swap3A_210, %swap3A_211] {strides = array<i32>} : memref<224x64xf32, #tpu.memory_space<vmem>>, vector<16xf32>,
    tpu.vector_store %arg12[%swap3A_210, %swap3A_211], %broadcast_in_dim3A_13 {strides = array<i32>} : memref<224x64xf32, #tpu.memory_space<vmem>>, vector<16xf32>,
    %swap3A_213 = arith.constant 220 : i32
    %swap3A_214 = arith.index_cast %swap3A_213 : i32 to index
    %swap3A_215 = arith.constant 32 : index
    %swap3A_216 = tpu.vector_load %arg12[%swap3A_214, %swap3A_215] {strides = array<i32>} : memref<224x64xf32, #tpu.memory_space<vmem>>, vector<16xf32>,
    tpu.vector_store %arg12[%swap3A_214, %swap3A_215], %broadcast_in_dim3A_13 {strides = array<i32>} : memref<224x64xf32, #tpu.memory_space<vmem>>, vector<16xf32>,
    %swap3A_217 = arith.constant 220 : i32
    %swap3A_218 = arith.index_cast %swap3A_217 : i32 to index
    %swap3A_219 = arith.constant 48 : index
    %swap3A_220 = tpu.vector_load %arg12[%swap3A_218, %swap3A_219] {strides = array<i32>} : memref<224x64xf32, #tpu.memory_space<vmem>>, vector<16xf32>,
    tpu.vector_store %arg12[%swap3A_218, %swap3A_219], %broadcast_in_dim3A_13 {strides = array<i32>} : memref<224x64xf32, #tpu.memory_space<vmem>>, vector<16xf32>,
    %swap3A_221 = arith.constant 221 : i32
    %swap3A_222 = arith.index_cast %swap3A_221 : i32 to index
    %swap3A_223 = arith.constant 0 : index
    %swap3A_224 = tpu.vector_load %arg12[%swap3A_222, %swap3A_223] {strides = array<i32>} : memref<224x64xf32, #tpu.memory_space<vmem>>, vector<16xf32>,
    tpu.vector_store %arg12[%swap3A_222, %swap3A_223], %broadcast_in_dim3A_13 {strides = array<i32>} : memref<224x64xf32, #tpu.memory_space<vmem>>, vector<16xf32>,
    %swap3A_225 = arith.constant 221 : i32
    %swap3A_226 = arith.index_cast %swap3A_225 : i32 to index
    %swap3A_227 = arith.constant 16 : index
    %swap3A_228 = tpu.vector_load %arg12[%swap3A_226, %swap3A_227] {strides = array<i32>} : memref<224x64xf32, #tpu.memory_space<vmem>>, vector<16xf32>,
    tpu.vector_store %arg12[%swap3A_226, %swap3A_227], %broadcast_in_dim3A_13 {strides = array<i32>} : memref<224x64xf32, #tpu.memory_space<vmem>>, vector<16xf32>,
    %swap3A_229 = arith.constant 221 : i32
    %swap3A_230 = arith.index_cast %swap3A_229 : i32 to index
    %swap3A_231 = arith.constant 32 : index
    %swap3A_232 = tpu.vector_load %arg12[%swap3A_230, %swap3A_231] {strides = array<i32>} : memref<224x64xf32, #tpu.memory_space<vmem>>, vector<16xf32>,
    tpu.vector_store %arg12[%swap3A_230, %swap3A_231], %broadcast_in_dim3A_13 {strides = array<i32>} : memref<224x64xf32, #tpu.memory_space<vmem>>, vector<16xf32>,
    %swap3A_233 = arith.constant 221 : i32
    %swap3A_234 = arith.index_cast %swap3A_233 : i32 to index
    %swap3A_235 = arith.constant 48 : index
    %swap3A_236 = tpu.vector_load %arg12[%swap3A_234, %swap3A_235] {strides = array<i32>} : memref<224x64xf32, #tpu.memory_space<vmem>>, vector<16xf32>,
    tpu.vector_store %arg12[%swap3A_234, %swap3A_235], %broadcast_in_dim3A_13 {strides = array<i32>} : memref<224x64xf32, #tpu.memory_space<vmem>>, vector<16xf32>,
    %swap3A_237 = arith.constant 222 : i32
    %swap3A_238 = arith.index_cast %swap3A_237 : i32 to index
    %swap3A_239 = arith.constant 0 : index
    %swap3A_240 = tpu.vector_load %arg12[%swap3A_238, %swap3A_239] {strides = array<i32>} : memref<224x64xf32, #tpu.memory_space<vmem>>, vector<16xf32>,
    tpu.vector_store %arg12[%swap3A_238, %swap3A_239], %broadcast_in_dim3A_13 {strides = array<i32>} : memref<224x64xf32, #tpu.memory_space<vmem>>, vector<16xf32>,
    %swap3A_241 = arith.constant 222 : i32
    %swap3A_242 = arith.index_cast %swap3A_241 : i32 to index
    %swap3A_243 = arith.constant 16 : index
    %swap3A_244 = tpu.vector_load %arg12[%swap3A_242, %swap3A_243] {strides = array<i32>} : memref<224x64xf32, #tpu.memory_space<vmem>>, vector<16xf32>,
    tpu.vector_store %arg12[%swap3A_242, %swap3A_243], %broadcast_in_dim3A_13 {strides = array<i32>} : memref<224x64xf32, #tpu.memory_space<vmem>>, vector<16xf32>,
    %swap3A_245 = arith.constant 222 : i32
    %swap3A_246 = arith.index_cast %swap3A_245 : i32 to index
    %swap3A_247 = arith.constant 32 : index
    %swap3A_248 = tpu.vector_load %arg12[%swap3A_246, %swap3A_247] {strides = array<i32>} : memref<224x64xf32, #tpu.memory_space<vmem>>, vector<16xf32>,
    tpu.vector_store %arg12[%swap3A_246, %swap3A_247], %broadcast_in_dim3A_13 {strides = array<i32>} : memref<224x64xf32, #tpu.memory_space<vmem>>, vector<16xf32>,
    %swap3A_249 = arith.constant 222 : i32
    %swap3A_250 = arith.index_cast %swap3A_249 : i32 to index
    %swap3A_251 = arith.constant 48 : index
    %swap3A_252 = tpu.vector_load %arg12[%swap3A_250, %swap3A_251] {strides = array<i32>} : memref<224x64xf32, #tpu.memory_space<vmem>>, vector<16xf32>,
    tpu.vector_store %arg12[%swap3A_250, %swap3A_251], %broadcast_in_dim3A_13 {strides = array<i32>} : memref<224x64xf32, #tpu.memory_space<vmem>>, vector<16xf32>,
    %swap3A_253 = arith.constant 223 : i32
    %swap3A_254 = arith.index_cast %swap3A_253 : i32 to index
    %swap3A_255 = arith.constant 0 : index
    %swap3A_256 = tpu.vector_load %arg12[%swap3A_254, %swap3A_255] {strides = array<i32>} : memref<224x64xf32, #tpu.memory_space<vmem>>, vector<16xf32>,
    tpu.vector_store %arg12[%swap3A_254, %swap3A_255], %broadcast_in_dim3A_13 {strides = array<i32>} : memref<224x64xf32, #tpu.memory_space<vmem>>, vector<16xf32>,
    %swap3A_257 = arith.constant 223 : i32
    %swap3A_258 = arith.index_cast %swap3A_257 : i32 to index
    %swap3A_259 = arith.constant 16 : index
    %swap3A_260 = tpu.vector_load %arg12[%swap3A_258, %swap3A_259] {strides = array<i32>} : memref<224x64xf32, #tpu.memory_space<vmem>>, vector<16xf32>,
    tpu.vector_store %arg12[%swap3A_258, %swap3A_259], %broadcast_in_dim3A_13 {strides = array<i32>} : memref<224x64xf32, #tpu.memory_space<vmem>>, vector<16xf32>,
    %swap3A_261 = arith.constant 223 : i32
    %swap3A_262 = arith.index_cast %swap3A_261 : i32 to index
    %swap3A_263 = arith.constant 32 : index
    %swap3A_264 = tpu.vector_load %arg12[%swap3A_262, %swap3A_263] {strides = array<i32>} : memref<224x64xf32, #tpu.memory_space<vmem>>, vector<16xf32>,
    tpu.vector_store %arg12[%swap3A_262, %swap3A_263], %broadcast_in_dim3A_13 {strides = array<i32>} : memref<224x64xf32, #tpu.memory_space<vmem>>, vector<16xf32>,
    %swap3A_265 = arith.constant 223 : i32
    %swap3A_266 = arith.index_cast %swap3A_265 : i32 to index
    %swap3A_267 = arith.constant 48 : index
    %swap3A_268 = tpu.vector_load %arg12[%swap3A_266, %swap3A_267] {strides = array<i32>} : memref<224x64xf32, #tpu.memory_space<vmem>>, vector<16xf32>,
    tpu.vector_store %arg12[%swap3A_266, %swap3A_267], %broadcast_in_dim3A_13 {strides = array<i32>} : memref<224x64xf32, #tpu.memory_space<vmem>>, vector<16xf32>,
    %iota3A_269 = tpu.iota {dimensions = array<i32: 0>} : vector<16xi32>
    %xor3A = arith.constant 1 : i32
    %xor3A_270 = vector.broadcast %xor3A : i32 to vector<16xi32>
    %xor3A_271 = arith.xori %iota3A_269, %xor3A_270 : vector<16xi32>
    %iota3A_272 = tpu.iota {dimensions = array<i32: 0>} : vector<16xi32>
    %xor3A_273 = arith.constant 2 : i32
    %xor3A_274 = vector.broadcast %xor3A_273 : i32 to vector<16xi32>
    %xor3A_275 = arith.xori %iota3A_272, %xor3A_274 : vector<16xi32>
    %iota3A_276 = tpu.iota {dimensions = array<i32: 0>} : vector<16xi32>
    %xor3A_277 = arith.constant 4 : i32
    %xor3A_278 = vector.broadcast %xor3A_277 : i32 to vector<16xi32>
    %xor3A_279 = arith.xori %iota3A_276, %xor3A_278 : vector<16xi32>
    %iota3A_280 = tpu.iota {dimensions = array<i32: 0>} : vector<16xi32>
    %xor3A_281 = arith.constant 8 : i32
    %xor3A_282 = vector.broadcast %xor3A_281 : i32 to vector<16xi32>
    %xor3A_283 = arith.xori %iota3A_280, %xor3A_282 : vector<16xi32>
    %dma_start3A_284 = arith.constant 0 : i32
    %dma_start3A_285 = arith.constant 0 : i32
    %dma_start3A_286 = arith.constant 0 : i32
    %dma_start3A_287 = tpu.memref_slice %arg11[%dma_start3A_285, %dma_start3A_286] : memref<224x64xf32, #tpu.memory_space<vmem>> -> memref<216x64xf32, #tpu.memory_space<vmem>>
    %dma_start3A_288 = arith.constant 0 : i32
    %dma_start3A_289 = tpu.memref_slice %arg8[%dma_start3A_284, %dma_start3A_288] : memref<128x216xi32, #tpu.memory_space<vmem>> -> memref<1x216xi32, #tpu.memory_space<vmem>>
    %dma_start3A_290 = tpu.memref_squeeze %dma_start3A_289 : memref<1x216xi32, #tpu.memory_space<vmem>> -> memref<216xi32, #tpu.memory_space<vmem>>
    %dma_start3A_291 = arith.constant 0 : i32
    %dma_start3A_292 = arith.constant 0 : i32
    %dma_start3A_293 = tpu.memref_slice %arg2[%dma_start3A_291, %dma_start3A_292] : memref<1000000x64xf32, #tpu.memory_space<hbm>> -> memref<1000000x64xf32, #tpu.memory_space<hbm>>
    tpu.enqueue_indirect_dma source(%dma_start3A_293 : memref<1000000x64xf32, #tpu.memory_space<hbm>>) target(%dma_start3A_287 : memref<216x64xf32, #tpu.memory_space<vmem>>) offsets(%dma_start3A_290 : memref<216xi32, #tpu.memory_space<vmem>>) semaphore(%arg15 : memref<!tpu.dma_semaphore, #tpu.memory_space<semaphore_mem>>)
    %dma_start3A_294 = arith.constant 1 : i32
    %dma_start3A_295 = arith.constant 0 : i32
    %dma_start3A_296 = arith.constant 0 : i32
    %dma_start3A_297 = tpu.memref_slice %arg12[%dma_start3A_295, %dma_start3A_296] : memref<224x64xf32, #tpu.memory_space<vmem>> -> memref<216x64xf32, #tpu.memory_space<vmem>>
    %dma_start3A_298 = arith.constant 0 : i32
    %dma_start3A_299 = tpu.memref_slice %arg8[%dma_start3A_294, %dma_start3A_298] : memref<128x216xi32, #tpu.memory_space<vmem>> -> memref<1x216xi32, #tpu.memory_space<vmem>>
    %dma_start3A_300 = tpu.memref_squeeze %dma_start3A_299 : memref<1x216xi32, #tpu.memory_space<vmem>> -> memref<216xi32, #tpu.memory_space<vmem>>
    %dma_start3A_301 = arith.constant 0 : i32
    %dma_start3A_302 = arith.constant 0 : i32
    %dma_start3A_303 = tpu.memref_slice %arg2[%dma_start3A_301, %dma_start3A_302] : memref<1000000x64xf32, #tpu.memory_space<hbm>> -> memref<1000000x64xf32, #tpu.memory_space<hbm>>
    tpu.enqueue_indirect_dma source(%dma_start3A_303 : memref<1000000x64xf32, #tpu.memory_space<hbm>>) target(%dma_start3A_297 : memref<216x64xf32, #tpu.memory_space<vmem>>) offsets(%dma_start3A_300 : memref<216xi32, #tpu.memory_space<vmem>>) semaphore(%arg16 : memref<!tpu.dma_semaphore, #tpu.memory_space<semaphore_mem>>)
    %scan3A_304 = arith.constant 0 : i32
    %scan3A_305 = arith.constant 64 : i32
    %scan3A_306 = arith.addi %scan3A_304, %scan3A_305 : i32
    %scan3A_307 = arith.constant 1 : i32
    %scan3A_308 = scf.for %scan3A_317 = %scan3A_304 to %scan3A_306 step %scan3A_307 iter_args(%scan3A_318 = %broadcast_in_dim3A_13) -> (vector<16xf32>)  : i32 {
      %mul3A_319 = arith.constant 2 : i32
      %mul3A_320 = arith.muli %scan3A_317, %mul3A_319 : i32
      %add3A_321 = arith.constant 0 : i32
      %add3A_322 = arith.addi %mul3A_320, %add3A_321 : i32
      %dma_wait3A_323 = arith.constant 0 : i32
      %dma_wait3A_324 = arith.constant 0 : i32
      %dma_wait3A_325 = tpu.memref_slice %arg11[%dma_wait3A_323, %dma_wait3A_324] : memref<224x64xf32, #tpu.memory_space<vmem>> -> memref<216x64xf32, #tpu.memory_space<vmem>>
      %dma_wait3A_326 = arith.constant 0 : i32
      %dma_wait3A_327 = tpu.memref_slice %arg8[%add3A_322, %dma_wait3A_326] : memref<128x216xi32, #tpu.memory_space<vmem>> -> memref<1x216xi32, #tpu.memory_space<vmem>>
      %dma_wait3A_328 = tpu.memref_squeeze %dma_wait3A_327 : memref<1x216xi32, #tpu.memory_space<vmem>> -> memref<216xi32, #tpu.memory_space<vmem>>
      %dma_wait3A_329 = arith.constant 0 : i32
      %dma_wait3A_330 = arith.constant 0 : i32
      %dma_wait3A_331 = tpu.memref_slice %arg2[%dma_wait3A_329, %dma_wait3A_330] : memref<1000000x64xf32, #tpu.memory_space<hbm>> -> memref<1000000x64xf32, #tpu.memory_space<hbm>>
      tpu.wait_indirect_dma semaphore(%arg15 : memref<!tpu.dma_semaphore, #tpu.memory_space<semaphore_mem>>) src(%dma_wait3A_331 : memref<1000000x64xf32, #tpu.memory_space<hbm>>) dst(%dma_wait3A_325 : memref<216x64xf32, #tpu.memory_space<vmem>>)
      %get3A = arith.index_cast %add3A_322 : i32 to index
      %get3A_332 = arith.constant 0 : index
      %get3A_333 = tpu.vector_load %arg10[%get3A, %get3A_332] {strides = array<i32>} : memref<128x64xf32, #tpu.memory_space<vmem>>, vector<16xf32>,
      %get3A_334 = arith.index_cast %add3A_322 : i32 to index
      %get3A_335 = arith.constant 16 : index
      %get3A_336 = tpu.vector_load %arg10[%get3A_334, %get3A_335] {strides = array<i32>} : memref<128x64xf32, #tpu.memory_space<vmem>>, vector<16xf32>,
      %get3A_337 = arith.index_cast %add3A_322 : i32 to index
      %get3A_338 = arith.constant 32 : index
      %get3A_339 = tpu.vector_load %arg10[%get3A_337, %get3A_338] {strides = array<i32>} : memref<128x64xf32, #tpu.memory_space<vmem>>, vector<16xf32>,
      %get3A_340 = arith.index_cast %add3A_322 : i32 to index
      %get3A_341 = arith.constant 48 : index
      %get3A_342 = tpu.vector_load %arg10[%get3A_340, %get3A_341] {strides = array<i32>} : memref<128x64xf32, #tpu.memory_space<vmem>>, vector<16xf32>,
      %scan3A_343 = arith.constant 0 : i32
      %scan3A_344 = arith.constant 14 : i32
      %scan3A_345 = arith.addi %scan3A_343, %scan3A_344 : i32
      %scan3A_346 = arith.constant 1 : i32
      %scan3A_347 = scf.for %scan3A_391 = %scan3A_343 to %scan3A_345 step %scan3A_346 iter_args(%scan3A_392 = %scan3A_318) -> (vector<16xf32>)  : i32 {
        %mul3A_393 = arith.constant 16 : i32
        %mul3A_394 = arith.muli %scan3A_391, %mul3A_393 : i32
        %add3A_395 = vector.broadcast %mul3A_394 : i32 to vector<16xi32>
        %add3A_396 = arith.addi %iota3A, %add3A_395 : vector<16xi32>
        %mul3A_397 = arith.constant 16 : i32
        %mul3A_398 = arith.muli %scan3A_391, %mul3A_397 : i32
        %add3A_399 = arith.constant 0 : i32
        %add3A_400 = arith.addi %mul3A_398, %add3A_399 : i32
        %get3A_401 = arith.index_cast %add3A_400 : i32 to index
        %get3A_402 = arith.constant 0 : index
        %get3A_403 = tpu.vector_load %arg11[%get3A_401, %get3A_402] {strides = array<i32>} : memref<224x64xf32, #tpu.memory_space<vmem>>, vector<16xf32>,
        %mul3A_404 = arith.mulf %get3A_403, %get3A_333 : vector<16xf32>
        %get3A_405 = arith.index_cast %add3A_400 : i32 to index
        %get3A_406 = arith.constant 16 : index
        %get3A_407 = tpu.vector_load %arg11[%get3A_405, %get3A_406] {strides = array<i32>} : memref<224x64xf32, #tpu.memory_space<vmem>>, vector<16xf32>,
        %mul3A_408 = arith.mulf %get3A_407, %get3A_336 : vector<16xf32>
        %add3A_409 = arith.addf %mul3A_404, %mul3A_408 : vector<16xf32>
        %get3A_410 = arith.index_cast %add3A_400 : i32 to index
        %get3A_411 = arith.constant 32 : index
        %get3A_412 = tpu.vector_load %arg11[%get3A_410, %get3A_411] {strides = array<i32>} : memref<224x64xf32, #tpu.memory_space<vmem>>, vector<16xf32>,
        %mul3A_413 = arith.mulf %get3A_412, %get3A_339 : vector<16xf32>
        %add3A_414 = arith.addf %add3A_409, %mul3A_413 : vector<16xf32>
        %get3A_415 = arith.index_cast %add3A_400 : i32 to index
        %get3A_416 = arith.constant 48 : index
        %get3A_417 = tpu.vector_load %arg11[%get3A_415, %get3A_416] {strides = array<i32>} : memref<224x64xf32, #tpu.memory_space<vmem>>, vector<16xf32>,
        %mul3A_418 = arith.mulf %get3A_417, %get3A_342 : vector<16xf32>
        %add3A_419 = arith.addf %add3A_414, %mul3A_418 : vector<16xf32>
        %mul3A_420 = arith.constant 16 : i32
        %mul3A_421 = arith.muli %scan3A_391, %mul3A_420 : i32
        %add3A_422 = arith.constant 1 : i32
        %add3A_423 = arith.addi %mul3A_421, %add3A_422 : i32
        %get3A_424 = arith.index_cast %add3A_423 : i32 to index
        %get3A_425 = arith.constant 0 : index
        %get3A_426 = tpu.vector_load %arg11[%get3A_424, %get3A_425] {strides = array<i32>} : memref<224x64xf32, #tpu.memory_space<vmem>>, vector<16xf32>,
        %mul3A_427 = arith.mulf %get3A_426, %get3A_333 : vector<16xf32>
        %get3A_428 = arith.index_cast %add3A_423 : i32 to index
        %get3A_429 = arith.constant 16 : index
        %get3A_430 = tpu.vector_load %arg11[%get3A_428, %get3A_429] {strides = array<i32>} : memref<224x64xf32, #tpu.memory_space<vmem>>, vector<16xf32>,
        %mul3A_431 = arith.mulf %get3A_430, %get3A_336 : vector<16xf32>
        %add3A_432 = arith.addf %mul3A_427, %mul3A_431 : vector<16xf32>
        %get3A_433 = arith.index_cast %add3A_423 : i32 to index
        %get3A_434 = arith.constant 32 : index
        %get3A_435 = tpu.vector_load %arg11[%get3A_433, %get3A_434] {strides = array<i32>} : memref<224x64xf32, #tpu.memory_space<vmem>>, vector<16xf32>,
        %mul3A_436 = arith.mulf %get3A_435, %get3A_339 : vector<16xf32>
        %add3A_437 = arith.addf %add3A_432, %mul3A_436 : vector<16xf32>
        %get3A_438 = arith.index_cast %add3A_423 : i32 to index
        %get3A_439 = arith.constant 48 : index
        %get3A_440 = tpu.vector_load %arg11[%get3A_438, %get3A_439] {strides = array<i32>} : memref<224x64xf32, #tpu.memory_space<vmem>>, vector<16xf32>,
        %mul3A_441 = arith.mulf %get3A_440, %get3A_342 : vector<16xf32>
        %add3A_442 = arith.addf %add3A_437, %mul3A_441 : vector<16xf32>
        %mul3A_443 = arith.constant 16 : i32
        %mul3A_444 = arith.muli %scan3A_391, %mul3A_443 : i32
        %add3A_445 = arith.constant 2 : i32
        %add3A_446 = arith.addi %mul3A_444, %add3A_445 : i32
        %get3A_447 = arith.index_cast %add3A_446 : i32 to index
        %get3A_448 = arith.constant 0 : index
        %get3A_449 = tpu.vector_load %arg11[%get3A_447, %get3A_448] {strides = array<i32>} : memref<224x64xf32, #tpu.memory_space<vmem>>, vector<16xf32>,
        %mul3A_450 = arith.mulf %get3A_449, %get3A_333 : vector<16xf32>
        %get3A_451 = arith.index_cast %add3A_446 : i32 to index
        %get3A_452 = arith.constant 16 : index
        %get3A_453 = tpu.vector_load %arg11[%get3A_451, %get3A_452] {strides = array<i32>} : memref<224x64xf32, #tpu.memory_space<vmem>>, vector<16xf32>,
        %mul3A_454 = arith.mulf %get3A_453, %get3A_336 : vector<16xf32>
        %add3A_455 = arith.addf %mul3A_450, %mul3A_454 : vector<16xf32>
        %get3A_456 = arith.index_cast %add3A_446 : i32 to index
        %get3A_457 = arith.constant 32 : index
        %get3A_458 = tpu.vector_load %arg11[%get3A_456, %get3A_457] {strides = array<i32>} : memref<224x64xf32, #tpu.memory_space<vmem>>, vector<16xf32>,
        %mul3A_459 = arith.mulf %get3A_458, %get3A_339 : vector<16xf32>
        %add3A_460 = arith.addf %add3A_455, %mul3A_459 : vector<16xf32>
        %get3A_461 = arith.index_cast %add3A_446 : i32 to index
        %get3A_462 = arith.constant 48 : index
        %get3A_463 = tpu.vector_load %arg11[%get3A_461, %get3A_462] {strides = array<i32>} : memref<224x64xf32, #tpu.memory_space<vmem>>, vector<16xf32>,
        %mul3A_464 = arith.mulf %get3A_463, %get3A_342 : vector<16xf32>
        %add3A_465 = arith.addf %add3A_460, %mul3A_464 : vector<16xf32>
        %mul3A_466 = arith.constant 16 : i32
        %mul3A_467 = arith.muli %scan3A_391, %mul3A_466 : i32
        %add3A_468 = arith.constant 3 : i32
        %add3A_469 = arith.addi %mul3A_467, %add3A_468 : i32
        %get3A_470 = arith.index_cast %add3A_469 : i32 to index
        %get3A_471 = arith.constant 0 : index
        %get3A_472 = tpu.vector_load %arg11[%get3A_470, %get3A_471] {strides = array<i32>} : memref<224x64xf32, #tpu.memory_space<vmem>>, vector<16xf32>,
        %mul3A_473 = arith.mulf %get3A_472, %get3A_333 : vector<16xf32>
        %get3A_474 = arith.index_cast %add3A_469 : i32 to index
        %get3A_475 = arith.constant 16 : index
        %get3A_476 = tpu.vector_load %arg11[%get3A_474, %get3A_475] {strides = array<i32>} : memref<224x64xf32, #tpu.memory_space<vmem>>, vector<16xf32>,
        %mul3A_477 = arith.mulf %get3A_476, %get3A_336 : vector<16xf32>
        %add3A_478 = arith.addf %mul3A_473, %mul3A_477 : vector<16xf32>
        %get3A_479 = arith.index_cast %add3A_469 : i32 to index
        %get3A_480 = arith.constant 32 : index
        %get3A_481 = tpu.vector_load %arg11[%get3A_479, %get3A_480] {strides = array<i32>} : memref<224x64xf32, #tpu.memory_space<vmem>>, vector<16xf32>,
        %mul3A_482 = arith.mulf %get3A_481, %get3A_339 : vector<16xf32>
        %add3A_483 = arith.addf %add3A_478, %mul3A_482 : vector<16xf32>
        %get3A_484 = arith.index_cast %add3A_469 : i32 to index
        %get3A_485 = arith.constant 48 : index
        %get3A_486 = tpu.vector_load %arg11[%get3A_484, %get3A_485] {strides = array<i32>} : memref<224x64xf32, #tpu.memory_space<vmem>>, vector<16xf32>,
        %mul3A_487 = arith.mulf %get3A_486, %get3A_342 : vector<16xf32>
        %add3A_488 = arith.addf %add3A_483, %mul3A_487 : vector<16xf32>
        %mul3A_489 = arith.constant 16 : i32
        %mul3A_490 = arith.muli %scan3A_391, %mul3A_489 : i32
        %add3A_491 = arith.constant 4 : i32
        %add3A_492 = arith.addi %mul3A_490, %add3A_491 : i32
        %get3A_493 = arith.index_cast %add3A_492 : i32 to index
        %get3A_494 = arith.constant 0 : index
        %get3A_495 = tpu.vector_load %arg11[%get3A_493, %get3A_494] {strides = array<i32>} : memref<224x64xf32, #tpu.memory_space<vmem>>, vector<16xf32>,
        %mul3A_496 = arith.mulf %get3A_495, %get3A_333 : vector<16xf32>
        %get3A_497 = arith.index_cast %add3A_492 : i32 to index
        %get3A_498 = arith.constant 16 : index
        %get3A_499 = tpu.vector_load %arg11[%get3A_497, %get3A_498] {strides = array<i32>} : memref<224x64xf32, #tpu.memory_space<vmem>>, vector<16xf32>,
        %mul3A_500 = arith.mulf %get3A_499, %get3A_336 : vector<16xf32>
        %add3A_501 = arith.addf %mul3A_496, %mul3A_500 : vector<16xf32>
        %get3A_502 = arith.index_cast %add3A_492 : i32 to index
        %get3A_503 = arith.constant 32 : index
        %get3A_504 = tpu.vector_load %arg11[%get3A_502, %get3A_503] {strides = array<i32>} : memref<224x64xf32, #tpu.memory_space<vmem>>, vector<16xf32>,
        %mul3A_505 = arith.mulf %get3A_504, %get3A_339 : vector<16xf32>
        %add3A_506 = arith.addf %add3A_501, %mul3A_505 : vector<16xf32>
        %get3A_507 = arith.index_cast %add3A_492 : i32 to index
        %get3A_508 = arith.constant 48 : index
        %get3A_509 = tpu.vector_load %arg11[%get3A_507, %get3A_508] {strides = array<i32>} : memref<224x64xf32, #tpu.memory_space<vmem>>, vector<16xf32>,
        %mul3A_510 = arith.mulf %get3A_509, %get3A_342 : vector<16xf32>
        %add3A_511 = arith.addf %add3A_506, %mul3A_510 : vector<16xf32>
        %mul3A_512 = arith.constant 16 : i32
        %mul3A_513 = arith.muli %scan3A_391, %mul3A_512 : i32
        %add3A_514 = arith.constant 5 : i32
        %add3A_515 = arith.addi %mul3A_513, %add3A_514 : i32
        %get3A_516 = arith.index_cast %add3A_515 : i32 to index
        %get3A_517 = arith.constant 0 : index
        %get3A_518 = tpu.vector_load %arg11[%get3A_516, %get3A_517] {strides = array<i32>} : memref<224x64xf32, #tpu.memory_space<vmem>>, vector<16xf32>,
        %mul3A_519 = arith.mulf %get3A_518, %get3A_333 : vector<16xf32>
        %get3A_520 = arith.index_cast %add3A_515 : i32 to index
        %get3A_521 = arith.constant 16 : index
        %get3A_522 = tpu.vector_load %arg11[%get3A_520, %get3A_521] {strides = array<i32>} : memref<224x64xf32, #tpu.memory_space<vmem>>, vector<16xf32>,
        %mul3A_523 = arith.mulf %get3A_522, %get3A_336 : vector<16xf32>
        %add3A_524 = arith.addf %mul3A_519, %mul3A_523 : vector<16xf32>
        %get3A_525 = arith.index_cast %add3A_515 : i32 to index
        %get3A_526 = arith.constant 32 : index
        %get3A_527 = tpu.vector_load %arg11[%get3A_525, %get3A_526] {strides = array<i32>} : memref<224x64xf32, #tpu.memory_space<vmem>>, vector<16xf32>,
        %mul3A_528 = arith.mulf %get3A_527, %get3A_339 : vector<16xf32>
        %add3A_529 = arith.addf %add3A_524, %mul3A_528 : vector<16xf32>
        %get3A_530 = arith.index_cast %add3A_515 : i32 to index
        %get3A_531 = arith.constant 48 : index
        %get3A_532 = tpu.vector_load %arg11[%get3A_530, %get3A_531] {strides = array<i32>} : memref<224x64xf32, #tpu.memory_space<vmem>>, vector<16xf32>,
        %mul3A_533 = arith.mulf %get3A_532, %get3A_342 : vector<16xf32>
        %add3A_534 = arith.addf %add3A_529, %mul3A_533 : vector<16xf32>
        %mul3A_535 = arith.constant 16 : i32
        %mul3A_536 = arith.muli %scan3A_391, %mul3A_535 : i32
        %add3A_537 = arith.constant 6 : i32
        %add3A_538 = arith.addi %mul3A_536, %add3A_537 : i32
        %get3A_539 = arith.index_cast %add3A_538 : i32 to index
        %get3A_540 = arith.constant 0 : index
        %get3A_541 = tpu.vector_load %arg11[%get3A_539, %get3A_540] {strides = array<i32>} : memref<224x64xf32, #tpu.memory_space<vmem>>, vector<16xf32>,
        %mul3A_542 = arith.mulf %get3A_541, %get3A_333 : vector<16xf32>
        %get3A_543 = arith.index_cast %add3A_538 : i32 to index
        %get3A_544 = arith.constant 16 : index
        %get3A_545 = tpu.vector_load %arg11[%get3A_543, %get3A_544] {strides = array<i32>} : memref<224x64xf32, #tpu.memory_space<vmem>>, vector<16xf32>,
        %mul3A_546 = arith.mulf %get3A_545, %get3A_336 : vector<16xf32>
        %add3A_547 = arith.addf %mul3A_542, %mul3A_546 : vector<16xf32>
        %get3A_548 = arith.index_cast %add3A_538 : i32 to index
        %get3A_549 = arith.constant 32 : index
        %get3A_550 = tpu.vector_load %arg11[%get3A_548, %get3A_549] {strides = array<i32>} : memref<224x64xf32, #tpu.memory_space<vmem>>, vector<16xf32>,
        %mul3A_551 = arith.mulf %get3A_550, %get3A_339 : vector<16xf32>
        %add3A_552 = arith.addf %add3A_547, %mul3A_551 : vector<16xf32>
        %get3A_553 = arith.index_cast %add3A_538 : i32 to index
        %get3A_554 = arith.constant 48 : index
        %get3A_555 = tpu.vector_load %arg11[%get3A_553, %get3A_554] {strides = array<i32>} : memref<224x64xf32, #tpu.memory_space<vmem>>, vector<16xf32>,
        %mul3A_556 = arith.mulf %get3A_555, %get3A_342 : vector<16xf32>
        %add3A_557 = arith.addf %add3A_552, %mul3A_556 : vector<16xf32>
        %mul3A_558 = arith.constant 16 : i32
        %mul3A_559 = arith.muli %scan3A_391, %mul3A_558 : i32
        %add3A_560 = arith.constant 7 : i32
        %add3A_561 = arith.addi %mul3A_559, %add3A_560 : i32
        %get3A_562 = arith.index_cast %add3A_561 : i32 to index
        %get3A_563 = arith.constant 0 : index
        %get3A_564 = tpu.vector_load %arg11[%get3A_562, %get3A_563] {strides = array<i32>} : memref<224x64xf32, #tpu.memory_space<vmem>>, vector<16xf32>,
        %mul3A_565 = arith.mulf %get3A_564, %get3A_333 : vector<16xf32>
        %get3A_566 = arith.index_cast %add3A_561 : i32 to index
        %get3A_567 = arith.constant 16 : index
        %get3A_568 = tpu.vector_load %arg11[%get3A_566, %get3A_567] {strides = array<i32>} : memref<224x64xf32, #tpu.memory_space<vmem>>, vector<16xf32>,
        %mul3A_569 = arith.mulf %get3A_568, %get3A_336 : vector<16xf32>
        %add3A_570 = arith.addf %mul3A_565, %mul3A_569 : vector<16xf32>
        %get3A_571 = arith.index_cast %add3A_561 : i32 to index
        %get3A_572 = arith.constant 32 : index
        %get3A_573 = tpu.vector_load %arg11[%get3A_571, %get3A_572] {strides = array<i32>} : memref<224x64xf32, #tpu.memory_space<vmem>>, vector<16xf32>,
        %mul3A_574 = arith.mulf %get3A_573, %get3A_339 : vector<16xf32>
        %add3A_575 = arith.addf %add3A_570, %mul3A_574 : vector<16xf32>
        %get3A_576 = arith.index_cast %add3A_561 : i32 to index
        %get3A_577 = arith.constant 48 : index
        %get3A_578 = tpu.vector_load %arg11[%get3A_576, %get3A_577] {strides = array<i32>} : memref<224x64xf32, #tpu.memory_space<vmem>>, vector<16xf32>,
        %mul3A_579 = arith.mulf %get3A_578, %get3A_342 : vector<16xf32>
        %add3A_580 = arith.addf %add3A_575, %mul3A_579 : vector<16xf32>
        %mul3A_581 = arith.constant 16 : i32
        %mul3A_582 = arith.muli %scan3A_391, %mul3A_581 : i32
        %add3A_583 = arith.constant 8 : i32
        %add3A_584 = arith.addi %mul3A_582, %add3A_583 : i32
        %get3A_585 = arith.index_cast %add3A_584 : i32 to index
        %get3A_586 = arith.constant 0 : index
        %get3A_587 = tpu.vector_load %arg11[%get3A_585, %get3A_586] {strides = array<i32>} : memref<224x64xf32, #tpu.memory_space<vmem>>, vector<16xf32>,
        %mul3A_588 = arith.mulf %get3A_587, %get3A_333 : vector<16xf32>
        %get3A_589 = arith.index_cast %add3A_584 : i32 to index
        %get3A_590 = arith.constant 16 : index
        %get3A_591 = tpu.vector_load %arg11[%get3A_589, %get3A_590] {strides = array<i32>} : memref<224x64xf32, #tpu.memory_space<vmem>>, vector<16xf32>,
        %mul3A_592 = arith.mulf %get3A_591, %get3A_336 : vector<16xf32>
        %add3A_593 = arith.addf %mul3A_588, %mul3A_592 : vector<16xf32>
        %get3A_594 = arith.index_cast %add3A_584 : i32 to index
        %get3A_595 = arith.constant 32 : index
        %get3A_596 = tpu.vector_load %arg11[%get3A_594, %get3A_595] {strides = array<i32>} : memref<224x64xf32, #tpu.memory_space<vmem>>, vector<16xf32>,
        %mul3A_597 = arith.mulf %get3A_596, %get3A_339 : vector<16xf32>
        %add3A_598 = arith.addf %add3A_593, %mul3A_597 : vector<16xf32>
        %get3A_599 = arith.index_cast %add3A_584 : i32 to index
        %get3A_600 = arith.constant 48 : index
        %get3A_601 = tpu.vector_load %arg11[%get3A_599, %get3A_600] {strides = array<i32>} : memref<224x64xf32, #tpu.memory_space<vmem>>, vector<16xf32>,
        %mul3A_602 = arith.mulf %get3A_601, %get3A_342 : vector<16xf32>
        %add3A_603 = arith.addf %add3A_598, %mul3A_602 : vector<16xf32>
        %mul3A_604 = arith.constant 16 : i32
        %mul3A_605 = arith.muli %scan3A_391, %mul3A_604 : i32
        %add3A_606 = arith.constant 9 : i32
        %add3A_607 = arith.addi %mul3A_605, %add3A_606 : i32
        %get3A_608 = arith.index_cast %add3A_607 : i32 to index
        %get3A_609 = arith.constant 0 : index
        %get3A_610 = tpu.vector_load %arg11[%get3A_608, %get3A_609] {strides = array<i32>} : memref<224x64xf32, #tpu.memory_space<vmem>>, vector<16xf32>,
        %mul3A_611 = arith.mulf %get3A_610, %get3A_333 : vector<16xf32>
        %get3A_612 = arith.index_cast %add3A_607 : i32 to index
        %get3A_613 = arith.constant 16 : index
        %get3A_614 = tpu.vector_load %arg11[%get3A_612, %get3A_613] {strides = array<i32>} : memref<224x64xf32, #tpu.memory_space<vmem>>, vector<16xf32>,
        %mul3A_615 = arith.mulf %get3A_614, %get3A_336 : vector<16xf32>
        %add3A_616 = arith.addf %mul3A_611, %mul3A_615 : vector<16xf32>
        %get3A_617 = arith.index_cast %add3A_607 : i32 to index
        %get3A_618 = arith.constant 32 : index
        %get3A_619 = tpu.vector_load %arg11[%get3A_617, %get3A_618] {strides = array<i32>} : memref<224x64xf32, #tpu.memory_space<vmem>>, vector<16xf32>,
        %mul3A_620 = arith.mulf %get3A_619, %get3A_339 : vector<16xf32>
        %add3A_621 = arith.addf %add3A_616, %mul3A_620 : vector<16xf32>
        %get3A_622 = arith.index_cast %add3A_607 : i32 to index
        %get3A_623 = arith.constant 48 : index
        %get3A_624 = tpu.vector_load %arg11[%get3A_622, %get3A_623] {strides = array<i32>} : memref<224x64xf32, #tpu.memory_space<vmem>>, vector<16xf32>,
        %mul3A_625 = arith.mulf %get3A_624, %get3A_342 : vector<16xf32>
        %add3A_626 = arith.addf %add3A_621, %mul3A_625 : vector<16xf32>
        %mul3A_627 = arith.constant 16 : i32
        %mul3A_628 = arith.muli %scan3A_391, %mul3A_627 : i32
        %add3A_629 = arith.constant 10 : i32
        %add3A_630 = arith.addi %mul3A_628, %add3A_629 : i32
        %get3A_631 = arith.index_cast %add3A_630 : i32 to index
        %get3A_632 = arith.constant 0 : index
        %get3A_633 = tpu.vector_load %arg11[%get3A_631, %get3A_632] {strides = array<i32>} : memref<224x64xf32, #tpu.memory_space<vmem>>, vector<16xf32>,
        %mul3A_634 = arith.mulf %get3A_633, %get3A_333 : vector<16xf32>
        %get3A_635 = arith.index_cast %add3A_630 : i32 to index
        %get3A_636 = arith.constant 16 : index
        %get3A_637 = tpu.vector_load %arg11[%get3A_635, %get3A_636] {strides = array<i32>} : memref<224x64xf32, #tpu.memory_space<vmem>>, vector<16xf32>,
        %mul3A_638 = arith.mulf %get3A_637, %get3A_336 : vector<16xf32>
        %add3A_639 = arith.addf %mul3A_634, %mul3A_638 : vector<16xf32>
        %get3A_640 = arith.index_cast %add3A_630 : i32 to index
        %get3A_641 = arith.constant 32 : index
        %get3A_642 = tpu.vector_load %arg11[%get3A_640, %get3A_641] {strides = array<i32>} : memref<224x64xf32, #tpu.memory_space<vmem>>, vector<16xf32>,
        %mul3A_643 = arith.mulf %get3A_642, %get3A_339 : vector<16xf32>
        %add3A_644 = arith.addf %add3A_639, %mul3A_643 : vector<16xf32>
        %get3A_645 = arith.index_cast %add3A_630 : i32 to index
        %get3A_646 = arith.constant 48 : index
        %get3A_647 = tpu.vector_load %arg11[%get3A_645, %get3A_646] {strides = array<i32>} : memref<224x64xf32, #tpu.memory_space<vmem>>, vector<16xf32>,
        %mul3A_648 = arith.mulf %get3A_647, %get3A_342 : vector<16xf32>
        %add3A_649 = arith.addf %add3A_644, %mul3A_648 : vector<16xf32>
        %mul3A_650 = arith.constant 16 : i32
        %mul3A_651 = arith.muli %scan3A_391, %mul3A_650 : i32
        %add3A_652 = arith.constant 11 : i32
        %add3A_653 = arith.addi %mul3A_651, %add3A_652 : i32
        %get3A_654 = arith.index_cast %add3A_653 : i32 to index
        %get3A_655 = arith.constant 0 : index
        %get3A_656 = tpu.vector_load %arg11[%get3A_654, %get3A_655] {strides = array<i32>} : memref<224x64xf32, #tpu.memory_space<vmem>>, vector<16xf32>,
        %mul3A_657 = arith.mulf %get3A_656, %get3A_333 : vector<16xf32>
        %get3A_658 = arith.index_cast %add3A_653 : i32 to index
        %get3A_659 = arith.constant 16 : index
        %get3A_660 = tpu.vector_load %arg11[%get3A_658, %get3A_659] {strides = array<i32>} : memref<224x64xf32, #tpu.memory_space<vmem>>, vector<16xf32>,
        %mul3A_661 = arith.mulf %get3A_660, %get3A_336 : vector<16xf32>
        %add3A_662 = arith.addf %mul3A_657, %mul3A_661 : vector<16xf32>
        %get3A_663 = arith.index_cast %add3A_653 : i32 to index
        %get3A_664 = arith.constant 32 : index
        %get3A_665 = tpu.vector_load %arg11[%get3A_663, %get3A_664] {strides = array<i32>} : memref<224x64xf32, #tpu.memory_space<vmem>>, vector<16xf32>,
        %mul3A_666 = arith.mulf %get3A_665, %get3A_339 : vector<16xf32>
        %add3A_667 = arith.addf %add3A_662, %mul3A_666 : vector<16xf32>
        %get3A_668 = arith.index_cast %add3A_653 : i32 to index
        %get3A_669 = arith.constant 48 : index
        %get3A_670 = tpu.vector_load %arg11[%get3A_668, %get3A_669] {strides = array<i32>} : memref<224x64xf32, #tpu.memory_space<vmem>>, vector<16xf32>,
        %mul3A_671 = arith.mulf %get3A_670, %get3A_342 : vector<16xf32>
        %add3A_672 = arith.addf %add3A_667, %mul3A_671 : vector<16xf32>
        %mul3A_673 = arith.constant 16 : i32
        %mul3A_674 = arith.muli %scan3A_391, %mul3A_673 : i32
        %add3A_675 = arith.constant 12 : i32
        %add3A_676 = arith.addi %mul3A_674, %add3A_675 : i32
        %get3A_677 = arith.index_cast %add3A_676 : i32 to index
        %get3A_678 = arith.constant 0 : index
        %get3A_679 = tpu.vector_load %arg11[%get3A_677, %get3A_678] {strides = array<i32>} : memref<224x64xf32, #tpu.memory_space<vmem>>, vector<16xf32>,
        %mul3A_680 = arith.mulf %get3A_679, %get3A_333 : vector<16xf32>
        %get3A_681 = arith.index_cast %add3A_676 : i32 to index
        %get3A_682 = arith.constant 16 : index
        %get3A_683 = tpu.vector_load %arg11[%get3A_681, %get3A_682] {strides = array<i32>} : memref<224x64xf32, #tpu.memory_space<vmem>>, vector<16xf32>,
        %mul3A_684 = arith.mulf %get3A_683, %get3A_336 : vector<16xf32>
        %add3A_685 = arith.addf %mul3A_680, %mul3A_684 : vector<16xf32>
        %get3A_686 = arith.index_cast %add3A_676 : i32 to index
        %get3A_687 = arith.constant 32 : index
        %get3A_688 = tpu.vector_load %arg11[%get3A_686, %get3A_687] {strides = array<i32>} : memref<224x64xf32, #tpu.memory_space<vmem>>, vector<16xf32>,
        %mul3A_689 = arith.mulf %get3A_688, %get3A_339 : vector<16xf32>
        %add3A_690 = arith.addf %add3A_685, %mul3A_689 : vector<16xf32>
        %get3A_691 = arith.index_cast %add3A_676 : i32 to index
        %get3A_692 = arith.constant 48 : index
        %get3A_693 = tpu.vector_load %arg11[%get3A_691, %get3A_692] {strides = array<i32>} : memref<224x64xf32, #tpu.memory_space<vmem>>, vector<16xf32>,
        %mul3A_694 = arith.mulf %get3A_693, %get3A_342 : vector<16xf32>
        %add3A_695 = arith.addf %add3A_690, %mul3A_694 : vector<16xf32>
        %mul3A_696 = arith.constant 16 : i32
        %mul3A_697 = arith.muli %scan3A_391, %mul3A_696 : i32
        %add3A_698 = arith.constant 13 : i32
        %add3A_699 = arith.addi %mul3A_697, %add3A_698 : i32
        %get3A_700 = arith.index_cast %add3A_699 : i32 to index
        %get3A_701 = arith.constant 0 : index
        %get3A_702 = tpu.vector_load %arg11[%get3A_700, %get3A_701] {strides = array<i32>} : memref<224x64xf32, #tpu.memory_space<vmem>>, vector<16xf32>,
        %mul3A_703 = arith.mulf %get3A_702, %get3A_333 : vector<16xf32>
        %get3A_704 = arith.index_cast %add3A_699 : i32 to index
        %get3A_705 = arith.constant 16 : index
        %get3A_706 = tpu.vector_load %arg11[%get3A_704, %get3A_705] {strides = array<i32>} : memref<224x64xf32, #tpu.memory_space<vmem>>, vector<16xf32>,
        %mul3A_707 = arith.mulf %get3A_706, %get3A_336 : vector<16xf32>
        %add3A_708 = arith.addf %mul3A_703, %mul3A_707 : vector<16xf32>
        %get3A_709 = arith.index_cast %add3A_699 : i32 to index
        %get3A_710 = arith.constant 32 : index
        %get3A_711 = tpu.vector_load %arg11[%get3A_709, %get3A_710] {strides = array<i32>} : memref<224x64xf32, #tpu.memory_space<vmem>>, vector<16xf32>,
        %mul3A_712 = arith.mulf %get3A_711, %get3A_339 : vector<16xf32>
        %add3A_713 = arith.addf %add3A_708, %mul3A_712 : vector<16xf32>
        %get3A_714 = arith.index_cast %add3A_699 : i32 to index
        %get3A_715 = arith.constant 48 : index
        %get3A_716 = tpu.vector_load %arg11[%get3A_714, %get3A_715] {strides = array<i32>} : memref<224x64xf32, #tpu.memory_space<vmem>>, vector<16xf32>,
        %mul3A_717 = arith.mulf %get3A_716, %get3A_342 : vector<16xf32>
        %add3A_718 = arith.addf %add3A_713, %mul3A_717 : vector<16xf32>
        %mul3A_719 = arith.constant 16 : i32
        %mul3A_720 = arith.muli %scan3A_391, %mul3A_719 : i32
        %add3A_721 = arith.constant 14 : i32
        %add3A_722 = arith.addi %mul3A_720, %add3A_721 : i32
        %get3A_723 = arith.index_cast %add3A_722 : i32 to index
        %get3A_724 = arith.constant 0 : index
        %get3A_725 = tpu.vector_load %arg11[%get3A_723, %get3A_724] {strides = array<i32>} : memref<224x64xf32, #tpu.memory_space<vmem>>, vector<16xf32>,
        %mul3A_726 = arith.mulf %get3A_725, %get3A_333 : vector<16xf32>
        %get3A_727 = arith.index_cast %add3A_722 : i32 to index
        %get3A_728 = arith.constant 16 : index
        %get3A_729 = tpu.vector_load %arg11[%get3A_727, %get3A_728] {strides = array<i32>} : memref<224x64xf32, #tpu.memory_space<vmem>>, vector<16xf32>,
        %mul3A_730 = arith.mulf %get3A_729, %get3A_336 : vector<16xf32>
        %add3A_731 = arith.addf %mul3A_726, %mul3A_730 : vector<16xf32>
        %get3A_732 = arith.index_cast %add3A_722 : i32 to index
        %get3A_733 = arith.constant 32 : index
        %get3A_734 = tpu.vector_load %arg11[%get3A_732, %get3A_733] {strides = array<i32>} : memref<224x64xf32, #tpu.memory_space<vmem>>, vector<16xf32>,
        %mul3A_735 = arith.mulf %get3A_734, %get3A_339 : vector<16xf32>
        %add3A_736 = arith.addf %add3A_731, %mul3A_735 : vector<16xf32>
        %get3A_737 = arith.index_cast %add3A_722 : i32 to index
        %get3A_738 = arith.constant 48 : index
        %get3A_739 = tpu.vector_load %arg11[%get3A_737, %get3A_738] {strides = array<i32>} : memref<224x64xf32, #tpu.memory_space<vmem>>, vector<16xf32>,
        %mul3A_740 = arith.mulf %get3A_739, %get3A_342 : vector<16xf32>
        %add3A_741 = arith.addf %add3A_736, %mul3A_740 : vector<16xf32>
        %mul3A_742 = arith.constant 16 : i32
        %mul3A_743 = arith.muli %scan3A_391, %mul3A_742 : i32
        %add3A_744 = arith.constant 15 : i32
        %add3A_745 = arith.addi %mul3A_743, %add3A_744 : i32
        %get3A_746 = arith.index_cast %add3A_745 : i32 to index
        %get3A_747 = arith.constant 0 : index
        %get3A_748 = tpu.vector_load %arg11[%get3A_746, %get3A_747] {strides = array<i32>} : memref<224x64xf32, #tpu.memory_space<vmem>>, vector<16xf32>,
        %mul3A_749 = arith.mulf %get3A_748, %get3A_333 : vector<16xf32>
        %get3A_750 = arith.index_cast %add3A_745 : i32 to index
        %get3A_751 = arith.constant 16 : index
        %get3A_752 = tpu.vector_load %arg11[%get3A_750, %get3A_751] {strides = array<i32>} : memref<224x64xf32, #tpu.memory_space<vmem>>, vector<16xf32>,
        %mul3A_753 = arith.mulf %get3A_752, %get3A_336 : vector<16xf32>
        %add3A_754 = arith.addf %mul3A_749, %mul3A_753 : vector<16xf32>
        %get3A_755 = arith.index_cast %add3A_745 : i32 to index
        %get3A_756 = arith.constant 32 : index
        %get3A_757 = tpu.vector_load %arg11[%get3A_755, %get3A_756] {strides = array<i32>} : memref<224x64xf32, #tpu.memory_space<vmem>>, vector<16xf32>,
        %mul3A_758 = arith.mulf %get3A_757, %get3A_339 : vector<16xf32>
        %add3A_759 = arith.addf %add3A_754, %mul3A_758 : vector<16xf32>
        %get3A_760 = arith.index_cast %add3A_745 : i32 to index
        %get3A_761 = arith.constant 48 : index
        %get3A_762 = tpu.vector_load %arg11[%get3A_760, %get3A_761] {strides = array<i32>} : memref<224x64xf32, #tpu.memory_space<vmem>>, vector<16xf32>,
        %mul3A_763 = arith.mulf %get3A_762, %get3A_342 : vector<16xf32>
        %add3A_764 = arith.addf %add3A_759, %mul3A_763 : vector<16xf32>
        %and3A = arith.constant 1 : i32
        %and3A_765 = vector.broadcast %and3A : i32 to vector<16xi32>
        %and3A_766 = arith.andi %iota3A, %and3A_765 : vector<16xi32>
        %eq3A = arith.constant 0 : i32
        %eq3A_767 = vector.broadcast %eq3A : i32 to vector<16xi32>
        %eq3A_768 = arith.cmpi eq, %and3A_766, %eq3A_767 : vector<16xi32>
        %broadcast_in_dim3A_769 = vector.shape_cast %xor3A_271 : vector<16xi32> to vector<16x1xi32>
        %gather3A = vector.shape_cast %broadcast_in_dim3A_769 : vector<16x1xi32> to vector<16xi32>
        %gather3A_770 = tpu.dynamic_gather %add3A_419[%gather3A] in [0] : vector<16xf32>, vector<16xi32> -> vector<16xf32>
        %add3A_771 = arith.addf %add3A_419, %gather3A_770 : vector<16xf32>
        %broadcast_in_dim3A_772 = vector.shape_cast %xor3A_271 : vector<16xi32> to vector<16x1xi32>
        %gather3A_773 = vector.shape_cast %broadcast_in_dim3A_772 : vector<16x1xi32> to vector<16xi32>
        %gather3A_774 = tpu.dynamic_gather %add3A_442[%gather3A_773] in [0] : vector<16xf32>, vector<16xi32> -> vector<16xf32>
        %add3A_775 = arith.addf %add3A_442, %gather3A_774 : vector<16xf32>
        %select_n3A = arith.select %eq3A_768, %add3A_771, %add3A_775 : vector<16xi1>, vector<16xf32>
        %broadcast_in_dim3A_776 = vector.shape_cast %xor3A_271 : vector<16xi32> to vector<16x1xi32>
        %gather3A_777 = vector.shape_cast %broadcast_in_dim3A_776 : vector<16x1xi32> to vector<16xi32>
        %gather3A_778 = tpu.dynamic_gather %add3A_465[%gather3A_777] in [0] : vector<16xf32>, vector<16xi32> -> vector<16xf32>
        %add3A_779 = arith.addf %add3A_465, %gather3A_778 : vector<16xf32>
        %broadcast_in_dim3A_780 = vector.shape_cast %xor3A_271 : vector<16xi32> to vector<16x1xi32>
        %gather3A_781 = vector.shape_cast %broadcast_in_dim3A_780 : vector<16x1xi32> to vector<16xi32>
        %gather3A_782 = tpu.dynamic_gather %add3A_488[%gather3A_781] in [0] : vector<16xf32>, vector<16xi32> -> vector<16xf32>
        %add3A_783 = arith.addf %add3A_488, %gather3A_782 : vector<16xf32>
        %select_n3A_784 = arith.select %eq3A_768, %add3A_779, %add3A_783 : vector<16xi1>, vector<16xf32>
        %broadcast_in_dim3A_785 = vector.shape_cast %xor3A_271 : vector<16xi32> to vector<16x1xi32>
        %gather3A_786 = vector.shape_cast %broadcast_in_dim3A_785 : vector<16x1xi32> to vector<16xi32>
        %gather3A_787 = tpu.dynamic_gather %add3A_511[%gather3A_786] in [0] : vector<16xf32>, vector<16xi32> -> vector<16xf32>
        %add3A_788 = arith.addf %add3A_511, %gather3A_787 : vector<16xf32>
        %broadcast_in_dim3A_789 = vector.shape_cast %xor3A_271 : vector<16xi32> to vector<16x1xi32>
        %gather3A_790 = vector.shape_cast %broadcast_in_dim3A_789 : vector<16x1xi32> to vector<16xi32>
        %gather3A_791 = tpu.dynamic_gather %add3A_534[%gather3A_790] in [0] : vector<16xf32>, vector<16xi32> -> vector<16xf32>
        %add3A_792 = arith.addf %add3A_534, %gather3A_791 : vector<16xf32>
        %select_n3A_793 = arith.select %eq3A_768, %add3A_788, %add3A_792 : vector<16xi1>, vector<16xf32>
        %broadcast_in_dim3A_794 = vector.shape_cast %xor3A_271 : vector<16xi32> to vector<16x1xi32>
        %gather3A_795 = vector.shape_cast %broadcast_in_dim3A_794 : vector<16x1xi32> to vector<16xi32>
        %gather3A_796 = tpu.dynamic_gather %add3A_557[%gather3A_795] in [0] : vector<16xf32>, vector<16xi32> -> vector<16xf32>
        %add3A_797 = arith.addf %add3A_557, %gather3A_796 : vector<16xf32>
        %broadcast_in_dim3A_798 = vector.shape_cast %xor3A_271 : vector<16xi32> to vector<16x1xi32>
        %gather3A_799 = vector.shape_cast %broadcast_in_dim3A_798 : vector<16x1xi32> to vector<16xi32>
        %gather3A_800 = tpu.dynamic_gather %add3A_580[%gather3A_799] in [0] : vector<16xf32>, vector<16xi32> -> vector<16xf32>
        %add3A_801 = arith.addf %add3A_580, %gather3A_800 : vector<16xf32>
        %select_n3A_802 = arith.select %eq3A_768, %add3A_797, %add3A_801 : vector<16xi1>, vector<16xf32>
        %broadcast_in_dim3A_803 = vector.shape_cast %xor3A_271 : vector<16xi32> to vector<16x1xi32>
        %gather3A_804 = vector.shape_cast %broadcast_in_dim3A_803 : vector<16x1xi32> to vector<16xi32>
        %gather3A_805 = tpu.dynamic_gather %add3A_603[%gather3A_804] in [0] : vector<16xf32>, vector<16xi32> -> vector<16xf32>
        %add3A_806 = arith.addf %add3A_603, %gather3A_805 : vector<16xf32>
        %broadcast_in_dim3A_807 = vector.shape_cast %xor3A_271 : vector<16xi32> to vector<16x1xi32>
        %gather3A_808 = vector.shape_cast %broadcast_in_dim3A_807 : vector<16x1xi32> to vector<16xi32>
        %gather3A_809 = tpu.dynamic_gather %add3A_626[%gather3A_808] in [0] : vector<16xf32>, vector<16xi32> -> vector<16xf32>
        %add3A_810 = arith.addf %add3A_626, %gather3A_809 : vector<16xf32>
        %select_n3A_811 = arith.select %eq3A_768, %add3A_806, %add3A_810 : vector<16xi1>, vector<16xf32>
        %broadcast_in_dim3A_812 = vector.shape_cast %xor3A_271 : vector<16xi32> to vector<16x1xi32>
        %gather3A_813 = vector.shape_cast %broadcast_in_dim3A_812 : vector<16x1xi32> to vector<16xi32>
        %gather3A_814 = tpu.dynamic_gather %add3A_649[%gather3A_813] in [0] : vector<16xf32>, vector<16xi32> -> vector<16xf32>
        %add3A_815 = arith.addf %add3A_649, %gather3A_814 : vector<16xf32>
        %broadcast_in_dim3A_816 = vector.shape_cast %xor3A_271 : vector<16xi32> to vector<16x1xi32>
        %gather3A_817 = vector.shape_cast %broadcast_in_dim3A_816 : vector<16x1xi32> to vector<16xi32>
        %gather3A_818 = tpu.dynamic_gather %add3A_672[%gather3A_817] in [0] : vector<16xf32>, vector<16xi32> -> vector<16xf32>
        %add3A_819 = arith.addf %add3A_672, %gather3A_818 : vector<16xf32>
        %select_n3A_820 = arith.select %eq3A_768, %add3A_815, %add3A_819 : vector<16xi1>, vector<16xf32>
        %broadcast_in_dim3A_821 = vector.shape_cast %xor3A_271 : vector<16xi32> to vector<16x1xi32>
        %gather3A_822 = vector.shape_cast %broadcast_in_dim3A_821 : vector<16x1xi32> to vector<16xi32>
        %gather3A_823 = tpu.dynamic_gather %add3A_695[%gather3A_822] in [0] : vector<16xf32>, vector<16xi32> -> vector<16xf32>
        %add3A_824 = arith.addf %add3A_695, %gather3A_823 : vector<16xf32>
        %broadcast_in_dim3A_825 = vector.shape_cast %xor3A_271 : vector<16xi32> to vector<16x1xi32>
        %gather3A_826 = vector.shape_cast %broadcast_in_dim3A_825 : vector<16x1xi32> to vector<16xi32>
        %gather3A_827 = tpu.dynamic_gather %add3A_718[%gather3A_826] in [0] : vector<16xf32>, vector<16xi32> -> vector<16xf32>
        %add3A_828 = arith.addf %add3A_718, %gather3A_827 : vector<16xf32>
        %select_n3A_829 = arith.select %eq3A_768, %add3A_824, %add3A_828 : vector<16xi1>, vector<16xf32>
        %broadcast_in_dim3A_830 = vector.shape_cast %xor3A_271 : vector<16xi32> to vector<16x1xi32>
        %gather3A_831 = vector.shape_cast %broadcast_in_dim3A_830 : vector<16x1xi32> to vector<16xi32>
        %gather3A_832 = tpu.dynamic_gather %add3A_741[%gather3A_831] in [0] : vector<16xf32>, vector<16xi32> -> vector<16xf32>
        %add3A_833 = arith.addf %add3A_741, %gather3A_832 : vector<16xf32>
        %broadcast_in_dim3A_834 = vector.shape_cast %xor3A_271 : vector<16xi32> to vector<16x1xi32>
        %gather3A_835 = vector.shape_cast %broadcast_in_dim3A_834 : vector<16x1xi32> to vector<16xi32>
        %gather3A_836 = tpu.dynamic_gather %add3A_764[%gather3A_835] in [0] : vector<16xf32>, vector<16xi32> -> vector<16xf32>
        %add3A_837 = arith.addf %add3A_764, %gather3A_836 : vector<16xf32>
        %select_n3A_838 = arith.select %eq3A_768, %add3A_833, %add3A_837 : vector<16xi1>, vector<16xf32>
        %and3A_839 = arith.constant 2 : i32
        %and3A_840 = vector.broadcast %and3A_839 : i32 to vector<16xi32>
        %and3A_841 = arith.andi %iota3A, %and3A_840 : vector<16xi32>
        %eq3A_842 = arith.constant 0 : i32
        %eq3A_843 = vector.broadcast %eq3A_842 : i32 to vector<16xi32>
        %eq3A_844 = arith.cmpi eq, %and3A_841, %eq3A_843 : vector<16xi32>
        %broadcast_in_dim3A_845 = vector.shape_cast %xor3A_275 : vector<16xi32> to vector<16x1xi32>
        %gather3A_846 = vector.shape_cast %broadcast_in_dim3A_845 : vector<16x1xi32> to vector<16xi32>
        %gather3A_847 = tpu.dynamic_gather %select_n3A[%gather3A_846] in [0] : vector<16xf32>, vector<16xi32> -> vector<16xf32>
        %add3A_848 = arith.addf %select_n3A, %gather3A_847 : vector<16xf32>
        %broadcast_in_dim3A_849 = vector.shape_cast %xor3A_275 : vector<16xi32> to vector<16x1xi32>
        %gather3A_850 = vector.shape_cast %broadcast_in_dim3A_849 : vector<16x1xi32> to vector<16xi32>
        %gather3A_851 = tpu.dynamic_gather %select_n3A_784[%gather3A_850] in [0] : vector<16xf32>, vector<16xi32> -> vector<16xf32>
        %add3A_852 = arith.addf %select_n3A_784, %gather3A_851 : vector<16xf32>
        %select_n3A_853 = arith.select %eq3A_844, %add3A_848, %add3A_852 : vector<16xi1>, vector<16xf32>
        %broadcast_in_dim3A_854 = vector.shape_cast %xor3A_275 : vector<16xi32> to vector<16x1xi32>
        %gather3A_855 = vector.shape_cast %broadcast_in_dim3A_854 : vector<16x1xi32> to vector<16xi32>
        %gather3A_856 = tpu.dynamic_gather %select_n3A_793[%gather3A_855] in [0] : vector<16xf32>, vector<16xi32> -> vector<16xf32>
        %add3A_857 = arith.addf %select_n3A_793, %gather3A_856 : vector<16xf32>
        %broadcast_in_dim3A_858 = vector.shape_cast %xor3A_275 : vector<16xi32> to vector<16x1xi32>
        %gather3A_859 = vector.shape_cast %broadcast_in_dim3A_858 : vector<16x1xi32> to vector<16xi32>
        %gather3A_860 = tpu.dynamic_gather %select_n3A_802[%gather3A_859] in [0] : vector<16xf32>, vector<16xi32> -> vector<16xf32>
        %add3A_861 = arith.addf %select_n3A_802, %gather3A_860 : vector<16xf32>
        %select_n3A_862 = arith.select %eq3A_844, %add3A_857, %add3A_861 : vector<16xi1>, vector<16xf32>
        %broadcast_in_dim3A_863 = vector.shape_cast %xor3A_275 : vector<16xi32> to vector<16x1xi32>
        %gather3A_864 = vector.shape_cast %broadcast_in_dim3A_863 : vector<16x1xi32> to vector<16xi32>
        %gather3A_865 = tpu.dynamic_gather %select_n3A_811[%gather3A_864] in [0] : vector<16xf32>, vector<16xi32> -> vector<16xf32>
        %add3A_866 = arith.addf %select_n3A_811, %gather3A_865 : vector<16xf32>
        %broadcast_in_dim3A_867 = vector.shape_cast %xor3A_275 : vector<16xi32> to vector<16x1xi32>
        %gather3A_868 = vector.shape_cast %broadcast_in_dim3A_867 : vector<16x1xi32> to vector<16xi32>
        %gather3A_869 = tpu.dynamic_gather %select_n3A_820[%gather3A_868] in [0] : vector<16xf32>, vector<16xi32> -> vector<16xf32>
        %add3A_870 = arith.addf %select_n3A_820, %gather3A_869 : vector<16xf32>
        %select_n3A_871 = arith.select %eq3A_844, %add3A_866, %add3A_870 : vector<16xi1>, vector<16xf32>
        %broadcast_in_dim3A_872 = vector.shape_cast %xor3A_275 : vector<16xi32> to vector<16x1xi32>
        %gather3A_873 = vector.shape_cast %broadcast_in_dim3A_872 : vector<16x1xi32> to vector<16xi32>
        %gather3A_874 = tpu.dynamic_gather %select_n3A_829[%gather3A_873] in [0] : vector<16xf32>, vector<16xi32> -> vector<16xf32>
        %add3A_875 = arith.addf %select_n3A_829, %gather3A_874 : vector<16xf32>
        %broadcast_in_dim3A_876 = vector.shape_cast %xor3A_275 : vector<16xi32> to vector<16x1xi32>
        %gather3A_877 = vector.shape_cast %broadcast_in_dim3A_876 : vector<16x1xi32> to vector<16xi32>
        %gather3A_878 = tpu.dynamic_gather %select_n3A_838[%gather3A_877] in [0] : vector<16xf32>, vector<16xi32> -> vector<16xf32>
        %add3A_879 = arith.addf %select_n3A_838, %gather3A_878 : vector<16xf32>
        %select_n3A_880 = arith.select %eq3A_844, %add3A_875, %add3A_879 : vector<16xi1>, vector<16xf32>
        %and3A_881 = arith.constant 4 : i32
        %and3A_882 = vector.broadcast %and3A_881 : i32 to vector<16xi32>
        %and3A_883 = arith.andi %iota3A, %and3A_882 : vector<16xi32>
        %eq3A_884 = arith.constant 0 : i32
        %eq3A_885 = vector.broadcast %eq3A_884 : i32 to vector<16xi32>
        %eq3A_886 = arith.cmpi eq, %and3A_883, %eq3A_885 : vector<16xi32>
        %broadcast_in_dim3A_887 = vector.shape_cast %xor3A_279 : vector<16xi32> to vector<16x1xi32>
        %gather3A_888 = vector.shape_cast %broadcast_in_dim3A_887 : vector<16x1xi32> to vector<16xi32>
        %gather3A_889 = tpu.dynamic_gather %select_n3A_853[%gather3A_888] in [0] : vector<16xf32>, vector<16xi32> -> vector<16xf32>
        %add3A_890 = arith.addf %select_n3A_853, %gather3A_889 : vector<16xf32>
        %broadcast_in_dim3A_891 = vector.shape_cast %xor3A_279 : vector<16xi32> to vector<16x1xi32>
        %gather3A_892 = vector.shape_cast %broadcast_in_dim3A_891 : vector<16x1xi32> to vector<16xi32>
        %gather3A_893 = tpu.dynamic_gather %select_n3A_862[%gather3A_892] in [0] : vector<16xf32>, vector<16xi32> -> vector<16xf32>
        %add3A_894 = arith.addf %select_n3A_862, %gather3A_893 : vector<16xf32>
        %select_n3A_895 = arith.select %eq3A_886, %add3A_890, %add3A_894 : vector<16xi1>, vector<16xf32>
        %broadcast_in_dim3A_896 = vector.shape_cast %xor3A_279 : vector<16xi32> to vector<16x1xi32>
        %gather3A_897 = vector.shape_cast %broadcast_in_dim3A_896 : vector<16x1xi32> to vector<16xi32>
        %gather3A_898 = tpu.dynamic_gather %select_n3A_871[%gather3A_897] in [0] : vector<16xf32>, vector<16xi32> -> vector<16xf32>
        %add3A_899 = arith.addf %select_n3A_871, %gather3A_898 : vector<16xf32>
        %broadcast_in_dim3A_900 = vector.shape_cast %xor3A_279 : vector<16xi32> to vector<16x1xi32>
        %gather3A_901 = vector.shape_cast %broadcast_in_dim3A_900 : vector<16x1xi32> to vector<16xi32>
        %gather3A_902 = tpu.dynamic_gather %select_n3A_880[%gather3A_901] in [0] : vector<16xf32>, vector<16xi32> -> vector<16xf32>
        %add3A_903 = arith.addf %select_n3A_880, %gather3A_902 : vector<16xf32>
        %select_n3A_904 = arith.select %eq3A_886, %add3A_899, %add3A_903 : vector<16xi1>, vector<16xf32>
        %and3A_905 = arith.constant 8 : i32
        %and3A_906 = vector.broadcast %and3A_905 : i32 to vector<16xi32>
        %and3A_907 = arith.andi %iota3A, %and3A_906 : vector<16xi32>
        %eq3A_908 = arith.constant 0 : i32
        %eq3A_909 = vector.broadcast %eq3A_908 : i32 to vector<16xi32>
        %eq3A_910 = arith.cmpi eq, %and3A_907, %eq3A_909 : vector<16xi32>
        %broadcast_in_dim3A_911 = vector.shape_cast %xor3A_283 : vector<16xi32> to vector<16x1xi32>
        %gather3A_912 = vector.shape_cast %broadcast_in_dim3A_911 : vector<16x1xi32> to vector<16xi32>
        %gather3A_913 = tpu.dynamic_gather %select_n3A_895[%gather3A_912] in [0] : vector<16xf32>, vector<16xi32> -> vector<16xf32>
        %add3A_914 = arith.addf %select_n3A_895, %gather3A_913 : vector<16xf32>
        %broadcast_in_dim3A_915 = vector.shape_cast %xor3A_283 : vector<16xi32> to vector<16x1xi32>
        %gather3A_916 = vector.shape_cast %broadcast_in_dim3A_915 : vector<16x1xi32> to vector<16xi32>
        %gather3A_917 = tpu.dynamic_gather %select_n3A_904[%gather3A_916] in [0] : vector<16xf32>, vector<16xi32> -> vector<16xf32>
        %add3A_918 = arith.addf %select_n3A_904, %gather3A_917 : vector<16xf32>
        %select_n3A_919 = arith.select %eq3A_910, %add3A_914, %add3A_918 : vector<16xi1>, vector<16xf32>
        %lt3A_920 = arith.constant 10 : i32
        %lt3A_921 = vector.broadcast %lt3A_920 : i32 to vector<16xi32>
        %lt3A_922 = arith.cmpi slt, %add3A_396, %lt3A_921 : vector<16xi32>
        %neg3A = arith.constant 0.000000e+00 : f32
        %neg3A_923 = vector.broadcast %neg3A : f32 to vector<16xf32>
        %neg3A_924 = arith.subf %neg3A_923, %select_n3A_919 : vector<16xf32>
        %select_n3A_925 = arith.select %lt3A_922, %neg3A_924, %select_n3A_919 : vector<16xi1>, vector<16xf32>
        %lt3A_926 = arith.constant 210 : i32
        %lt3A_927 = vector.broadcast %lt3A_926 : i32 to vector<16xi32>
        %lt3A_928 = arith.cmpi slt, %add3A_396, %lt3A_927 : vector<16xi32>
        %jit3A = arith.constant 1.000000e-01 : f32
        %jit3A_929 = arith.constant 0.000000e+00 : f32
        %broadcast_in_dim3A_930 = vector.broadcast %jit3A : f32 to vector<16xf32>
        %broadcast_in_dim3A_931 = vector.broadcast %jit3A_929 : f32 to vector<16xf32>
        %select_n3A_932 = arith.select %lt3A_928, %broadcast_in_dim3A_930, %broadcast_in_dim3A_931 : vector<16xi1>, vector<16xf32>
        %abs3A = math.absf %select_n3A_925 : vector<16xf32>
        %neg3A_933 = arith.constant 0.000000e+00 : f32
        %neg3A_934 = vector.broadcast %neg3A_933 : f32 to vector<16xf32>
        %neg3A_935 = arith.subf %neg3A_934, %abs3A : vector<16xf32>
        %exp3A = math.exp %neg3A_935 : vector<16xf32>
        %max3A = arith.constant 0.000000e+00 : f32
        %max3A_936 = vector.broadcast %max3A : f32 to vector<16xf32>
        %max3A_937 = arith.maximumf %select_n3A_925, %max3A_936 : vector<16xf32>
        %add3A_938 = arith.constant 2.000000e+00 : f32
        %add3A_939 = vector.broadcast %add3A_938 : f32 to vector<16xf32>
        %add3A_940 = arith.addf %add3A_939, %exp3A : vector<16xf32>
        %div3A = arith.divf %exp3A, %add3A_940 : vector<16xf32>
        %mul3A_941 = arith.mulf %div3A, %div3A : vector<16xf32>
        %mul3A_942 = arith.constant 0.0909090936 : f32
        %mul3A_943 = vector.broadcast %mul3A_942 : f32 to vector<16xf32>
        %mul3A_944 = arith.mulf %mul3A_941, %mul3A_943 : vector<16xf32>
        %add3A_945 = arith.constant 0.111111112 : f32
        %add3A_946 = vector.broadcast %add3A_945 : f32 to vector<16xf32>
        %add3A_947 = arith.addf %add3A_946, %mul3A_944 : vector<16xf32>
        %mul3A_948 = arith.mulf %mul3A_941, %add3A_947 : vector<16xf32>
        %add3A_949 = arith.constant 0.142857149 : f32
        %add3A_950 = vector.broadcast %add3A_949 : f32 to vector<16xf32>
        %add3A_951 = arith.addf %add3A_950, %mul3A_948 : vector<16xf32>
        %mul3A_952 = arith.mulf %mul3A_941, %add3A_951 : vector<16xf32>
        %add3A_953 = arith.constant 2.000000e-01 : f32
        %add3A_954 = vector.broadcast %add3A_953 : f32 to vector<16xf32>
        %add3A_955 = arith.addf %add3A_954, %mul3A_952 : vector<16xf32>
        %mul3A_956 = arith.mulf %mul3A_941, %add3A_955 : vector<16xf32>
        %add3A_957 = arith.constant 0.333333343 : f32
        %add3A_958 = vector.broadcast %add3A_957 : f32 to vector<16xf32>
        %add3A_959 = arith.addf %add3A_958, %mul3A_956 : vector<16xf32>
        %mul3A_960 = arith.constant 2.000000e+00 : f32
        %mul3A_961 = vector.broadcast %mul3A_960 : f32 to vector<16xf32>
        %mul3A_962 = arith.mulf %mul3A_961, %div3A : vector<16xf32>
        %mul3A_963 = arith.mulf %mul3A_941, %add3A_959 : vector<16xf32>
        %add3A_964 = arith.constant 1.000000e+00 : f32
        %add3A_965 = vector.broadcast %add3A_964 : f32 to vector<16xf32>
        %add3A_966 = arith.addf %add3A_965, %mul3A_963 : vector<16xf32>
        %mul3A_967 = arith.mulf %mul3A_962, %add3A_966 : vector<16xf32>
        %add3A_968 = arith.addf %max3A_937, %mul3A_967 : vector<16xf32>
        %mul3A_969 = arith.mulf %select_n3A_932, %add3A_968 : vector<16xf32>
        %add3A_970 = arith.addf %scan3A_392, %mul3A_969 : vector<16xf32>
        scf.yield %add3A_970 : vector<16xf32>
      }
      %scan3A_348 = arith.constant 14 : i32
      %add3A_349 = arith.constant 2 : i32
      %add3A_350 = arith.addi %add3A_322, %add3A_349 : i32
      %lt3A = arith.constant 128 : i32
      %lt3A_351 = arith.cmpi slt, %add3A_350, %lt3A : i32
      %convert_element_type3A = arith.extui %lt3A_351 : i1 to i32
      %cond3A = arith.constant 0 : i32
      %cond3A_352 = arith.cmpi ne, %convert_element_type3A, %cond3A : i32
      scf.if %cond3A_352 {
        %add3A_391 = arith.constant 2 : i32
        %add3A_392 = arith.addi %add3A_322, %add3A_391 : i32
        %dma_start3A_393 = arith.constant 0 : i32
        %dma_start3A_394 = arith.constant 0 : i32
        %dma_start3A_395 = tpu.memref_slice %arg11[%dma_start3A_393, %dma_start3A_394] : memref<224x64xf32, #tpu.memory_space<vmem>> -> memref<216x64xf32, #tpu.memory_space<vmem>>
        %dma_start3A_396 = arith.constant 0 : i32
        %dma_start3A_397 = tpu.memref_slice %arg8[%add3A_392, %dma_start3A_396] : memref<128x216xi32, #tpu.memory_space<vmem>> -> memref<1x216xi32, #tpu.memory_space<vmem>>
        %dma_start3A_398 = tpu.memref_squeeze %dma_start3A_397 : memref<1x216xi32, #tpu.memory_space<vmem>> -> memref<216xi32, #tpu.memory_space<vmem>>
        %dma_start3A_399 = arith.constant 0 : i32
        %dma_start3A_400 = arith.constant 0 : i32
        %dma_start3A_401 = tpu.memref_slice %arg2[%dma_start3A_399, %dma_start3A_400] : memref<1000000x64xf32, #tpu.memory_space<hbm>> -> memref<1000000x64xf32, #tpu.memory_space<hbm>>
        tpu.enqueue_indirect_dma source(%dma_start3A_401 : memref<1000000x64xf32, #tpu.memory_space<hbm>>) target(%dma_start3A_395 : memref<216x64xf32, #tpu.memory_space<vmem>>) offsets(%dma_start3A_398 : memref<216xi32, #tpu.memory_space<vmem>>) semaphore(%arg15 : memref<!tpu.dma_semaphore, #tpu.memory_space<semaphore_mem>>)
      } else {
      }
      %mul3A_353 = arith.constant 2 : i32
      %mul3A_354 = arith.muli %scan3A_317, %mul3A_353 : i32
      %add3A_355 = arith.constant 1 : i32
      %add3A_356 = arith.addi %mul3A_354, %add3A_355 : i32
      %dma_wait3A_357 = arith.constant 0 : i32
      %dma_wait3A_358 = arith.constant 0 : i32
      %dma_wait3A_359 = tpu.memref_slice %arg12[%dma_wait3A_357, %dma_wait3A_358] : memref<224x64xf32, #tpu.memory_space<vmem>> -> memref<216x64xf32, #tpu.memory_space<vmem>>
      %dma_wait3A_360 = arith.constant 0 : i32
      %dma_wait3A_361 = tpu.memref_slice %arg8[%add3A_356, %dma_wait3A_360] : memref<128x216xi32, #tpu.memory_space<vmem>> -> memref<1x216xi32, #tpu.memory_space<vmem>>
      %dma_wait3A_362 = tpu.memref_squeeze %dma_wait3A_361 : memref<1x216xi32, #tpu.memory_space<vmem>> -> memref<216xi32, #tpu.memory_space<vmem>>
      %dma_wait3A_363 = arith.constant 0 : i32
      %dma_wait3A_364 = arith.constant 0 : i32
      %dma_wait3A_365 = tpu.memref_slice %arg2[%dma_wait3A_363, %dma_wait3A_364] : memref<1000000x64xf32, #tpu.memory_space<hbm>> -> memref<1000000x64xf32, #tpu.memory_space<hbm>>
      tpu.wait_indirect_dma semaphore(%arg16 : memref<!tpu.dma_semaphore, #tpu.memory_space<semaphore_mem>>) src(%dma_wait3A_365 : memref<1000000x64xf32, #tpu.memory_space<hbm>>) dst(%dma_wait3A_359 : memref<216x64xf32, #tpu.memory_space<vmem>>)
      %get3A_366 = arith.index_cast %add3A_356 : i32 to index
      %get3A_367 = arith.constant 0 : index
      %get3A_368 = tpu.vector_load %arg10[%get3A_366, %get3A_367] {strides = array<i32>} : memref<128x64xf32, #tpu.memory_space<vmem>>, vector<16xf32>,
      %get3A_369 = arith.index_cast %add3A_356 : i32 to index
      %get3A_370 = arith.constant 16 : index
      %get3A_371 = tpu.vector_load %arg10[%get3A_369, %get3A_370] {strides = array<i32>} : memref<128x64xf32, #tpu.memory_space<vmem>>, vector<16xf32>,
      %get3A_372 = arith.index_cast %add3A_356 : i32 to index
      %get3A_373 = arith.constant 32 : index
      %get3A_374 = tpu.vector_load %arg10[%get3A_372, %get3A_373] {strides = array<i32>} : memref<128x64xf32, #tpu.memory_space<vmem>>, vector<16xf32>,
      %get3A_375 = arith.index_cast %add3A_356 : i32 to index
      %get3A_376 = arith.constant 48 : index
      %get3A_377 = tpu.vector_load %arg10[%get3A_375, %get3A_376] {strides = array<i32>} : memref<128x64xf32, #tpu.memory_space<vmem>>, vector<16xf32>,
      %scan3A_378 = arith.constant 0 : i32
      %scan3A_379 = arith.constant 14 : i32
      %scan3A_380 = arith.addi %scan3A_378, %scan3A_379 : i32
      %scan3A_381 = arith.constant 1 : i32
      %scan3A_382 = scf.for %scan3A_391 = %scan3A_378 to %scan3A_380 step %scan3A_381 iter_args(%scan3A_392 = %scan3A_347) -> (vector<16xf32>)  : i32 {
        %mul3A_393 = arith.constant 16 : i32
        %mul3A_394 = arith.muli %scan3A_391, %mul3A_393 : i32
        %add3A_395 = vector.broadcast %mul3A_394 : i32 to vector<16xi32>
        %add3A_396 = arith.addi %iota3A, %add3A_395 : vector<16xi32>
        %mul3A_397 = arith.constant 16 : i32
        %mul3A_398 = arith.muli %scan3A_391, %mul3A_397 : i32
        %add3A_399 = arith.constant 0 : i32
        %add3A_400 = arith.addi %mul3A_398, %add3A_399 : i32
        %get3A_401 = arith.index_cast %add3A_400 : i32 to index
        %get3A_402 = arith.constant 0 : index
        %get3A_403 = tpu.vector_load %arg12[%get3A_401, %get3A_402] {strides = array<i32>} : memref<224x64xf32, #tpu.memory_space<vmem>>, vector<16xf32>,
        %mul3A_404 = arith.mulf %get3A_403, %get3A_368 : vector<16xf32>
        %get3A_405 = arith.index_cast %add3A_400 : i32 to index
        %get3A_406 = arith.constant 16 : index
        %get3A_407 = tpu.vector_load %arg12[%get3A_405, %get3A_406] {strides = array<i32>} : memref<224x64xf32, #tpu.memory_space<vmem>>, vector<16xf32>,
        %mul3A_408 = arith.mulf %get3A_407, %get3A_371 : vector<16xf32>
        %add3A_409 = arith.addf %mul3A_404, %mul3A_408 : vector<16xf32>
        %get3A_410 = arith.index_cast %add3A_400 : i32 to index
        %get3A_411 = arith.constant 32 : index
        %get3A_412 = tpu.vector_load %arg12[%get3A_410, %get3A_411] {strides = array<i32>} : memref<224x64xf32, #tpu.memory_space<vmem>>, vector<16xf32>,
        %mul3A_413 = arith.mulf %get3A_412, %get3A_374 : vector<16xf32>
        %add3A_414 = arith.addf %add3A_409, %mul3A_413 : vector<16xf32>
        %get3A_415 = arith.index_cast %add3A_400 : i32 to index
        %get3A_416 = arith.constant 48 : index
        %get3A_417 = tpu.vector_load %arg12[%get3A_415, %get3A_416] {strides = array<i32>} : memref<224x64xf32, #tpu.memory_space<vmem>>, vector<16xf32>,
        %mul3A_418 = arith.mulf %get3A_417, %get3A_377 : vector<16xf32>
        %add3A_419 = arith.addf %add3A_414, %mul3A_418 : vector<16xf32>
        %mul3A_420 = arith.constant 16 : i32
        %mul3A_421 = arith.muli %scan3A_391, %mul3A_420 : i32
        %add3A_422 = arith.constant 1 : i32
        %add3A_423 = arith.addi %mul3A_421, %add3A_422 : i32
        %get3A_424 = arith.index_cast %add3A_423 : i32 to index
        %get3A_425 = arith.constant 0 : index
        %get3A_426 = tpu.vector_load %arg12[%get3A_424, %get3A_425] {strides = array<i32>} : memref<224x64xf32, #tpu.memory_space<vmem>>, vector<16xf32>,
        %mul3A_427 = arith.mulf %get3A_426, %get3A_368 : vector<16xf32>
        %get3A_428 = arith.index_cast %add3A_423 : i32 to index
        %get3A_429 = arith.constant 16 : index
        %get3A_430 = tpu.vector_load %arg12[%get3A_428, %get3A_429] {strides = array<i32>} : memref<224x64xf32, #tpu.memory_space<vmem>>, vector<16xf32>,
        %mul3A_431 = arith.mulf %get3A_430, %get3A_371 : vector<16xf32>
        %add3A_432 = arith.addf %mul3A_427, %mul3A_431 : vector<16xf32>
        %get3A_433 = arith.index_cast %add3A_423 : i32 to index
        %get3A_434 = arith.constant 32 : index
        %get3A_435 = tpu.vector_load %arg12[%get3A_433, %get3A_434] {strides = array<i32>} : memref<224x64xf32, #tpu.memory_space<vmem>>, vector<16xf32>,
        %mul3A_436 = arith.mulf %get3A_435, %get3A_374 : vector<16xf32>
        %add3A_437 = arith.addf %add3A_432, %mul3A_436 : vector<16xf32>
        %get3A_438 = arith.index_cast %add3A_423 : i32 to index
        %get3A_439 = arith.constant 48 : index
        %get3A_440 = tpu.vector_load %arg12[%get3A_438, %get3A_439] {strides = array<i32>} : memref<224x64xf32, #tpu.memory_space<vmem>>, vector<16xf32>,
        %mul3A_441 = arith.mulf %get3A_440, %get3A_377 : vector<16xf32>
        %add3A_442 = arith.addf %add3A_437, %mul3A_441 : vector<16xf32>
        %mul3A_443 = arith.constant 16 : i32
        %mul3A_444 = arith.muli %scan3A_391, %mul3A_443 : i32
        %add3A_445 = arith.constant 2 : i32
        %add3A_446 = arith.addi %mul3A_444, %add3A_445 : i32
        %get3A_447 = arith.index_cast %add3A_446 : i32 to index
        %get3A_448 = arith.constant 0 : index
        %get3A_449 = tpu.vector_load %arg12[%get3A_447, %get3A_448] {strides = array<i32>} : memref<224x64xf32, #tpu.memory_space<vmem>>, vector<16xf32>,
        %mul3A_450 = arith.mulf %get3A_449, %get3A_368 : vector<16xf32>
        %get3A_451 = arith.index_cast %add3A_446 : i32 to index
        %get3A_452 = arith.constant 16 : index
        %get3A_453 = tpu.vector_load %arg12[%get3A_451, %get3A_452] {strides = array<i32>} : memref<224x64xf32, #tpu.memory_space<vmem>>, vector<16xf32>,
        %mul3A_454 = arith.mulf %get3A_453, %get3A_371 : vector<16xf32>
        %add3A_455 = arith.addf %mul3A_450, %mul3A_454 : vector<16xf32>
        %get3A_456 = arith.index_cast %add3A_446 : i32 to index
        %get3A_457 = arith.constant 32 : index
        %get3A_458 = tpu.vector_load %arg12[%get3A_456, %get3A_457] {strides = array<i32>} : memref<224x64xf32, #tpu.memory_space<vmem>>, vector<16xf32>,
        %mul3A_459 = arith.mulf %get3A_458, %get3A_374 : vector<16xf32>
        %add3A_460 = arith.addf %add3A_455, %mul3A_459 : vector<16xf32>
        %get3A_461 = arith.index_cast %add3A_446 : i32 to index
        %get3A_462 = arith.constant 48 : index
        %get3A_463 = tpu.vector_load %arg12[%get3A_461, %get3A_462] {strides = array<i32>} : memref<224x64xf32, #tpu.memory_space<vmem>>, vector<16xf32>,
        %mul3A_464 = arith.mulf %get3A_463, %get3A_377 : vector<16xf32>
        %add3A_465 = arith.addf %add3A_460, %mul3A_464 : vector<16xf32>
        %mul3A_466 = arith.constant 16 : i32
        %mul3A_467 = arith.muli %scan3A_391, %mul3A_466 : i32
        %add3A_468 = arith.constant 3 : i32
        %add3A_469 = arith.addi %mul3A_467, %add3A_468 : i32
        %get3A_470 = arith.index_cast %add3A_469 : i32 to index
        %get3A_471 = arith.constant 0 : index
        %get3A_472 = tpu.vector_load %arg12[%get3A_470, %get3A_471] {strides = array<i32>} : memref<224x64xf32, #tpu.memory_space<vmem>>, vector<16xf32>,
        %mul3A_473 = arith.mulf %get3A_472, %get3A_368 : vector<16xf32>
        %get3A_474 = arith.index_cast %add3A_469 : i32 to index
        %get3A_475 = arith.constant 16 : index
        %get3A_476 = tpu.vector_load %arg12[%get3A_474, %get3A_475] {strides = array<i32>} : memref<224x64xf32, #tpu.memory_space<vmem>>, vector<16xf32>,
        %mul3A_477 = arith.mulf %get3A_476, %get3A_371 : vector<16xf32>
        %add3A_478 = arith.addf %mul3A_473, %mul3A_477 : vector<16xf32>
        %get3A_479 = arith.index_cast %add3A_469 : i32 to index
        %get3A_480 = arith.constant 32 : index
        %get3A_481 = tpu.vector_load %arg12[%get3A_479, %get3A_480] {strides = array<i32>} : memref<224x64xf32, #tpu.memory_space<vmem>>, vector<16xf32>,
        %mul3A_482 = arith.mulf %get3A_481, %get3A_374 : vector<16xf32>
        %add3A_483 = arith.addf %add3A_478, %mul3A_482 : vector<16xf32>
        %get3A_484 = arith.index_cast %add3A_469 : i32 to index
        %get3A_485 = arith.constant 48 : index
        %get3A_486 = tpu.vector_load %arg12[%get3A_484, %get3A_485] {strides = array<i32>} : memref<224x64xf32, #tpu.memory_space<vmem>>, vector<16xf32>,
        %mul3A_487 = arith.mulf %get3A_486, %get3A_377 : vector<16xf32>
        %add3A_488 = arith.addf %add3A_483, %mul3A_487 : vector<16xf32>
        %mul3A_489 = arith.constant 16 : i32
        %mul3A_490 = arith.muli %scan3A_391, %mul3A_489 : i32
        %add3A_491 = arith.constant 4 : i32
        %add3A_492 = arith.addi %mul3A_490, %add3A_491 : i32
        %get3A_493 = arith.index_cast %add3A_492 : i32 to index
        %get3A_494 = arith.constant 0 : index
        %get3A_495 = tpu.vector_load %arg12[%get3A_493, %get3A_494] {strides = array<i32>} : memref<224x64xf32, #tpu.memory_space<vmem>>, vector<16xf32>,
        %mul3A_496 = arith.mulf %get3A_495, %get3A_368 : vector<16xf32>
        %get3A_497 = arith.index_cast %add3A_492 : i32 to index
        %get3A_498 = arith.constant 16 : index
        %get3A_499 = tpu.vector_load %arg12[%get3A_497, %get3A_498] {strides = array<i32>} : memref<224x64xf32, #tpu.memory_space<vmem>>, vector<16xf32>,
        %mul3A_500 = arith.mulf %get3A_499, %get3A_371 : vector<16xf32>
        %add3A_501 = arith.addf %mul3A_496, %mul3A_500 : vector<16xf32>
        %get3A_502 = arith.index_cast %add3A_492 : i32 to index
        %get3A_503 = arith.constant 32 : index
        %get3A_504 = tpu.vector_load %arg12[%get3A_502, %get3A_503] {strides = array<i32>} : memref<224x64xf32, #tpu.memory_space<vmem>>, vector<16xf32>,
        %mul3A_505 = arith.mulf %get3A_504, %get3A_374 : vector<16xf32>
        %add3A_506 = arith.addf %add3A_501, %mul3A_505 : vector<16xf32>
        %get3A_507 = arith.index_cast %add3A_492 : i32 to index
        %get3A_508 = arith.constant 48 : index
        %get3A_509 = tpu.vector_load %arg12[%get3A_507, %get3A_508] {strides = array<i32>} : memref<224x64xf32, #tpu.memory_space<vmem>>, vector<16xf32>,
        %mul3A_510 = arith.mulf %get3A_509, %get3A_377 : vector<16xf32>
        %add3A_511 = arith.addf %add3A_506, %mul3A_510 : vector<16xf32>
        %mul3A_512 = arith.constant 16 : i32
        %mul3A_513 = arith.muli %scan3A_391, %mul3A_512 : i32
        %add3A_514 = arith.constant 5 : i32
        %add3A_515 = arith.addi %mul3A_513, %add3A_514 : i32
        %get3A_516 = arith.index_cast %add3A_515 : i32 to index
        %get3A_517 = arith.constant 0 : index
        %get3A_518 = tpu.vector_load %arg12[%get3A_516, %get3A_517] {strides = array<i32>} : memref<224x64xf32, #tpu.memory_space<vmem>>, vector<16xf32>,
        %mul3A_519 = arith.mulf %get3A_518, %get3A_368 : vector<16xf32>
        %get3A_520 = arith.index_cast %add3A_515 : i32 to index
        %get3A_521 = arith.constant 16 : index
        %get3A_522 = tpu.vector_load %arg12[%get3A_520, %get3A_521] {strides = array<i32>} : memref<224x64xf32, #tpu.memory_space<vmem>>, vector<16xf32>,
        %mul3A_523 = arith.mulf %get3A_522, %get3A_371 : vector<16xf32>
        %add3A_524 = arith.addf %mul3A_519, %mul3A_523 : vector<16xf32>
        %get3A_525 = arith.index_cast %add3A_515 : i32 to index
        %get3A_526 = arith.constant 32 : index
        %get3A_527 = tpu.vector_load %arg12[%get3A_525, %get3A_526] {strides = array<i32>} : memref<224x64xf32, #tpu.memory_space<vmem>>, vector<16xf32>,
        %mul3A_528 = arith.mulf %get3A_527, %get3A_374 : vector<16xf32>
        %add3A_529 = arith.addf %add3A_524, %mul3A_528 : vector<16xf32>
        %get3A_530 = arith.index_cast %add3A_515 : i32 to index
        %get3A_531 = arith.constant 48 : index
        %get3A_532 = tpu.vector_load %arg12[%get3A_530, %get3A_531] {strides = array<i32>} : memref<224x64xf32, #tpu.memory_space<vmem>>, vector<16xf32>,
        %mul3A_533 = arith.mulf %get3A_532, %get3A_377 : vector<16xf32>
        %add3A_534 = arith.addf %add3A_529, %mul3A_533 : vector<16xf32>
        %mul3A_535 = arith.constant 16 : i32
        %mul3A_536 = arith.muli %scan3A_391, %mul3A_535 : i32
        %add3A_537 = arith.constant 6 : i32
        %add3A_538 = arith.addi %mul3A_536, %add3A_537 : i32
        %get3A_539 = arith.index_cast %add3A_538 : i32 to index
        %get3A_540 = arith.constant 0 : index
        %get3A_541 = tpu.vector_load %arg12[%get3A_539, %get3A_540] {strides = array<i32>} : memref<224x64xf32, #tpu.memory_space<vmem>>, vector<16xf32>,
        %mul3A_542 = arith.mulf %get3A_541, %get3A_368 : vector<16xf32>
        %get3A_543 = arith.index_cast %add3A_538 : i32 to index
        %get3A_544 = arith.constant 16 : index
        %get3A_545 = tpu.vector_load %arg12[%get3A_543, %get3A_544] {strides = array<i32>} : memref<224x64xf32, #tpu.memory_space<vmem>>, vector<16xf32>,
        %mul3A_546 = arith.mulf %get3A_545, %get3A_371 : vector<16xf32>
        %add3A_547 = arith.addf %mul3A_542, %mul3A_546 : vector<16xf32>
        %get3A_548 = arith.index_cast %add3A_538 : i32 to index
        %get3A_549 = arith.constant 32 : index
        %get3A_550 = tpu.vector_load %arg12[%get3A_548, %get3A_549] {strides = array<i32>} : memref<224x64xf32, #tpu.memory_space<vmem>>, vector<16xf32>,
        %mul3A_551 = arith.mulf %get3A_550, %get3A_374 : vector<16xf32>
        %add3A_552 = arith.addf %add3A_547, %mul3A_551 : vector<16xf32>
        %get3A_553 = arith.index_cast %add3A_538 : i32 to index
        %get3A_554 = arith.constant 48 : index
        %get3A_555 = tpu.vector_load %arg12[%get3A_553, %get3A_554] {strides = array<i32>} : memref<224x64xf32, #tpu.memory_space<vmem>>, vector<16xf32>,
        %mul3A_556 = arith.mulf %get3A_555, %get3A_377 : vector<16xf32>
        %add3A_557 = arith.addf %add3A_552, %mul3A_556 : vector<16xf32>
        %mul3A_558 = arith.constant 16 : i32
        %mul3A_559 = arith.muli %scan3A_391, %mul3A_558 : i32
        %add3A_560 = arith.constant 7 : i32
        %add3A_561 = arith.addi %mul3A_559, %add3A_560 : i32
        %get3A_562 = arith.index_cast %add3A_561 : i32 to index
        %get3A_563 = arith.constant 0 : index
        %get3A_564 = tpu.vector_load %arg12[%get3A_562, %get3A_563] {strides = array<i32>} : memref<224x64xf32, #tpu.memory_space<vmem>>, vector<16xf32>,
        %mul3A_565 = arith.mulf %get3A_564, %get3A_368 : vector<16xf32>
        %get3A_566 = arith.index_cast %add3A_561 : i32 to index
        %get3A_567 = arith.constant 16 : index
        %get3A_568 = tpu.vector_load %arg12[%get3A_566, %get3A_567] {strides = array<i32>} : memref<224x64xf32, #tpu.memory_space<vmem>>, vector<16xf32>,
        %mul3A_569 = arith.mulf %get3A_568, %get3A_371 : vector<16xf32>
        %add3A_570 = arith.addf %mul3A_565, %mul3A_569 : vector<16xf32>
        %get3A_571 = arith.index_cast %add3A_561 : i32 to index
        %get3A_572 = arith.constant 32 : index
        %get3A_573 = tpu.vector_load %arg12[%get3A_571, %get3A_572] {strides = array<i32>} : memref<224x64xf32, #tpu.memory_space<vmem>>, vector<16xf32>,
        %mul3A_574 = arith.mulf %get3A_573, %get3A_374 : vector<16xf32>
        %add3A_575 = arith.addf %add3A_570, %mul3A_574 : vector<16xf32>
        %get3A_576 = arith.index_cast %add3A_561 : i32 to index
        %get3A_577 = arith.constant 48 : index
        %get3A_578 = tpu.vector_load %arg12[%get3A_576, %get3A_577] {strides = array<i32>} : memref<224x64xf32, #tpu.memory_space<vmem>>, vector<16xf32>,
        %mul3A_579 = arith.mulf %get3A_578, %get3A_377 : vector<16xf32>
        %add3A_580 = arith.addf %add3A_575, %mul3A_579 : vector<16xf32>
        %mul3A_581 = arith.constant 16 : i32
        %mul3A_582 = arith.muli %scan3A_391, %mul3A_581 : i32
        %add3A_583 = arith.constant 8 : i32
        %add3A_584 = arith.addi %mul3A_582, %add3A_583 : i32
        %get3A_585 = arith.index_cast %add3A_584 : i32 to index
        %get3A_586 = arith.constant 0 : index
        %get3A_587 = tpu.vector_load %arg12[%get3A_585, %get3A_586] {strides = array<i32>} : memref<224x64xf32, #tpu.memory_space<vmem>>, vector<16xf32>,
        %mul3A_588 = arith.mulf %get3A_587, %get3A_368 : vector<16xf32>
        %get3A_589 = arith.index_cast %add3A_584 : i32 to index
        %get3A_590 = arith.constant 16 : index
        %get3A_591 = tpu.vector_load %arg12[%get3A_589, %get3A_590] {strides = array<i32>} : memref<224x64xf32, #tpu.memory_space<vmem>>, vector<16xf32>,
        %mul3A_592 = arith.mulf %get3A_591, %get3A_371 : vector<16xf32>
        %add3A_593 = arith.addf %mul3A_588, %mul3A_592 : vector<16xf32>
        %get3A_594 = arith.index_cast %add3A_584 : i32 to index
        %get3A_595 = arith.constant 32 : index
        %get3A_596 = tpu.vector_load %arg12[%get3A_594, %get3A_595] {strides = array<i32>} : memref<224x64xf32, #tpu.memory_space<vmem>>, vector<16xf32>,
        %mul3A_597 = arith.mulf %get3A_596, %get3A_374 : vector<16xf32>
        %add3A_598 = arith.addf %add3A_593, %mul3A_597 : vector<16xf32>
        %get3A_599 = arith.index_cast %add3A_584 : i32 to index
        %get3A_600 = arith.constant 48 : index
        %get3A_601 = tpu.vector_load %arg12[%get3A_599, %get3A_600] {strides = array<i32>} : memref<224x64xf32, #tpu.memory_space<vmem>>, vector<16xf32>,
        %mul3A_602 = arith.mulf %get3A_601, %get3A_377 : vector<16xf32>
        %add3A_603 = arith.addf %add3A_598, %mul3A_602 : vector<16xf32>
        %mul3A_604 = arith.constant 16 : i32
        %mul3A_605 = arith.muli %scan3A_391, %mul3A_604 : i32
        %add3A_606 = arith.constant 9 : i32
        %add3A_607 = arith.addi %mul3A_605, %add3A_606 : i32
        %get3A_608 = arith.index_cast %add3A_607 : i32 to index
        %get3A_609 = arith.constant 0 : index
        %get3A_610 = tpu.vector_load %arg12[%get3A_608, %get3A_609] {strides = array<i32>} : memref<224x64xf32, #tpu.memory_space<vmem>>, vector<16xf32>,
        %mul3A_611 = arith.mulf %get3A_610, %get3A_368 : vector<16xf32>
        %get3A_612 = arith.index_cast %add3A_607 : i32 to index
        %get3A_613 = arith.constant 16 : index
        %get3A_614 = tpu.vector_load %arg12[%get3A_612, %get3A_613] {strides = array<i32>} : memref<224x64xf32, #tpu.memory_space<vmem>>, vector<16xf32>,
        %mul3A_615 = arith.mulf %get3A_614, %get3A_371 : vector<16xf32>
        %add3A_616 = arith.addf %mul3A_611, %mul3A_615 : vector<16xf32>
        %get3A_617 = arith.index_cast %add3A_607 : i32 to index
        %get3A_618 = arith.constant 32 : index
        %get3A_619 = tpu.vector_load %arg12[%get3A_617, %get3A_618] {strides = array<i32>} : memref<224x64xf32, #tpu.memory_space<vmem>>, vector<16xf32>,
        %mul3A_620 = arith.mulf %get3A_619, %get3A_374 : vector<16xf32>
        %add3A_621 = arith.addf %add3A_616, %mul3A_620 : vector<16xf32>
        %get3A_622 = arith.index_cast %add3A_607 : i32 to index
        %get3A_623 = arith.constant 48 : index
        %get3A_624 = tpu.vector_load %arg12[%get3A_622, %get3A_623] {strides = array<i32>} : memref<224x64xf32, #tpu.memory_space<vmem>>, vector<16xf32>,
        %mul3A_625 = arith.mulf %get3A_624, %get3A_377 : vector<16xf32>
        %add3A_626 = arith.addf %add3A_621, %mul3A_625 : vector<16xf32>
        %mul3A_627 = arith.constant 16 : i32
        %mul3A_628 = arith.muli %scan3A_391, %mul3A_627 : i32
        %add3A_629 = arith.constant 10 : i32
        %add3A_630 = arith.addi %mul3A_628, %add3A_629 : i32
        %get3A_631 = arith.index_cast %add3A_630 : i32 to index
        %get3A_632 = arith.constant 0 : index
        %get3A_633 = tpu.vector_load %arg12[%get3A_631, %get3A_632] {strides = array<i32>} : memref<224x64xf32, #tpu.memory_space<vmem>>, vector<16xf32>,
        %mul3A_634 = arith.mulf %get3A_633, %get3A_368 : vector<16xf32>
        %get3A_635 = arith.index_cast %add3A_630 : i32 to index
        %get3A_636 = arith.constant 16 : index
        %get3A_637 = tpu.vector_load %arg12[%get3A_635, %get3A_636] {strides = array<i32>} : memref<224x64xf32, #tpu.memory_space<vmem>>, vector<16xf32>,
        %mul3A_638 = arith.mulf %get3A_637, %get3A_371 : vector<16xf32>
        %add3A_639 = arith.addf %mul3A_634, %mul3A_638 : vector<16xf32>
        %get3A_640 = arith.index_cast %add3A_630 : i32 to index
        %get3A_641 = arith.constant 32 : index
        %get3A_642 = tpu.vector_load %arg12[%get3A_640, %get3A_641] {strides = array<i32>} : memref<224x64xf32, #tpu.memory_space<vmem>>, vector<16xf32>,
        %mul3A_643 = arith.mulf %get3A_642, %get3A_374 : vector<16xf32>
        %add3A_644 = arith.addf %add3A_639, %mul3A_643 : vector<16xf32>
        %get3A_645 = arith.index_cast %add3A_630 : i32 to index
        %get3A_646 = arith.constant 48 : index
        %get3A_647 = tpu.vector_load %arg12[%get3A_645, %get3A_646] {strides = array<i32>} : memref<224x64xf32, #tpu.memory_space<vmem>>, vector<16xf32>,
        %mul3A_648 = arith.mulf %get3A_647, %get3A_377 : vector<16xf32>
        %add3A_649 = arith.addf %add3A_644, %mul3A_648 : vector<16xf32>
        %mul3A_650 = arith.constant 16 : i32
        %mul3A_651 = arith.muli %scan3A_391, %mul3A_650 : i32
        %add3A_652 = arith.constant 11 : i32
        %add3A_653 = arith.addi %mul3A_651, %add3A_652 : i32
        %get3A_654 = arith.index_cast %add3A_653 : i32 to index
        %get3A_655 = arith.constant 0 : index
        %get3A_656 = tpu.vector_load %arg12[%get3A_654, %get3A_655] {strides = array<i32>} : memref<224x64xf32, #tpu.memory_space<vmem>>, vector<16xf32>,
        %mul3A_657 = arith.mulf %get3A_656, %get3A_368 : vector<16xf32>
        %get3A_658 = arith.index_cast %add3A_653 : i32 to index
        %get3A_659 = arith.constant 16 : index
        %get3A_660 = tpu.vector_load %arg12[%get3A_658, %get3A_659] {strides = array<i32>} : memref<224x64xf32, #tpu.memory_space<vmem>>, vector<16xf32>,
        %mul3A_661 = arith.mulf %get3A_660, %get3A_371 : vector<16xf32>
        %add3A_662 = arith.addf %mul3A_657, %mul3A_661 : vector<16xf32>
        %get3A_663 = arith.index_cast %add3A_653 : i32 to index
        %get3A_664 = arith.constant 32 : index
        %get3A_665 = tpu.vector_load %arg12[%get3A_663, %get3A_664] {strides = array<i32>} : memref<224x64xf32, #tpu.memory_space<vmem>>, vector<16xf32>,
        %mul3A_666 = arith.mulf %get3A_665, %get3A_374 : vector<16xf32>
        %add3A_667 = arith.addf %add3A_662, %mul3A_666 : vector<16xf32>
        %get3A_668 = arith.index_cast %add3A_653 : i32 to index
        %get3A_669 = arith.constant 48 : index
        %get3A_670 = tpu.vector_load %arg12[%get3A_668, %get3A_669] {strides = array<i32>} : memref<224x64xf32, #tpu.memory_space<vmem>>, vector<16xf32>,
        %mul3A_671 = arith.mulf %get3A_670, %get3A_377 : vector<16xf32>
        %add3A_672 = arith.addf %add3A_667, %mul3A_671 : vector<16xf32>
        %mul3A_673 = arith.constant 16 : i32
        %mul3A_674 = arith.muli %scan3A_391, %mul3A_673 : i32
        %add3A_675 = arith.constant 12 : i32
        %add3A_676 = arith.addi %mul3A_674, %add3A_675 : i32
        %get3A_677 = arith.index_cast %add3A_676 : i32 to index
        %get3A_678 = arith.constant 0 : index
        %get3A_679 = tpu.vector_load %arg12[%get3A_677, %get3A_678] {strides = array<i32>} : memref<224x64xf32, #tpu.memory_space<vmem>>, vector<16xf32>,
        %mul3A_680 = arith.mulf %get3A_679, %get3A_368 : vector<16xf32>
        %get3A_681 = arith.index_cast %add3A_676 : i32 to index
        %get3A_682 = arith.constant 16 : index
        %get3A_683 = tpu.vector_load %arg12[%get3A_681, %get3A_682] {strides = array<i32>} : memref<224x64xf32, #tpu.memory_space<vmem>>, vector<16xf32>,
        %mul3A_684 = arith.mulf %get3A_683, %get3A_371 : vector<16xf32>
        %add3A_685 = arith.addf %mul3A_680, %mul3A_684 : vector<16xf32>
        %get3A_686 = arith.index_cast %add3A_676 : i32 to index
        %get3A_687 = arith.constant 32 : index
        %get3A_688 = tpu.vector_load %arg12[%get3A_686, %get3A_687] {strides = array<i32>} : memref<224x64xf32, #tpu.memory_space<vmem>>, vector<16xf32>,
        %mul3A_689 = arith.mulf %get3A_688, %get3A_374 : vector<16xf32>
        %add3A_690 = arith.addf %add3A_685, %mul3A_689 : vector<16xf32>
        %get3A_691 = arith.index_cast %add3A_676 : i32 to index
        %get3A_692 = arith.constant 48 : index
        %get3A_693 = tpu.vector_load %arg12[%get3A_691, %get3A_692] {strides = array<i32>} : memref<224x64xf32, #tpu.memory_space<vmem>>, vector<16xf32>,
        %mul3A_694 = arith.mulf %get3A_693, %get3A_377 : vector<16xf32>
        %add3A_695 = arith.addf %add3A_690, %mul3A_694 : vector<16xf32>
        %mul3A_696 = arith.constant 16 : i32
        %mul3A_697 = arith.muli %scan3A_391, %mul3A_696 : i32
        %add3A_698 = arith.constant 13 : i32
        %add3A_699 = arith.addi %mul3A_697, %add3A_698 : i32
        %get3A_700 = arith.index_cast %add3A_699 : i32 to index
        %get3A_701 = arith.constant 0 : index
        %get3A_702 = tpu.vector_load %arg12[%get3A_700, %get3A_701] {strides = array<i32>} : memref<224x64xf32, #tpu.memory_space<vmem>>, vector<16xf32>,
        %mul3A_703 = arith.mulf %get3A_702, %get3A_368 : vector<16xf32>
        %get3A_704 = arith.index_cast %add3A_699 : i32 to index
        %get3A_705 = arith.constant 16 : index
        %get3A_706 = tpu.vector_load %arg12[%get3A_704, %get3A_705] {strides = array<i32>} : memref<224x64xf32, #tpu.memory_space<vmem>>, vector<16xf32>,
        %mul3A_707 = arith.mulf %get3A_706, %get3A_371 : vector<16xf32>
        %add3A_708 = arith.addf %mul3A_703, %mul3A_707 : vector<16xf32>
        %get3A_709 = arith.index_cast %add3A_699 : i32 to index
        %get3A_710 = arith.constant 32 : index
        %get3A_711 = tpu.vector_load %arg12[%get3A_709, %get3A_710] {strides = array<i32>} : memref<224x64xf32, #tpu.memory_space<vmem>>, vector<16xf32>,
        %mul3A_712 = arith.mulf %get3A_711, %get3A_374 : vector<16xf32>
        %add3A_713 = arith.addf %add3A_708, %mul3A_712 : vector<16xf32>
        %get3A_714 = arith.index_cast %add3A_699 : i32 to index
        %get3A_715 = arith.constant 48 : index
        %get3A_716 = tpu.vector_load %arg12[%get3A_714, %get3A_715] {strides = array<i32>} : memref<224x64xf32, #tpu.memory_space<vmem>>, vector<16xf32>,
        %mul3A_717 = arith.mulf %get3A_716, %get3A_377 : vector<16xf32>
        %add3A_718 = arith.addf %add3A_713, %mul3A_717 : vector<16xf32>
        %mul3A_719 = arith.constant 16 : i32
        %mul3A_720 = arith.muli %scan3A_391, %mul3A_719 : i32
        %add3A_721 = arith.constant 14 : i32
        %add3A_722 = arith.addi %mul3A_720, %add3A_721 : i32
        %get3A_723 = arith.index_cast %add3A_722 : i32 to index
        %get3A_724 = arith.constant 0 : index
        %get3A_725 = tpu.vector_load %arg12[%get3A_723, %get3A_724] {strides = array<i32>} : memref<224x64xf32, #tpu.memory_space<vmem>>, vector<16xf32>,
        %mul3A_726 = arith.mulf %get3A_725, %get3A_368 : vector<16xf32>
        %get3A_727 = arith.index_cast %add3A_722 : i32 to index
        %get3A_728 = arith.constant 16 : index
        %get3A_729 = tpu.vector_load %arg12[%get3A_727, %get3A_728] {strides = array<i32>} : memref<224x64xf32, #tpu.memory_space<vmem>>, vector<16xf32>,
        %mul3A_730 = arith.mulf %get3A_729, %get3A_371 : vector<16xf32>
        %add3A_731 = arith.addf %mul3A_726, %mul3A_730 : vector<16xf32>
        %get3A_732 = arith.index_cast %add3A_722 : i32 to index
        %get3A_733 = arith.constant 32 : index
        %get3A_734 = tpu.vector_load %arg12[%get3A_732, %get3A_733] {strides = array<i32>} : memref<224x64xf32, #tpu.memory_space<vmem>>, vector<16xf32>,
        %mul3A_735 = arith.mulf %get3A_734, %get3A_374 : vector<16xf32>
        %add3A_736 = arith.addf %add3A_731, %mul3A_735 : vector<16xf32>
        %get3A_737 = arith.index_cast %add3A_722 : i32 to index
        %get3A_738 = arith.constant 48 : index
        %get3A_739 = tpu.vector_load %arg12[%get3A_737, %get3A_738] {strides = array<i32>} : memref<224x64xf32, #tpu.memory_space<vmem>>, vector<16xf32>,
        %mul3A_740 = arith.mulf %get3A_739, %get3A_377 : vector<16xf32>
        %add3A_741 = arith.addf %add3A_736, %mul3A_740 : vector<16xf32>
        %mul3A_742 = arith.constant 16 : i32
        %mul3A_743 = arith.muli %scan3A_391, %mul3A_742 : i32
        %add3A_744 = arith.constant 15 : i32
        %add3A_745 = arith.addi %mul3A_743, %add3A_744 : i32
        %get3A_746 = arith.index_cast %add3A_745 : i32 to index
        %get3A_747 = arith.constant 0 : index
        %get3A_748 = tpu.vector_load %arg12[%get3A_746, %get3A_747] {strides = array<i32>} : memref<224x64xf32, #tpu.memory_space<vmem>>, vector<16xf32>,
        %mul3A_749 = arith.mulf %get3A_748, %get3A_368 : vector<16xf32>
        %get3A_750 = arith.index_cast %add3A_745 : i32 to index
        %get3A_751 = arith.constant 16 : index
        %get3A_752 = tpu.vector_load %arg12[%get3A_750, %get3A_751] {strides = array<i32>} : memref<224x64xf32, #tpu.memory_space<vmem>>, vector<16xf32>,
        %mul3A_753 = arith.mulf %get3A_752, %get3A_371 : vector<16xf32>
        %add3A_754 = arith.addf %mul3A_749, %mul3A_753 : vector<16xf32>
        %get3A_755 = arith.index_cast %add3A_745 : i32 to index
        %get3A_756 = arith.constant 32 : index
        %get3A_757 = tpu.vector_load %arg12[%get3A_755, %get3A_756] {strides = array<i32>} : memref<224x64xf32, #tpu.memory_space<vmem>>, vector<16xf32>,
        %mul3A_758 = arith.mulf %get3A_757, %get3A_374 : vector<16xf32>
        %add3A_759 = arith.addf %add3A_754, %mul3A_758 : vector<16xf32>
        %get3A_760 = arith.index_cast %add3A_745 : i32 to index
        %get3A_761 = arith.constant 48 : index
        %get3A_762 = tpu.vector_load %arg12[%get3A_760, %get3A_761] {strides = array<i32>} : memref<224x64xf32, #tpu.memory_space<vmem>>, vector<16xf32>,
        %mul3A_763 = arith.mulf %get3A_762, %get3A_377 : vector<16xf32>
        %add3A_764 = arith.addf %add3A_759, %mul3A_763 : vector<16xf32>
        %and3A = arith.constant 1 : i32
        %and3A_765 = vector.broadcast %and3A : i32 to vector<16xi32>
        %and3A_766 = arith.andi %iota3A, %and3A_765 : vector<16xi32>
        %eq3A = arith.constant 0 : i32
        %eq3A_767 = vector.broadcast %eq3A : i32 to vector<16xi32>
        %eq3A_768 = arith.cmpi eq, %and3A_766, %eq3A_767 : vector<16xi32>
        %broadcast_in_dim3A_769 = vector.shape_cast %xor3A_271 : vector<16xi32> to vector<16x1xi32>
        %gather3A = vector.shape_cast %broadcast_in_dim3A_769 : vector<16x1xi32> to vector<16xi32>
        %gather3A_770 = tpu.dynamic_gather %add3A_419[%gather3A] in [0] : vector<16xf32>, vector<16xi32> -> vector<16xf32>
        %add3A_771 = arith.addf %add3A_419, %gather3A_770 : vector<16xf32>
        %broadcast_in_dim3A_772 = vector.shape_cast %xor3A_271 : vector<16xi32> to vector<16x1xi32>
        %gather3A_773 = vector.shape_cast %broadcast_in_dim3A_772 : vector<16x1xi32> to vector<16xi32>
        %gather3A_774 = tpu.dynamic_gather %add3A_442[%gather3A_773] in [0] : vector<16xf32>, vector<16xi32> -> vector<16xf32>
        %add3A_775 = arith.addf %add3A_442, %gather3A_774 : vector<16xf32>
        %select_n3A = arith.select %eq3A_768, %add3A_771, %add3A_775 : vector<16xi1>, vector<16xf32>
        %broadcast_in_dim3A_776 = vector.shape_cast %xor3A_271 : vector<16xi32> to vector<16x1xi32>
        %gather3A_777 = vector.shape_cast %broadcast_in_dim3A_776 : vector<16x1xi32> to vector<16xi32>
        %gather3A_778 = tpu.dynamic_gather %add3A_465[%gather3A_777] in [0] : vector<16xf32>, vector<16xi32> -> vector<16xf32>
        %add3A_779 = arith.addf %add3A_465, %gather3A_778 : vector<16xf32>
        %broadcast_in_dim3A_780 = vector.shape_cast %xor3A_271 : vector<16xi32> to vector<16x1xi32>
        %gather3A_781 = vector.shape_cast %broadcast_in_dim3A_780 : vector<16x1xi32> to vector<16xi32>
        %gather3A_782 = tpu.dynamic_gather %add3A_488[%gather3A_781] in [0] : vector<16xf32>, vector<16xi32> -> vector<16xf32>
        %add3A_783 = arith.addf %add3A_488, %gather3A_782 : vector<16xf32>
        %select_n3A_784 = arith.select %eq3A_768, %add3A_779, %add3A_783 : vector<16xi1>, vector<16xf32>
        %broadcast_in_dim3A_785 = vector.shape_cast %xor3A_271 : vector<16xi32> to vector<16x1xi32>
        %gather3A_786 = vector.shape_cast %broadcast_in_dim3A_785 : vector<16x1xi32> to vector<16xi32>
        %gather3A_787 = tpu.dynamic_gather %add3A_511[%gather3A_786] in [0] : vector<16xf32>, vector<16xi32> -> vector<16xf32>
        %add3A_788 = arith.addf %add3A_511, %gather3A_787 : vector<16xf32>
        %broadcast_in_dim3A_789 = vector.shape_cast %xor3A_271 : vector<16xi32> to vector<16x1xi32>
        %gather3A_790 = vector.shape_cast %broadcast_in_dim3A_789 : vector<16x1xi32> to vector<16xi32>
        %gather3A_791 = tpu.dynamic_gather %add3A_534[%gather3A_790] in [0] : vector<16xf32>, vector<16xi32> -> vector<16xf32>
        %add3A_792 = arith.addf %add3A_534, %gather3A_791 : vector<16xf32>
        %select_n3A_793 = arith.select %eq3A_768, %add3A_788, %add3A_792 : vector<16xi1>, vector<16xf32>
        %broadcast_in_dim3A_794 = vector.shape_cast %xor3A_271 : vector<16xi32> to vector<16x1xi32>
        %gather3A_795 = vector.shape_cast %broadcast_in_dim3A_794 : vector<16x1xi32> to vector<16xi32>
        %gather3A_796 = tpu.dynamic_gather %add3A_557[%gather3A_795] in [0] : vector<16xf32>, vector<16xi32> -> vector<16xf32>
        %add3A_797 = arith.addf %add3A_557, %gather3A_796 : vector<16xf32>
        %broadcast_in_dim3A_798 = vector.shape_cast %xor3A_271 : vector<16xi32> to vector<16x1xi32>
        %gather3A_799 = vector.shape_cast %broadcast_in_dim3A_798 : vector<16x1xi32> to vector<16xi32>
        %gather3A_800 = tpu.dynamic_gather %add3A_580[%gather3A_799] in [0] : vector<16xf32>, vector<16xi32> -> vector<16xf32>
        %add3A_801 = arith.addf %add3A_580, %gather3A_800 : vector<16xf32>
        %select_n3A_802 = arith.select %eq3A_768, %add3A_797, %add3A_801 : vector<16xi1>, vector<16xf32>
        %broadcast_in_dim3A_803 = vector.shape_cast %xor3A_271 : vector<16xi32> to vector<16x1xi32>
        %gather3A_804 = vector.shape_cast %broadcast_in_dim3A_803 : vector<16x1xi32> to vector<16xi32>
        %gather3A_805 = tpu.dynamic_gather %add3A_603[%gather3A_804] in [0] : vector<16xf32>, vector<16xi32> -> vector<16xf32>
        %add3A_806 = arith.addf %add3A_603, %gather3A_805 : vector<16xf32>
        %broadcast_in_dim3A_807 = vector.shape_cast %xor3A_271 : vector<16xi32> to vector<16x1xi32>
        %gather3A_808 = vector.shape_cast %broadcast_in_dim3A_807 : vector<16x1xi32> to vector<16xi32>
        %gather3A_809 = tpu.dynamic_gather %add3A_626[%gather3A_808] in [0] : vector<16xf32>, vector<16xi32> -> vector<16xf32>
        %add3A_810 = arith.addf %add3A_626, %gather3A_809 : vector<16xf32>
        %select_n3A_811 = arith.select %eq3A_768, %add3A_806, %add3A_810 : vector<16xi1>, vector<16xf32>
        %broadcast_in_dim3A_812 = vector.shape_cast %xor3A_271 : vector<16xi32> to vector<16x1xi32>
        %gather3A_813 = vector.shape_cast %broadcast_in_dim3A_812 : vector<16x1xi32> to vector<16xi32>
        %gather3A_814 = tpu.dynamic_gather %add3A_649[%gather3A_813] in [0] : vector<16xf32>, vector<16xi32> -> vector<16xf32>
        %add3A_815 = arith.addf %add3A_649, %gather3A_814 : vector<16xf32>
        %broadcast_in_dim3A_816 = vector.shape_cast %xor3A_271 : vector<16xi32> to vector<16x1xi32>
        %gather3A_817 = vector.shape_cast %broadcast_in_dim3A_816 : vector<16x1xi32> to vector<16xi32>
        %gather3A_818 = tpu.dynamic_gather %add3A_672[%gather3A_817] in [0] : vector<16xf32>, vector<16xi32> -> vector<16xf32>
        %add3A_819 = arith.addf %add3A_672, %gather3A_818 : vector<16xf32>
        %select_n3A_820 = arith.select %eq3A_768, %add3A_815, %add3A_819 : vector<16xi1>, vector<16xf32>
        %broadcast_in_dim3A_821 = vector.shape_cast %xor3A_271 : vector<16xi32> to vector<16x1xi32>
        %gather3A_822 = vector.shape_cast %broadcast_in_dim3A_821 : vector<16x1xi32> to vector<16xi32>
        %gather3A_823 = tpu.dynamic_gather %add3A_695[%gather3A_822] in [0] : vector<16xf32>, vector<16xi32> -> vector<16xf32>
        %add3A_824 = arith.addf %add3A_695, %gather3A_823 : vector<16xf32>
        %broadcast_in_dim3A_825 = vector.shape_cast %xor3A_271 : vector<16xi32> to vector<16x1xi32>
        %gather3A_826 = vector.shape_cast %broadcast_in_dim3A_825 : vector<16x1xi32> to vector<16xi32>
        %gather3A_827 = tpu.dynamic_gather %add3A_718[%gather3A_826] in [0] : vector<16xf32>, vector<16xi32> -> vector<16xf32>
        %add3A_828 = arith.addf %add3A_718, %gather3A_827 : vector<16xf32>
        %select_n3A_829 = arith.select %eq3A_768, %add3A_824, %add3A_828 : vector<16xi1>, vector<16xf32>
        %broadcast_in_dim3A_830 = vector.shape_cast %xor3A_271 : vector<16xi32> to vector<16x1xi32>
        %gather3A_831 = vector.shape_cast %broadcast_in_dim3A_830 : vector<16x1xi32> to vector<16xi32>
        %gather3A_832 = tpu.dynamic_gather %add3A_741[%gather3A_831] in [0] : vector<16xf32>, vector<16xi32> -> vector<16xf32>
        %add3A_833 = arith.addf %add3A_741, %gather3A_832 : vector<16xf32>
        %broadcast_in_dim3A_834 = vector.shape_cast %xor3A_271 : vector<16xi32> to vector<16x1xi32>
        %gather3A_835 = vector.shape_cast %broadcast_in_dim3A_834 : vector<16x1xi32> to vector<16xi32>
        %gather3A_836 = tpu.dynamic_gather %add3A_764[%gather3A_835] in [0] : vector<16xf32>, vector<16xi32> -> vector<16xf32>
        %add3A_837 = arith.addf %add3A_764, %gather3A_836 : vector<16xf32>
        %select_n3A_838 = arith.select %eq3A_768, %add3A_833, %add3A_837 : vector<16xi1>, vector<16xf32>
        %and3A_839 = arith.constant 2 : i32
        %and3A_840 = vector.broadcast %and3A_839 : i32 to vector<16xi32>
        %and3A_841 = arith.andi %iota3A, %and3A_840 : vector<16xi32>
        %eq3A_842 = arith.constant 0 : i32
        %eq3A_843 = vector.broadcast %eq3A_842 : i32 to vector<16xi32>
        %eq3A_844 = arith.cmpi eq, %and3A_841, %eq3A_843 : vector<16xi32>
        %broadcast_in_dim3A_845 = vector.shape_cast %xor3A_275 : vector<16xi32> to vector<16x1xi32>
        %gather3A_846 = vector.shape_cast %broadcast_in_dim3A_845 : vector<16x1xi32> to vector<16xi32>
        %gather3A_847 = tpu.dynamic_gather %select_n3A[%gather3A_846] in [0] : vector<16xf32>, vector<16xi32> -> vector<16xf32>
        %add3A_848 = arith.addf %select_n3A, %gather3A_847 : vector<16xf32>
        %broadcast_in_dim3A_849 = vector.shape_cast %xor3A_275 : vector<16xi32> to vector<16x1xi32>
        %gather3A_850 = vector.shape_cast %broadcast_in_dim3A_849 : vector<16x1xi32> to vector<16xi32>
        %gather3A_851 = tpu.dynamic_gather %select_n3A_784[%gather3A_850] in [0] : vector<16xf32>, vector<16xi32> -> vector<16xf32>
        %add3A_852 = arith.addf %select_n3A_784, %gather3A_851 : vector<16xf32>
        %select_n3A_853 = arith.select %eq3A_844, %add3A_848, %add3A_852 : vector<16xi1>, vector<16xf32>
        %broadcast_in_dim3A_854 = vector.shape_cast %xor3A_275 : vector<16xi32> to vector<16x1xi32>
        %gather3A_855 = vector.shape_cast %broadcast_in_dim3A_854 : vector<16x1xi32> to vector<16xi32>
        %gather3A_856 = tpu.dynamic_gather %select_n3A_793[%gather3A_855] in [0] : vector<16xf32>, vector<16xi32> -> vector<16xf32>
        %add3A_857 = arith.addf %select_n3A_793, %gather3A_856 : vector<16xf32>
        %broadcast_in_dim3A_858 = vector.shape_cast %xor3A_275 : vector<16xi32> to vector<16x1xi32>
        %gather3A_859 = vector.shape_cast %broadcast_in_dim3A_858 : vector<16x1xi32> to vector<16xi32>
        %gather3A_860 = tpu.dynamic_gather %select_n3A_802[%gather3A_859] in [0] : vector<16xf32>, vector<16xi32> -> vector<16xf32>
        %add3A_861 = arith.addf %select_n3A_802, %gather3A_860 : vector<16xf32>
        %select_n3A_862 = arith.select %eq3A_844, %add3A_857, %add3A_861 : vector<16xi1>, vector<16xf32>
        %broadcast_in_dim3A_863 = vector.shape_cast %xor3A_275 : vector<16xi32> to vector<16x1xi32>
        %gather3A_864 = vector.shape_cast %broadcast_in_dim3A_863 : vector<16x1xi32> to vector<16xi32>
        %gather3A_865 = tpu.dynamic_gather %select_n3A_811[%gather3A_864] in [0] : vector<16xf32>, vector<16xi32> -> vector<16xf32>
        %add3A_866 = arith.addf %select_n3A_811, %gather3A_865 : vector<16xf32>
        %broadcast_in_dim3A_867 = vector.shape_cast %xor3A_275 : vector<16xi32> to vector<16x1xi32>
        %gather3A_868 = vector.shape_cast %broadcast_in_dim3A_867 : vector<16x1xi32> to vector<16xi32>
        %gather3A_869 = tpu.dynamic_gather %select_n3A_820[%gather3A_868] in [0] : vector<16xf32>, vector<16xi32> -> vector<16xf32>
        %add3A_870 = arith.addf %select_n3A_820, %gather3A_869 : vector<16xf32>
        %select_n3A_871 = arith.select %eq3A_844, %add3A_866, %add3A_870 : vector<16xi1>, vector<16xf32>
        %broadcast_in_dim3A_872 = vector.shape_cast %xor3A_275 : vector<16xi32> to vector<16x1xi32>
        %gather3A_873 = vector.shape_cast %broadcast_in_dim3A_872 : vector<16x1xi32> to vector<16xi32>
        %gather3A_874 = tpu.dynamic_gather %select_n3A_829[%gather3A_873] in [0] : vector<16xf32>, vector<16xi32> -> vector<16xf32>
        %add3A_875 = arith.addf %select_n3A_829, %gather3A_874 : vector<16xf32>
        %broadcast_in_dim3A_876 = vector.shape_cast %xor3A_275 : vector<16xi32> to vector<16x1xi32>
        %gather3A_877 = vector.shape_cast %broadcast_in_dim3A_876 : vector<16x1xi32> to vector<16xi32>
        %gather3A_878 = tpu.dynamic_gather %select_n3A_838[%gather3A_877] in [0] : vector<16xf32>, vector<16xi32> -> vector<16xf32>
        %add3A_879 = arith.addf %select_n3A_838, %gather3A_878 : vector<16xf32>
        %select_n3A_880 = arith.select %eq3A_844, %add3A_875, %add3A_879 : vector<16xi1>, vector<16xf32>
        %and3A_881 = arith.constant 4 : i32
        %and3A_882 = vector.broadcast %and3A_881 : i32 to vector<16xi32>
        %and3A_883 = arith.andi %iota3A, %and3A_882 : vector<16xi32>
        %eq3A_884 = arith.constant 0 : i32
        %eq3A_885 = vector.broadcast %eq3A_884 : i32 to vector<16xi32>
        %eq3A_886 = arith.cmpi eq, %and3A_883, %eq3A_885 : vector<16xi32>
        %broadcast_in_dim3A_887 = vector.shape_cast %xor3A_279 : vector<16xi32> to vector<16x1xi32>
        %gather3A_888 = vector.shape_cast %broadcast_in_dim3A_887 : vector<16x1xi32> to vector<16xi32>
        %gather3A_889 = tpu.dynamic_gather %select_n3A_853[%gather3A_888] in [0] : vector<16xf32>, vector<16xi32> -> vector<16xf32>
        %add3A_890 = arith.addf %select_n3A_853, %gather3A_889 : vector<16xf32>
        %broadcast_in_dim3A_891 = vector.shape_cast %xor3A_279 : vector<16xi32> to vector<16x1xi32>
        %gather3A_892 = vector.shape_cast %broadcast_in_dim3A_891 : vector<16x1xi32> to vector<16xi32>
        %gather3A_893 = tpu.dynamic_gather %select_n3A_862[%gather3A_892] in [0] : vector<16xf32>, vector<16xi32> -> vector<16xf32>
        %add3A_894 = arith.addf %select_n3A_862, %gather3A_893 : vector<16xf32>
        %select_n3A_895 = arith.select %eq3A_886, %add3A_890, %add3A_894 : vector<16xi1>, vector<16xf32>
        %broadcast_in_dim3A_896 = vector.shape_cast %xor3A_279 : vector<16xi32> to vector<16x1xi32>
        %gather3A_897 = vector.shape_cast %broadcast_in_dim3A_896 : vector<16x1xi32> to vector<16xi32>
        %gather3A_898 = tpu.dynamic_gather %select_n3A_871[%gather3A_897] in [0] : vector<16xf32>, vector<16xi32> -> vector<16xf32>
        %add3A_899 = arith.addf %select_n3A_871, %gather3A_898 : vector<16xf32>
        %broadcast_in_dim3A_900 = vector.shape_cast %xor3A_279 : vector<16xi32> to vector<16x1xi32>
        %gather3A_901 = vector.shape_cast %broadcast_in_dim3A_900 : vector<16x1xi32> to vector<16xi32>
        %gather3A_902 = tpu.dynamic_gather %select_n3A_880[%gather3A_901] in [0] : vector<16xf32>, vector<16xi32> -> vector<16xf32>
        %add3A_903 = arith.addf %select_n3A_880, %gather3A_902 : vector<16xf32>
        %select_n3A_904 = arith.select %eq3A_886, %add3A_899, %add3A_903 : vector<16xi1>, vector<16xf32>
        %and3A_905 = arith.constant 8 : i32
        %and3A_906 = vector.broadcast %and3A_905 : i32 to vector<16xi32>
        %and3A_907 = arith.andi %iota3A, %and3A_906 : vector<16xi32>
        %eq3A_908 = arith.constant 0 : i32
        %eq3A_909 = vector.broadcast %eq3A_908 : i32 to vector<16xi32>
        %eq3A_910 = arith.cmpi eq, %and3A_907, %eq3A_909 : vector<16xi32>
        %broadcast_in_dim3A_911 = vector.shape_cast %xor3A_283 : vector<16xi32> to vector<16x1xi32>
        %gather3A_912 = vector.shape_cast %broadcast_in_dim3A_911 : vector<16x1xi32> to vector<16xi32>
        %gather3A_913 = tpu.dynamic_gather %select_n3A_895[%gather3A_912] in [0] : vector<16xf32>, vector<16xi32> -> vector<16xf32>
        %add3A_914 = arith.addf %select_n3A_895, %gather3A_913 : vector<16xf32>
        %broadcast_in_dim3A_915 = vector.shape_cast %xor3A_283 : vector<16xi32> to vector<16x1xi32>
        %gather3A_916 = vector.shape_cast %broadcast_in_dim3A_915 : vector<16x1xi32> to vector<16xi32>
        %gather3A_917 = tpu.dynamic_gather %select_n3A_904[%gather3A_916] in [0] : vector<16xf32>, vector<16xi32> -> vector<16xf32>
        %add3A_918 = arith.addf %select_n3A_904, %gather3A_917 : vector<16xf32>
        %select_n3A_919 = arith.select %eq3A_910, %add3A_914, %add3A_918 : vector<16xi1>, vector<16xf32>
        %lt3A_920 = arith.constant 10 : i32
        %lt3A_921 = vector.broadcast %lt3A_920 : i32 to vector<16xi32>
        %lt3A_922 = arith.cmpi slt, %add3A_396, %lt3A_921 : vector<16xi32>
        %neg3A = arith.constant 0.000000e+00 : f32
        %neg3A_923 = vector.broadcast %neg3A : f32 to vector<16xf32>
        %neg3A_924 = arith.subf %neg3A_923, %select_n3A_919 : vector<16xf32>
        %select_n3A_925 = arith.select %lt3A_922, %neg3A_924, %select_n3A_919 : vector<16xi1>, vector<16xf32>
        %lt3A_926 = arith.constant 210 : i32
        %lt3A_927 = vector.broadcast %lt3A_926 : i32 to vector<16xi32>
        %lt3A_928 = arith.cmpi slt, %add3A_396, %lt3A_927 : vector<16xi32>
        %jit3A = arith.constant 1.000000e-01 : f32
        %jit3A_929 = arith.constant 0.000000e+00 : f32
        %broadcast_in_dim3A_930 = vector.broadcast %jit3A : f32 to vector<16xf32>
        %broadcast_in_dim3A_931 = vector.broadcast %jit3A_929 : f32 to vector<16xf32>
        %select_n3A_932 = arith.select %lt3A_928, %broadcast_in_dim3A_930, %broadcast_in_dim3A_931 : vector<16xi1>, vector<16xf32>
        %abs3A = math.absf %select_n3A_925 : vector<16xf32>
        %neg3A_933 = arith.constant 0.000000e+00 : f32
        %neg3A_934 = vector.broadcast %neg3A_933 : f32 to vector<16xf32>
        %neg3A_935 = arith.subf %neg3A_934, %abs3A : vector<16xf32>
        %exp3A = math.exp %neg3A_935 : vector<16xf32>
        %max3A = arith.constant 0.000000e+00 : f32
        %max3A_936 = vector.broadcast %max3A : f32 to vector<16xf32>
        %max3A_937 = arith.maximumf %select_n3A_925, %max3A_936 : vector<16xf32>
        %add3A_938 = arith.constant 2.000000e+00 : f32
        %add3A_939 = vector.broadcast %add3A_938 : f32 to vector<16xf32>
        %add3A_940 = arith.addf %add3A_939, %exp3A : vector<16xf32>
        %div3A = arith.divf %exp3A, %add3A_940 : vector<16xf32>
        %mul3A_941 = arith.mulf %div3A, %div3A : vector<16xf32>
        %mul3A_942 = arith.constant 0.0909090936 : f32
        %mul3A_943 = vector.broadcast %mul3A_942 : f32 to vector<16xf32>
        %mul3A_944 = arith.mulf %mul3A_941, %mul3A_943 : vector<16xf32>
        %add3A_945 = arith.constant 0.111111112 : f32
        %add3A_946 = vector.broadcast %add3A_945 : f32 to vector<16xf32>
        %add3A_947 = arith.addf %add3A_946, %mul3A_944 : vector<16xf32>
        %mul3A_948 = arith.mulf %mul3A_941, %add3A_947 : vector<16xf32>
        %add3A_949 = arith.constant 0.142857149 : f32
        %add3A_950 = vector.broadcast %add3A_949 : f32 to vector<16xf32>
        %add3A_951 = arith.addf %add3A_950, %mul3A_948 : vector<16xf32>
        %mul3A_952 = arith.mulf %mul3A_941, %add3A_951 : vector<16xf32>
        %add3A_953 = arith.constant 2.000000e-01 : f32
        %add3A_954 = vector.broadcast %add3A_953 : f32 to vector<16xf32>
        %add3A_955 = arith.addf %add3A_954, %mul3A_952 : vector<16xf32>
        %mul3A_956 = arith.mulf %mul3A_941, %add3A_955 : vector<16xf32>
        %add3A_957 = arith.constant 0.333333343 : f32
        %add3A_958 = vector.broadcast %add3A_957 : f32 to vector<16xf32>
        %add3A_959 = arith.addf %add3A_958, %mul3A_956 : vector<16xf32>
        %mul3A_960 = arith.constant 2.000000e+00 : f32
        %mul3A_961 = vector.broadcast %mul3A_960 : f32 to vector<16xf32>
        %mul3A_962 = arith.mulf %mul3A_961, %div3A : vector<16xf32>
        %mul3A_963 = arith.mulf %mul3A_941, %add3A_959 : vector<16xf32>
        %add3A_964 = arith.constant 1.000000e+00 : f32
        %add3A_965 = vector.broadcast %add3A_964 : f32 to vector<16xf32>
        %add3A_966 = arith.addf %add3A_965, %mul3A_963 : vector<16xf32>
        %mul3A_967 = arith.mulf %mul3A_962, %add3A_966 : vector<16xf32>
        %add3A_968 = arith.addf %max3A_937, %mul3A_967 : vector<16xf32>
        %mul3A_969 = arith.mulf %select_n3A_932, %add3A_968 : vector<16xf32>
        %add3A_970 = arith.addf %scan3A_392, %mul3A_969 : vector<16xf32>
        scf.yield %add3A_970 : vector<16xf32>
      }
      %scan3A_383 = arith.constant 14 : i32
      %add3A_384 = arith.constant 2 : i32
      %add3A_385 = arith.addi %add3A_356, %add3A_384 : i32
      %lt3A_386 = arith.constant 128 : i32
      %lt3A_387 = arith.cmpi slt, %add3A_385, %lt3A_386 : i32
      %convert_element_type3A_388 = arith.extui %lt3A_387 : i1 to i32
      %cond3A_389 = arith.constant 0 : i32
      %cond3A_390 = arith.cmpi ne, %convert_element_type3A_388, %cond3A_389 : i32
      scf.if %cond3A_390 {
        %add3A_391 = arith.constant 2 : i32
        %add3A_392 = arith.addi %add3A_356, %add3A_391 : i32
        %dma_start3A_393 = arith.constant 0 : i32
        %dma_start3A_394 = arith.constant 0 : i32
        %dma_start3A_395 = tpu.memref_slice %arg12[%dma_start3A_393, %dma_start3A_394] : memref<224x64xf32, #tpu.memory_space<vmem>> -> memref<216x64xf32, #tpu.memory_space<vmem>>
        %dma_start3A_396 = arith.constant 0 : i32
        %dma_start3A_397 = tpu.memref_slice %arg8[%add3A_392, %dma_start3A_396] : memref<128x216xi32, #tpu.memory_space<vmem>> -> memref<1x216xi32, #tpu.memory_space<vmem>>
        %dma_start3A_398 = tpu.memref_squeeze %dma_start3A_397 : memref<1x216xi32, #tpu.memory_space<vmem>> -> memref<216xi32, #tpu.memory_space<vmem>>
        %dma_start3A_399 = arith.constant 0 : i32
        %dma_start3A_400 = arith.constant 0 : i32
        %dma_start3A_401 = tpu.memref_slice %arg2[%dma_start3A_399, %dma_start3A_400] : memref<1000000x64xf32, #tpu.memory_space<hbm>> -> memref<1000000x64xf32, #tpu.memory_space<hbm>>
        tpu.enqueue_indirect_dma source(%dma_start3A_401 : memref<1000000x64xf32, #tpu.memory_space<hbm>>) target(%dma_start3A_395 : memref<216x64xf32, #tpu.memory_space<vmem>>) offsets(%dma_start3A_398 : memref<216xi32, #tpu.memory_space<vmem>>) semaphore(%arg16 : memref<!tpu.dma_semaphore, #tpu.memory_space<semaphore_mem>>)
      } else {
      }
      scf.yield %scan3A_382 : vector<16xf32>
    }
    %scan3A_309 = arith.constant 64 : i32
    %mul3A_310 = arith.constant 2.44140625E-4 : f32
    %mul3A_311 = vector.broadcast %mul3A_310 : f32 to vector<16xf32>
    %mul3A_312 = arith.mulf %scan3A_308, %mul3A_311 : vector<16xf32>
    %swap3A_313 = arith.constant 0 : index
    %swap3A_314 = tpu.vector_load %arg13[%swap3A_313] {strides = array<i32>} : memref<16xf32, #tpu.memory_space<vmem>>, vector<16xf32>,
    tpu.vector_store %arg13[%swap3A_313], %mul3A_312 {strides = array<i32>} : memref<16xf32, #tpu.memory_space<vmem>>, vector<16xf32>,
    %mul3A_315 = arith.constant 16 : i32
    %mul3A_316 = arith.muli %add3A, %mul3A_315 : i32
    "tpu.region"() ({
      %run_scoped3A = tpu.sem_alloc : memref<!tpu.dma_semaphore, #tpu.memory_space<semaphore_mem>>
      %dma_start3A_317 = tpu.memref_slice %arg6[%mul3A_316] : memref<512xf32, #tpu.memory_space<hbm>> -> memref<16xf32, #tpu.memory_space<hbm>>
      %dma_start3A_318 = tpu.memref_slice %arg6[%mul3A_316] : memref<512xf32, #tpu.memory_space<hbm>> -> memref<16xf32, #tpu.memory_space<hbm>>
      tpu.enqueue_dma source(%arg13 : memref<16xf32, #tpu.memory_space<vmem>>) target(%dma_start3A_318 : memref<16xf32, #tpu.memory_space<hbm>>) target_semaphore(%run_scoped3A : memref<!tpu.dma_semaphore, #tpu.memory_space<semaphore_mem>>)
      %dma_wait3A_319 = tpu.memref_slice %arg6[%mul3A_316] : memref<512xf32, #tpu.memory_space<hbm>> -> memref<16xf32, #tpu.memory_space<hbm>>
      %dma_wait3A_320 = tpu.memref_slice %arg6[%mul3A_316] : memref<512xf32, #tpu.memory_space<hbm>> -> memref<16xf32, #tpu.memory_space<hbm>>
      tpu.wait_dma2 semaphore(%run_scoped3A : memref<!tpu.dma_semaphore, #tpu.memory_space<semaphore_mem>>) src(%arg13 : memref<16xf32, #tpu.memory_space<vmem>>) dst(%dma_wait3A_320 : memref<16xf32, #tpu.memory_space<hbm>>)
      tpu.yield
    }) : () -> ()
    return
  }
}

</mosaic_0001>

<sc_bundles>
// kernel: kernel.3.cloned.1.call-start
scs
__scs_entry_jumppad:
0x0: {  	(pc) =	sbr.rel $0x88, $3  }
0x1: {  	(tag) =	ssettag $0x0;
	lr =	simm.s32 $0x1  }
0x2: {  	[smem:$0x3F9C] =	sst lr;
	_ =	strace $0xD0000000  }
0x3: {  	_ = 	snop  }
0x4: {  	_ = 	snop  }
0x5: {  	_ = 	snop  }
0x6: {  	_ = 	snop  }
0x7: {  	_ = 	snop  }
__scs_overlays_trampoline_lowered:
0x8: {  	[smem:$0x3FAB] =	sst s0  }
0x9: {  	[smem:$0x3FAC] =	sst s1  }
0xa: {  	[smem:$0x3FAD] =	sst s2  }
0xb: {  	[smem:$0x3FAE] =	sst s3  }
0xc: {  	[smem:$0x3FAF] =	sst s4  }
0xd: {  	[smem:$0x3FB0] =	sst s5  }
0xe: {  	[smem:$0x3FB1] =	sst s6  }
0xf: {  	[smem:$0x3FB2] =	sst s7  }
0x10: {  	[smem:$0x3FB3] =	sst s8  }
0x11: {  	[smem:$0x3FB4] =	sst s9;
	s0 =	simm.s32 @!p0 $0x0  }
0x12: {  	s1 =	sld [smem:$0x3F9A];
	s0 =	simm.s32 @p0 $0x1  }
0x13: {  	[smem:$0x3FB5] =	sst s0;
	s0 =	simm.s32 @!p1 $0x0  }
0x14: {  	s2 =	sld [smem:$0x3F99];
	s0 =	simm.s32 @p1 $0x1  }
0x15: {  	[smem:$0x3FB6] =	sst s0;
	s0 =	simm.s32 @!p2 $0x0  }
0x16: {  	s3 =	sld [smem:$0x3FDB];
	s0 =	simm.s32 @p2 $0x1  }
0x17: {  	s4 =	simm.s32 $0x1BF5;
	[smem:$0x3FB8] =	sst s0  }
0x18: {  	s0 =	sld [smem:$0x3F9B];
	_ =	swait.ge [sflag:s4], $0x0  }
0x19: {  	s7 =	sld [smem:$0x3F9C]  }
0x1a: {  	s8 =	sadd.s32 $0xFFFFE003, lr  }
0x1b: {  	s9 =	sadd.s32 $0xFFFFFEF7, lr;
	s5 =	simm.s32 $0xFFFFFFFF;
	p2 =	slt.u32 s8, $0xFFFFF086  }
0x1c: {  	p1 =	slt.u32 s9, $0xF7A;
	s5 =	simm.s32 @!p2 $0x0  }
0x1d: {  	s5 =	simm.s32 @p1 $0x1;
	p0 =	seq.s32 s7, s2  }
0x1e: {  	s7 =	smul.u32 @!p0 $0xF7A, s2;
	p2 =	seq.s32 @!p0 s5, $0x0  }
0x1f: {  	s9 =	smul.u32 $0xF7A, s1;
	s8 =	simm.s32 @!p0 $0x1BF5;
	p2 =	por !p2, p0  }
0x20: {  	[sflag:s8] =	ssyncset.s32 @!p0 $0xFFFFF086;
	s6 =	sadd.s32 @!p0 s3, s7;
	s7 =	simm.s32 @!p0 $0x108  }
0x21: {  	s3 =	sadd.s32 s3, s9;
	s6 =	sadd.s32 @!p0 $0x88, s6;
	s7 =	simm.s32 @p2 $0x1082  }
0x22: {  	[simem:s7], [sflag:s8] =	dma.local @!p0 [hbm:s6], $0xF7A  }
0x23: {  	s9 =	sor.u32 $0xD0000000, s2;
	s6 =	simm.s32 $0x108;
	_ =	swait.ge @!p0 [sflag:s8], $0x0  }
0x24: {  	s3 =	sadd.s32 $0x88, s3;
	s6 =	simm.s32 @!p1 $0x1082;
	[sflag:s4] =	ssyncset.s32 $0xFFFFF086  }
0x25: {  	[simem:s6], [sflag:s4] =	dma.local [hbm:s3], $0xF7A  }
0x26: {  	[smem:$0x3F9C] =	sst s1;
	(tag) =	ssettag s2;
	_ =	strace s9  }
0x27: {  	s1 =	sld [smem:$0x3FAC]  }
0x28: {  	s2 =	sld [smem:$0x3FAD]  }
0x29: {  	s4 =	sld [smem:$0x3FAF]  }
0x2a: {  	p0 =	seq.s32 s5, $0x0;
	s5 =	sld [smem:$0x3FB0]  }
0x2b: {  	s6 =	sld [smem:$0x3FB1]  }
0x2c: {  	s7 =	sld [smem:$0x3FB2]  }
0x2d: {  	s3 =	simm.s32 $0x108;
	s8 =	sld [smem:$0x3FB3]  }
0x2e: {  	s3 =	simm.s32 @!p0 $0x1082;
	s9 =	sld [smem:$0x3FB4]  }
0x2f: {  	lr =	sadd.s32 s0, s3;
	s0 =	sld [smem:$0x3FAB]  }
0x30: {  	s3 =	sld [smem:$0x3FAE]  }
0x31: {  	[smem:$0x3FB7] =	sst s10  }
0x32: {  	s10 =	sld [smem:$0x3FB5];
	_ =	sdelay $0x3  }
0x33: {  	p0 =	seq.s32 s10, $0x1;
	s10 =	sld [smem:$0x3FB7];
	_ =	sdelay $0x3  }
0x34: {  	[smem:$0x3FB7] =	sst s10  }
0x35: {  	s10 =	sld [smem:$0x3FB6];
	_ =	sdelay $0x3  }
0x36: {  	p1 =	seq.s32 s10, $0x1;
	s10 =	sld [smem:$0x3FB7];
	_ =	sdelay $0x3  }
0x37: {  	[smem:$0x3FB7] =	sst s10  }
0x38: {  	s10 =	sld [smem:$0x3FB8]  }
0x39: {  	_ = 	snop;
	(pc) =	sbr.ind lr, $3  }
0x3a: {  	_ = 	snop  }
0x3b: {  	_ = 	snop  }
0x3c: {  	p2 =	seq.s32 s10, $0x1;
	s10 =	sld [smem:$0x3FB7]  }
0x3d: {  	_ =	shalt  }
0x3e: {  	_ =	shalt  }
0x3f: {  	_ =	shalt  }
0x40: {  	_ =	shalt  }
0x41: {  	_ =	shalt  }
0x42: {  	_ =	shalt  }
0x43: {  	_ =	shalt  }
0x44: {  	_ =	shalt  }
0x45: {  	_ =	shalt  }
0x46: {  	_ =	shalt  }
0x47: {  	_ =	shalt  }
0x48: {  	_ =	shalt  }
0x49: {  	_ =	shalt  }
0x4a: {  	_ =	shalt  }
0x4b: {  	_ =	shalt  }
0x4c: {  	_ =	shalt  }
0x4d: {  	_ =	shalt  }
0x4e: {  	_ =	shalt  }
0x4f: {  	_ =	shalt  }
0x50: {  	_ =	shalt  }
0x51: {  	_ =	shalt  }
0x52: {  	_ =	shalt  }
0x53: {  	_ =	shalt  }
0x54: {  	_ =	shalt  }
0x55: {  	_ =	shalt  }
0x56: {  	_ =	shalt  }
0x57: {  	_ =	shalt  }
0x58: {  	_ =	shalt  }
0x59: {  	_ =	shalt  }
0x5a: {  	_ =	shalt  }
0x5b: {  	_ =	shalt  }
0x5c: {  	_ =	shalt  }
0x5d: {  	_ =	shalt  }
0x5e: {  	_ =	shalt  }
0x5f: {  	_ =	shalt  }
0x60: {  	_ =	shalt  }
0x61: {  	_ =	shalt  }
0x62: {  	_ =	shalt  }
0x63: {  	_ =	shalt  }
0x64: {  	_ =	shalt  }
0x65: {  	_ =	shalt  }
0x66: {  	_ =	shalt  }
0x67: {  	_ =	shalt  }
0x68: {  	_ =	shalt  }
0x69: {  	_ =	shalt  }
0x6a: {  	_ =	shalt  }
0x6b: {  	_ =	shalt  }
0x6c: {  	_ =	shalt  }
0x6d: {  	_ =	shalt  }
0x6e: {  	_ =	shalt  }
0x6f: {  	_ =	shalt  }
0x70: {  	_ =	shalt  }
0x71: {  	_ =	shalt  }
0x72: {  	_ =	shalt  }
0x73: {  	_ =	shalt  }
0x74: {  	_ =	shalt  }
0x75: {  	_ =	shalt  }
0x76: {  	_ =	shalt  }
0x77: {  	_ =	shalt  }
0x78: {  	_ =	shalt  }
0x79: {  	_ =	shalt  }
0x7a: {  	_ =	shalt  }
0x7b: {  	_ =	shalt  }
0x7c: {  	_ =	shalt  }
0x7d: {  	_ =	shalt  }
0x7e: {  	_ =	shalt  }
0x7f: {  	_ =	shalt  }
0x80: {  	_ =	shalt  }
0x81: {  	_ =	shalt  }
0x82: {  	_ =	shalt  }
0x83: {  	_ =	shalt  }
0x84: {  	_ =	shalt  }
0x85: {  	_ =	shalt  }
0x86: {  	_ =	shalt  }
0x87: {  	_ =	shalt  }
.Lfunc_end0:
.L_simem_size_0:
called_computation_lowered:
.L_overlay_start_0:
0x88: {  	s2 =	sld [smem:$0x3FD9]  }
0x89: {  	s3 =	sld [smem:$0x3FFE];
	_ =	sdelay $0x1  }
0x8a: {  	s1 =	srdreg.scid  }
0x8b: {  	s0 =	sand.u32 $0x1, s1  }
0x8c: {  	s17 =	sshll.u32 s0, $0xA;
	s2 =	sadd.s32 s3, s2  }
0x8d: {  	s2 =	sadd.s32 s2, s17  }
0x8e: {  	[smem:$0x3FC3] =	sst s2  }
0x8f: {  	_ = 	snop  }
0x90: {  	s2 =	sld [smem:$0x3FC9];
	(tm) =	ssettm $0x1  }
0x91: {  	s18 =	sld [smem:$0x3FFB];
	_ =	sdelay $0x3  }
0x92: {  	_ =	strace s18  }
0x93: {  	s3 =	sld [smem:$0x3FFC];
	_ =	sdelay $0x3  }
0x94: {  	_ =	strace s3  }
0x95: {  	s3 =	sld [smem:$0x3FFD];
	_ =	sdelay $0x3  }
0x96: {  	_ =	strace s3  }
0x97: {  	_ =	strace $0x8FFFFFFF  }
0x98: {  	s19 =	sld [smem:$0x3FDB];
	_ =	sdelay $0x1  }
0x99: {  	s4 =	simm.s32 $_scs_section_size  }
0x9a: {  	s5 =	simm.s32 $_size__tile_overlayer_lowered;
	s6 =	simm.s32 $_tile_overlayer_lowered  }
0x9b: {  	s22 =	simm.s32 $0x1BFF;
	s21 =	sshll.u32 s6, $0x1;
	s3 =	sadd.s32 s4, s19  }
0x9c: {  	s7 =	simm.s32 $0x0;
	s20 =	sshll.u32 s5, $0x1;
	s5 =	sadd.s32 s21, s3  }
0x9d: {  	[timem:s7], [sflag:s22] =	dma.local [hbm:s5], s20  }
0x9e: {  	_ =	swait.ge [sflag:s22], s20  }
0x9f: {  	s4 =	ssub.s32 $0x0, s20;
	[sflag:s22] =	ssyncset.done $0x0  }
0xa0: {  	[sflag:s22] =	ssyncadd.s32 s4;
	_ =	sdelay $0x1  }
0xa1: {  	s23 =	simm.s32 $0x1B8B  }
0xa2: {  	_ =	swait.ge [sflag:s23], $0x1  }
0xa3: {  	[sflag:s23] =	ssyncset.done $0x0  }
0xa4: {  	s25 =	simm.s32 $0x1B8E;
	s24 =	sld [smem:$0x3FFE];
	[sflag:s23] =	ssyncadd.s32 $0xFFFFFFFF  }
0xa5: {  	s26 =	simm.s32 $execute0_lowered;
	[smem:$0x3FD2] =	sst s25  }
0xa6: {  	s5 =	sshll.u32 s26, $0x1;
	_ =	strace $0x80000046;
	[dreg:$0x1] =	wrdreg $0xFFFFFFFF  }
0xa7: {  	s28 =	simm.s32 $_size_execute0_lowered;
	s3 =	sadd.s32 s3, s5;
	[dreg:$0x0] =	wrdreg $0x0  }
0xa8: {  	s5 =	sshll.u32 s28, $0x1;
	[dreg:$0x2] =	wrdreg s3  }
0xa9: {  	[dreg:$0x3] =	wrdreg s5  }
0xaa: {  	[dreg:$0x4] =	wrdreg $0xC0  }
0xab: {  	_ =	task [dreg:s7], $0x5FFFF  }
0xac: {  	[dreg:$0x1] =	wrdreg $0xFFFFFFFF  }
0xad: {  	[dreg:$0x0] =	wrdreg $0x60  }
0xae: {  	[dreg:$0x2] =	wrdreg s24  }
0xaf: {  	[dreg:$0x3] =	wrdreg s2  }
0xb0: {  	[dreg:$0x4] =	wrdreg $0x9  }
0xb1: {  	_ =	task.clear_ibuf [dreg:s7], $0x5FFFF;
	_ =	strace $0x90000046  }
0xb2: {  	s29 =	simm.s32 $0x9;
	_ =	strace $0x80000048  }
0xb3: {  	_ =	swait.ge [sflag:s29], $0x1  }
0xb4: {  	[sflag:s29] =	ssyncadd.s32 $0xFFFFFFFF  }
0xb5: {  	_ =	strace $0x90000048  }
0xb6: {  	_ =	sfence  }
0xb7: {  	s30 =	sld [smem:$0x0];
	_ =	sdelay $0x2  }
0xb8: {  	s31 =	sshll.u32 s1, $0xD;
	s1 =	sshrl.u32 s1, $0x2  }
0xb9: {  	s3 =	sand.u32 $0x4000, s31;
	s1 =	sadd.s32 s1, s30  }
0xba: {  	s0 =	sor.u32 s3, s0;
	s1 =	sshll.u32 s1, $0x11  }
0xbb: {  	s0 =	sor.u32 s1, s0  }
0xbc: {  	s0 =	sadd.s32 $0x8F2B, s0  }
0xbd: {  	[sflag:s0] =	ssyncadd.remote.s32 $0x1  }
0xbe: {  	_ =	sfence.sel $0xFFFF  }
0xbf: {  	[dreg:$0x0] =	wrdreg $0xFFFFFFFF;
	(pc) =	sbr.abs _section_cstart, $3  }
0xc0: {  	[dreg:$0x1] =	wrdreg $0xFFFFFFFF  }
0xc1: {  	_ =	task.clear_ibuf [dreg:s7], $0x2FFFF;
	_ =	strace $0x9FFFFFFF  }
0xc2: {  	(tm) =	ssettm $0x7FFFFFFF  }
0xc3: {  	_ =	shalt  }
tec
execute0_lowered:
.L_overlay_start_1:
0x0: {  	(tag) =	ssettag $0x1  }
0x1: {  	v0 =	vimm.s32 $0xEFCDAB89;
	v1 =	vimm.s32 $0x67452301  }
0x2: {  	vm0 =	vcmask $0xB08;
	vm1 =	vcmask $0x300;
	v58 =	vlaneseq.u32  }
0x3: {  	v3 =	vimm.s32 $0x54761032;
	v4 =	vimm.s32 $0xBA98FEDC;
	v5 =	vimm.s32 $0x32107654  }
0x4: {  	vm2 =	vcmask $0x700;
	v0 =	vunpack.c.l.s4.s8 v0;
	v1 =	vunpack.c.l.s4.s8 v1  }
0x5: {  	vm3 =	vcmask $0xF00;
	vm0 =	vmor vm1, vm0;
	vm1 =	vcmask $0x1310  }
0x6: {  	s5 =	rddreg [dreg:$0x0];
	v3 =	vunpack.c.l.s4.s8 v3;
	v2 =	vunpack.c.0.s8.s32 v0;
	v1 =	vunpack.c.0.s8.s32 v1  }
0x7: {  	s6 =	rddreg [dreg:$0x1];
	v4 =	vunpack.c.l.s4.s8 v4;
	v5 =	vunpack.c.l.s4.s8 v5;
	vm0 =	vmor vm0, vm1  }
0x8: {  	s0 =	srdreg.scid;
	s1 =	rddreg [dreg:$0x2];
	vm1 =	vcmask $0x1B18;
	v1 =	vcombine.low v1, v2;
	v2 =	vimm.s32 $0xDCFE98BA  }
0x9: {  	s2 =	simm.s32 $0x0;
	s12 =	simm.s32 $0xD880;
	s13 =	simm.s32 $0x1;
	vm0 =	vmor vm0, vm1;
	vm1 =	vcmask $0x2320;
	v2 =	vunpack.c.l.s4.s8 v2  }
0xa: {  	s14 =	simm.s32 $0xD8;
	s15 =	simm.s32 $0x6C00;
	s16 =	simm.s32 $0xF880;
	v3 =	vunpack.c.0.s8.s32 v3;
	vm0 =	vmor vm0, vm1;
	vm1 =	vcmask $0x2B28  }
0xb: {  	s17 =	simm.s32 $0x6CD8;
	s18 =	simm.s32 $0x13080;
	s19 =	simm.s32 $0x2;
	vm0 =	vmor vm0, vm1;
	vm1 =	vcmask $0x3330;
	v2 =	vunpack.c.0.s8.s32 v2  }
0xc: {  	s20 =	simm.s32 $0x3;
	s21 =	simm.s32 $0x16880;
	s4 =	sand.u32 $0x1, s0;
	vm0 =	vmor vm0, vm1;
	vm1 =	vcmask $0x3B38;
	v1 =	vand.u32 $0xF, v1  }
0xd: {  	s0 =	stileid.u32;
	[smem:$0x7FF] =	sst s2;
	s3 =	sshll.u32 s4, $0x4;
	v2 =	vcombine.low v3, v2;
	v3 =	vunpack.c.0.s8.s32 v4;
	v4 =	vunpack.c.0.s8.s32 v5  }
0xe: {  	s22 =	simm.s32 $0x0;
	_ =	strace $0x80000047;
	s7 =	sor.u32 s0, s3;
	vm0 =	vmor vm0, vm1;
	vm1 =	vcmask $0x1710;
	v5 =	vimm.s32 $0xFEDCBA98  }
0xf: {  	s9 =	ssub.s32 $0x2, s4;
	s4 =	sadd.s32 $0xF42800, s5;
	s8 =	smul.u32 $0xD80, s7;
	v5 =	vunpack.c.l.s4.s8 v5;
	v3 =	vcombine.low v4, v3;
	v4 =	vimm.s32 $0x76543210  }
.Ltmp0:
0x10: {  	s3 =	sadd.s32 $0x16E3A00, s5;
	s11 =	sshrl.u32 s9, $0x1;
	vm1 =	vmor vm2, vm1;
	vm2 =	vcmask $0x2720;
	v4 =	vunpack.c.l.s4.s8 v4;
	(pc) =	sbr.rel .LBB2_1-.Ltmp0, $4  }
0x11: {  	s10 =	sshll.u32 s7, $0x1;
	s9 =	ssub.s32 s9, s11;
	s7 =	sshll.u32 s7, $0x4;
	vm1 =	vmor vm1, vm2;
	vm2 =	vcmask $0x3730;
	v5 =	vunpack.c.0.s8.s32 v5  }
0x12: {  	s11 =	simm.s32 $0x80;
	s10 =	sadd.s32 s10, s5;
	s6 =	sadd.s32 s6, s7;
	vm1 =	vmor vm1, vm2;
	vm2 =	vcmask $0x2F20;
	v4 =	vunpack.c.0.s8.s32 v4  }
0x13: {  	s8 =	sadd.s32 s8, s5;
	s7 =	sadd.s32 $0x1B400, s10;
	s10 =	simm.s32 $0xD800;
	vm2 =	vmor vm3, vm2;
	vm3 =	vmmov $0xff;
	v5 =	vand.u32 $0xF, v5  }
0x14: {  	s5 =	sadd.s32 $0x400, s8;
	s8 =	smax.u32 s9, $0x1;
	s9 =	simm.s32 $0x4;
	v2 =	vand.u32 $0xF, v2;
	v3 =	vand.u32 $0xF, v3;
	v4 =	vcombine.low v5, v4  }
.LBB2_10:
0x15: {  	v0 =	vmul.f32 $2.441406250e-04, v6;
	s22 =	sadd.s32 $0x1, s22  }
0x16: {  	p0 =	sne.s32 s22, s8  }
.Ltmp1:
0x17: {  	[tilespmem:$0x16880] =	vst v0;
	(pc) =	sbr.rel @!p0 .LBB2_11-.Ltmp1, $4  }
0x18: {  	[hbm4b:s7+s2] =	stream.linear.scatter [tilespmem:s21], [sflag:$0x4], $0x10, $0x38;
	[tilespmem:$0x16890] =	vst v63  }
0x19: {  	_ =	swait.ge [sflag:s9], $0x10  }
0x1a: {  	[sflag:s9] =	ssyncset.done $0x0  }
0x1b: {  	[sflag:s9] =	ssyncadd.s32 $0xFFFFFFF0  }
.LBB2_1:
0x1c: {  	[tilespmem:s2], [sflag:$0x4] =	stream.linear.gather [hbm4b:s5+s2], $0x6C00, $0x38;
	[tilespmem:$0x16890] =	vst v63  }
0x1d: {  	_ =	swait.ge [sflag:s9], $0x6C00  }
0x1e: {  	[sflag:s9] =	ssyncset.done $0x0  }
0x1f: {  	[sflag:s9] =	ssyncadd.s32 $0xFFFF9400  }
0x20: {  	[tilespmem:s10], [sflag:$0x4] =	stream.linear.gather [hbm4b:s6+s2], $0x80, $0x38;
	[tilespmem:$0x16890] =	vst v63  }
0x21: {  	_ =	swait.ge [sflag:s9], $0x80  }
0x22: {  	[sflag:s9] =	ssyncset.done $0x0  }
0x23: {  	s23 =	simm.s32 $0x0;
	[sflag:s9] =	ssyncadd.s32 $0xFFFFFF80  }
0x24: {  	[tilespmem:s12], [sflag:$0x1] =	stream.indirect.gather [hbm4b:s4+s11], $0x40, s10, s11, $0xb8;
	[tilespmem:$0x16890] =	vst v63  }
0x25: {  	v6 =	vld [tilespmem:s23+$0xC0]  }
0x26: {  	v7 =	vld [tilespmem:s23+$0xC8]  }
0x27: {  	v8 =	vld [tilespmem:s23+$0x0]  }
0x28: {  	v9 =	vld [tilespmem:s23+$0x10]  }
0x29: {  	v11 =	vld [tilespmem:s23+$0x30]  }
0x2a: {  	v10 =	vld [tilespmem:s23+$0x20];
	v6 =	vtrunc.f32 v6  }
0x2b: {  	v7 =	vtrunc.f32 v7;
	v6 =	vcvt.f32.s32 v6  }
0x2c: {  	v12 =	vld [tilespmem:s23+$0x40];
	v8 =	vtrunc.f32 v8;
	v7 =	vcvt.f32.s32 v7  }
0x2d: {  	v13 =	vld [tilespmem:s23+$0x50];
	[tilespmem:s23+$0x6CC0] =	vst v6;
	v6 =	vcvt.f32.s32 v8;
	v8 =	vtrunc.f32 v9  }
0x2e: {  	v14 =	vld [tilespmem:s23+$0x60];
	v9 =	vtrunc.f32 v11;
	[tilespmem:s23+$0x6CC8] =	vst v7;
	v8 =	vcvt.f32.s32 v8  }
0x2f: {  	v15 =	vld [tilespmem:s23+$0x70];
	v9 =	vcvt.f32.s32 v9;
	[tilespmem:s23+$0x6C00] =	vst v6;
	v6 =	vtrunc.f32 v10  }
0x30: {  	v7 =	vld [tilespmem:s23+$0x80];
	v6 =	vcvt.f32.s32 v6;
	[tilespmem:s23+$0x6C10] =	vst v8  }
0x31: {  	v10 =	vtrunc.f32 v12;
	v8 =	vld [tilespmem:s23+$0x90];
	[tilespmem:s23+$0x6C30] =	vst v9  }
0x32: {  	v12 =	vcvt.f32.s32 v10;
	v9 =	vtrunc.f32 v13;
	[tilespmem:s23+$0x6C20] =	vst v6;
	v6 =	vld [tilespmem:s23+$0xA0]  }
0x33: {  	s24 =	simm.s32 $0xD8;
	v10 =	vld [tilespmem:s23+$0xB0];
	v13 =	vtrunc.f32 v14;
	v11 =	vcvt.f32.s32 v9  }
0x34: {  	s25 =	simm.s32 $0x6C0;
	v9 =	vld [tilespmem:s24+$0xC0];
	[tilespmem:s23+$0x6C40] =	vst v12;
	v12 =	vcvt.f32.s32 v13;
	v13 =	vtrunc.f32 v15  }
.LBB2_2:
0x35: {  	p0 =	sne.s32 s25, $0x1ACA0;
	v14 =	vld [tilespmem:s24+$0xC8];
	[tilespmem:s23+$0x6C50] =	vst v11;
	v11 =	vcvt.f32.s32 v13;
	v7 =	vtrunc.f32 v7  }
0x36: {  	v13 =	vld [tilespmem:s24+$0x0];
	[tilespmem:s23+$0x6C60] =	vst v12;
	v7 =	vcvt.f32.s32 v7;
	v8 =	vtrunc.f32 v8  }
0x37: {  	v12 =	vld [tilespmem:s24+$0x10];
	[tilespmem:s23+$0x6C70] =	vst v11;
	v8 =	vcvt.f32.s32 v8;
	v6 =	vtrunc.f32 v6  }
0x38: {  	v11 =	vld [tilespmem:s24+$0x20];
	[tilespmem:s23+$0x6C80] =	vst v7;
	v6 =	vcvt.f32.s32 v6;
	v7 =	vtrunc.f32 v10  }
0x39: {  	v10 =	vld [tilespmem:s24+$0x30];
	v9 =	vtrunc.f32 v9;
	[tilespmem:s23+$0x6C90] =	vst v8;
	v7 =	vcvt.f32.s32 v7  }
0x3a: {  	v8 =	vld [tilespmem:s24+$0x40];
	v9 =	vcvt.f32.s32 v9;
	v14 =	vtrunc.f32 v14;
	[tilespmem:s23+$0x6CA0] =	vst v6  }
0x3b: {  	v6 =	vtrunc.f32 v13;
	v13 =	vld [tilespmem:s24+$0x50];
	v14 =	vcvt.f32.s32 v14;
	[tilespmem:s23+$0x6CB0] =	vst v7;
	s23 =	smov.u32 s24  }
0x3c: {  	v6 =	vcvt.f32.s32 v6;
	v7 =	vtrunc.f32 v12;
	v12 =	vld [tilespmem:s23+$0x60];
	[tilespmem:s23+$0x6CC0] =	vst v9  }
0x3d: {  	v9 =	vcvt.f32.s32 v7;
	v7 =	vtrunc.f32 v11;
	v15 =	vld [tilespmem:s23+$0x70];
	[tilespmem:s23+$0x6CC8] =	vst v14  }
.Ltmp2:
0x3e: {  	[tilespmem:s23+$0x6C00] =	vst v6;
	v6 =	vcvt.f32.s32 v7;
	v10 =	vtrunc.f32 v10;
	v7 =	vld [tilespmem:s23+$0x80];
	(pc) =	sbr.rel @p0 .LBB2_2-.Ltmp2, $4  }
0x3f: {  	[tilespmem:s23+$0x6C10] =	vst v9;
	v9 =	vcvt.f32.s32 v10;
	v10 =	vtrunc.f32 v8;
	v8 =	vld [tilespmem:s23+$0x90]  }
0x40: {  	[tilespmem:s23+$0x6C20] =	vst v6;
	v14 =	vcvt.f32.s32 v10;
	v10 =	vtrunc.f32 v13;
	v6 =	vld [tilespmem:s23+$0xA0]  }
0x41: {  	s24 =	sshra.s32 s25, $0x2;
	[tilespmem:s23+$0x6C30] =	vst v9;
	v11 =	vcvt.f32.s32 v10;
	v12 =	vtrunc.f32 v12;
	v10 =	vld [tilespmem:s23+$0xB0]  }
0x42: {  	s25 =	sadd.s32 $0x360, s25;
	v9 =	vld [tilespmem:s24+$0xC0];
	[tilespmem:s23+$0x6C40] =	vst v14;
	v12 =	vcvt.f32.s32 v12;
	v13 =	vtrunc.f32 v15  }
0x43: {  	v14 =	vld [tilespmem:s24+$0xC8];
	[tilespmem:s23+$0x6C50] =	vst v11;
	v13 =	vcvt.f32.s32 v13;
	v7 =	vtrunc.f32 v7  }
0x44: {  	v11 =	vld [tilespmem:s24+$0x0];
	[tilespmem:s23+$0x6C60] =	vst v12;
	v7 =	vcvt.f32.s32 v7;
	v8 =	vtrunc.f32 v8  }
0x45: {  	v12 =	vld [tilespmem:s24+$0x10];
	[tilespmem:s23+$0x6C70] =	vst v13;
	v8 =	vcvt.f32.s32 v8  }
0x46: {  	v6 =	vtrunc.f32 v6;
	v13 =	vld [tilespmem:s24+$0x20];
	[tilespmem:s23+$0x6C80] =	vst v7  }
0x47: {  	v6 =	vcvt.f32.s32 v6;
	v7 =	vld [tilespmem:s24+$0x30];
	[tilespmem:s23+$0x6C90] =	vst v8;
	v8 =	vtrunc.f32 v10  }
0x48: {  	v8 =	vcvt.f32.s32 v8  }
0x49: {  	v53 =	vld [tilespmem:s24+$0x40];
	[tilespmem:s23+$0x6CA0] =	vst v6;
	v6 =	vtrunc.f32 v9  }
0x4a: {  	v54 =	vld [tilespmem:s24+$0x50];
	v6 =	vcvt.f32.s32 v6;
	[tilespmem:s23+$0x6CB0] =	vst v8;
	v8 =	vtrunc.f32 v14  }
0x4b: {  	v11 =	vtrunc.f32 v11;
	v8 =	vcvt.f32.s32 v8  }
0x4c: {  	[tilespmem:s24+$0x6CC0] =	vst v6;
	v6 =	vcvt.f32.s32 v11  }
0x4d: {  	v12 =	vtrunc.f32 v12;
	[tilespmem:s24+$0x6CC8] =	vst v8  }
0x4e: {  	v55 =	vld [tilespmem:s24+$0x60];
	v8 =	vcvt.f32.s32 v12;
	[tilespmem:s24+$0x6C00] =	vst v6;
	v6 =	vtrunc.f32 v13  }
0x4f: {  	v56 =	vld [tilespmem:s24+$0x70];
	v6 =	vcvt.f32.s32 v6  }
0x50: {  	v57 =	vld [tilespmem:s24+$0x80];
	v7 =	vtrunc.f32 v7;
	[tilespmem:s24+$0x6C10] =	vst v8  }
0x51: {  	v7 =	vcvt.f32.s32 v7;
	v8 =	vld [tilespmem:s24+$0x90];
	[tilespmem:s24+$0x6C20] =	vst v6;
	v6 =	vtrunc.f32 v53  }
0x52: {  	v59 =	vld [tilespmem:s24+$0xA0];
	v9 =	vtrunc.f32 v54;
	v6 =	vcvt.f32.s32 v6  }
0x53: {  	v61 =	vld [tilespmem:s24+$0xB0];
	[tilespmem:s24+$0x6C30] =	vst v7;
	v7 =	vcvt.f32.s32 v9;
	v60 =	vtrunc.f32 v55  }
0x54: {  	v62 =	vtrunc.f32 v56;
	[tilespmem:s24+$0x6C40] =	vst v6;
	v6 =	vcvt.f32.s32 v60  }
0x55: {  	v63 =	vtrunc.f32 v57;
	[tilespmem:s24+$0x6C50] =	vst v7;
	v7 =	vcvt.f32.s32 v62  }
0x56: {  	v8 =	vtrunc.f32 v8;
	[tilespmem:s24+$0x6C60] =	vst v6;
	v6 =	vcvt.f32.s32 v63  }
0x57: {  	[tilespmem:s24+$0x6C70] =	vst v7;
	v7 =	vcvt.f32.s32 v8;
	v8 =	vtrunc.f32 v59  }
0x58: {  	[tilespmem:s24+$0x6C80] =	vst v6;
	v6 =	vcvt.f32.s32 v8;
	v8 =	vtrunc.f32 v61  }
0x59: {  	[tilespmem:s24+$0x6C90] =	vst v7;
	v7 =	vcvt.f32.s32 v8  }
0x5a: {  	[tilespmem:s24+$0x6CA0] =	vst v6  }
0x5b: {  	[tilespmem:s24+$0x6CB0] =	vst v7  }
0x5c: {  	_ =	swait.ge [sflag:s13], $0x2000  }
0x5d: {  	[sflag:s13] =	ssyncset.done $0x0  }
0x5e: {  	v6 =	vimm.f32 $0.0e+00;
	[sflag:s13] =	ssyncadd.s32 $0xFFFFE000  }
0x5f: {  	[tilespmem:$0x12E80] =	vst v6  }
0x60: {  	[tilespmem:$0x12E90] =	vst v6  }
0x61: {  	[tilespmem:$0x12EA0] =	vst v6  }
0x62: {  	[tilespmem:$0x12EB0] =	vst v6  }
0x63: {  	[tilespmem:$0x12EC0] =	vst v6  }
0x64: {  	[tilespmem:$0x12ED0] =	vst v6  }
0x65: {  	[tilespmem:$0x12EE0] =	vst v6  }
0x66: {  	[tilespmem:$0x12EF0] =	vst v6  }
0x67: {  	[tilespmem:$0x12F00] =	vst v6  }
0x68: {  	[tilespmem:$0x12F10] =	vst v6  }
0x69: {  	[tilespmem:$0x12F20] =	vst v6  }
0x6a: {  	[tilespmem:$0x12F30] =	vst v6  }
0x6b: {  	[tilespmem:$0x12F40] =	vst v6  }
0x6c: {  	[tilespmem:$0x12F50] =	vst v6  }
0x6d: {  	[tilespmem:$0x12F60] =	vst v6  }
0x6e: {  	[tilespmem:$0x12F70] =	vst v6  }
0x6f: {  	[tilespmem:$0x12F80] =	vst v6  }
0x70: {  	[tilespmem:$0x12F90] =	vst v6  }
0x71: {  	[tilespmem:$0x12FA0] =	vst v6  }
0x72: {  	[tilespmem:$0x12FB0] =	vst v6  }
0x73: {  	[tilespmem:$0x12FC0] =	vst v6  }
0x74: {  	[tilespmem:$0x12FD0] =	vst v6  }
0x75: {  	[tilespmem:$0x12FE0] =	vst v6  }
0x76: {  	[tilespmem:$0x12FF0] =	vst v6  }
0x77: {  	[tilespmem:$0x13000] =	vst v6  }
0x78: {  	[tilespmem:$0x13010] =	vst v6  }
0x79: {  	[tilespmem:$0x13020] =	vst v6  }
0x7a: {  	[tilespmem:$0x13030] =	vst v6  }
0x7b: {  	[tilespmem:$0x13040] =	vst v6  }
0x7c: {  	[tilespmem:$0x13050] =	vst v6  }
0x7d: {  	[tilespmem:$0x13060] =	vst v6  }
0x7e: {  	[tilespmem:$0x13070] =	vst v6  }
0x7f: {  	[tilespmem:$0x16680] =	vst v6  }
0x80: {  	[tilespmem:$0x16690] =	vst v6  }
0x81: {  	[tilespmem:$0x166A0] =	vst v6  }
0x82: {  	[tilespmem:$0x166B0] =	vst v6  }
0x83: {  	[tilespmem:$0x166C0] =	vst v6  }
0x84: {  	[tilespmem:$0x166D0] =	vst v6  }
0x85: {  	[tilespmem:$0x166E0] =	vst v6  }
0x86: {  	[tilespmem:$0x166F0] =	vst v6  }
0x87: {  	[tilespmem:$0x16700] =	vst v6  }
0x88: {  	[tilespmem:$0x16710] =	vst v6  }
0x89: {  	[tilespmem:$0x16720] =	vst v6  }
0x8a: {  	[tilespmem:$0x16730] =	vst v6  }
0x8b: {  	[tilespmem:$0x16740] =	vst v6  }
0x8c: {  	[tilespmem:$0x16750] =	vst v6  }
0x8d: {  	[tilespmem:$0x16760] =	vst v6  }
0x8e: {  	[tilespmem:$0x16770] =	vst v6  }
0x8f: {  	[tilespmem:$0x16780] =	vst v6  }
0x90: {  	[tilespmem:$0x16790] =	vst v6  }
0x91: {  	[tilespmem:$0x167A0] =	vst v6  }
0x92: {  	[tilespmem:$0x167B0] =	vst v6  }
0x93: {  	[tilespmem:$0x167C0] =	vst v6  }
0x94: {  	[tilespmem:$0x167D0] =	vst v6  }
0x95: {  	[tilespmem:$0x167E0] =	vst v6  }
0x96: {  	[tilespmem:$0x167F0] =	vst v6  }
0x97: {  	[tilespmem:$0x16800] =	vst v6  }
0x98: {  	[tilespmem:$0x16810] =	vst v6  }
0x99: {  	[tilespmem:$0x16820] =	vst v6  }
0x9a: {  	[tilespmem:$0x16830] =	vst v6  }
0x9b: {  	[tilespmem:$0x16840] =	vst v6  }
0x9c: {  	[tilespmem:$0x16850] =	vst v6  }
0x9d: {  	[tilespmem:$0x16860] =	vst v6  }
0x9e: {  	[tilespmem:$0x16870] =	vst v6  }
0x9f: {  	[tilespmem:s16], [sflag:$0x2] =	stream.indirect.gather [hbm4b:s3+s14], $0x40, s15, s14, $0xb8;
	[tilespmem:$0x16890] =	vst v63  }
0xa0: {  	s23 =	simm.s32 $0x0;
	s24 =	simm.s32 $0x0  }
0xa1: {  	[tilespmem:s18], [sflag:$0x3] =	stream.indirect.gather [hbm4b:s3+s14], $0x40, s17, s14, $0xb8;
	[tilespmem:$0x16890] =	vst v63  }
.LBB2_4:
0xa2: {  	_ =	swait.ge [sflag:s19], $0x3600  }
0xa3: {  	s25 =	sshll.u32 s24, $0x7;
	[sflag:s19] =	ssyncset.done $0x0  }
0xa4: {  	s25 =	sand.u32 $0x3FFFFF80, s25;
	[sflag:s19] =	ssyncadd.s32 $0xFFFFCA00  }
0xa5: {  	v7 =	vld [tilespmem:s25+$0xD880]  }
0xa6: {  	v8 =	vld [tilespmem:s25+$0xD890]  }
0xa7: {  	v9 =	vld [tilespmem:s25+$0xD8A0]  }
0xa8: {  	s26 =	simm.s32 $0xFA80;
	v10 =	vld [tilespmem:s25+$0xD8B0]  }
0xa9: {  	v11 =	vld [tilespmem:s26+$0xFFFFFE30]  }
0xaa: {  	v12 =	vld [tilespmem:s26+$0xFFFFFE70]  }
0xab: {  	v13 =	vld [tilespmem:s26+$0xFFFFFEB0]  }
0xac: {  	v14 =	vld [tilespmem:s26+$0xFFFFFEF0]  }
0xad: {  	v15 =	vld [tilespmem:s26+$0xFFFFFF30]  }
0xae: {  	v16 =	vld [tilespmem:s26+$0xFFFFFF70]  }
0xaf: {  	v17 =	vld [tilespmem:s26+$0xFFFFFFB0]  }
0xb0: {  	v18 =	vld [tilespmem:s26+$0xFFFFFFF0]  }
0xb1: {  	v19 =	vld [tilespmem:s26+$0xFFFFFE20]  }
0xb2: {  	v20 =	vld [tilespmem:s26+$0xFFFFFE60]  }
0xb3: {  	v21 =	vld [tilespmem:s26+$0xFFFFFEA0]  }
0xb4: {  	v22 =	vld [tilespmem:s26+$0xFFFFFEE0]  }
0xb5: {  	v23 =	vld [tilespmem:s26+$0xFFFFFF20]  }
0xb6: {  	v24 =	vld [tilespmem:s26+$0xFFFFFF60]  }
0xb7: {  	v25 =	vld [tilespmem:s26+$0xFFFFFFA0]  }
0xb8: {  	v28 =	vld [tilespmem:s26+$0xFFFFFE00]  }
0xb9: {  	v29 =	vld [tilespmem:s26+$0xFFFFFE10]  }
0xba: {  	v30 =	vld [tilespmem:s26+$0xFFFFFE40]  }
0xbb: {  	v31 =	vld [tilespmem:s26+$0xFFFFFE50]  }
0xbc: {  	v32 =	vld [tilespmem:s26+$0xFFFFFE80]  }
0xbd: {  	v33 =	vld [tilespmem:s26+$0xFFFFFE90]  }
0xbe: {  	v34 =	vld [tilespmem:s26+$0xFFFFFEC0]  }
0xbf: {  	v35 =	vld [tilespmem:s26+$0xFFFFFED0]  }
0xc0: {  	v36 =	vld [tilespmem:s26+$0xFFFFFF00]  }
0xc1: {  	v37 =	vld [tilespmem:s26+$0xFFFFFF10]  }
0xc2: {  	v38 =	vld [tilespmem:s26+$0xFFFFFF40]  }
0xc3: {  	v39 =	vld [tilespmem:s26+$0xFFFFFF50];
	v11 =	vmul.f32 v11, v10  }
0xc4: {  	v40 =	vld [tilespmem:s26+$0xFFFFFF80];
	v12 =	vmul.f32 v12, v10;
	v13 =	vmul.f32 v13, v10  }
0xc5: {  	v41 =	vld [tilespmem:s26+$0xFFFFFF90];
	v14 =	vmul.f32 v14, v10;
	v15 =	vmul.f32 v15, v10  }
0xc6: {  	v42 =	vld [tilespmem:s26+$0xFFFFFFC0];
	v16 =	vmul.f32 v16, v10;
	v17 =	vmul.f32 v17, v10  }
0xc7: {  	v43 =	vld [tilespmem:s26+$0xFFFFFFD0];
	v19 =	vmul.f32 v19, v9;
	v20 =	vmul.f32 v20, v9  }
0xc8: {  	v44 =	vld [tilespmem:s26+$0x0];
	v21 =	vmul.f32 v21, v9;
	v22 =	vmul.f32 v22, v9  }
0xc9: {  	v45 =	vld [tilespmem:s26+$0x10];
	v23 =	vmul.f32 v23, v9;
	v28 =	vmul.f32 v28, v7  }
0xca: {  	v46 =	vld [tilespmem:s26+$0x40];
	v29 =	vmul.f32 v29, v8;
	v30 =	vmul.f32 v30, v7  }
0xcb: {  	v47 =	vld [tilespmem:s26+$0x50];
	v31 =	vmul.f32 v31, v8;
	v32 =	vmul.f32 v32, v7  }
0xcc: {  	v48 =	vld [tilespmem:s26+$0x80];
	v33 =	vmul.f32 v33, v8;
	v34 =	vmul.f32 v34, v7  }
0xcd: {  	v49 =	vld [tilespmem:s26+$0x90];
	v35 =	vmul.f32 v35, v8;
	v36 =	vmul.f32 v36, v7  }
0xce: {  	v50 =	vld [tilespmem:s26+$0xC0];
	v37 =	vmul.f32 v37, v8;
	v38 =	vmul.f32 v38, v7  }
0xcf: {  	v51 =	vld [tilespmem:s26+$0xD0];
	v39 =	vmul.f32 v39, v8;
	v40 =	vmul.f32 v40, v7  }
0xd0: {  	v52 =	vld [tilespmem:s26+$0x100];
	v41 =	vmul.f32 v41, v8;
	v42 =	vmul.f32 v42, v7  }
0xd1: {  	v55 =	vld [tilespmem:s26+$0x150];
	v43 =	vmul.f32 v43, v8;
	v44 =	vmul.f32 v44, v7  }
0xd2: {  	v56 =	vld [tilespmem:s26+$0x180];
	v45 =	vmul.f32 v45, v8;
	v46 =	vmul.f32 v46, v7  }
0xd3: {  	v57 =	vld [tilespmem:s26+$0x190];
	v47 =	vmul.f32 v47, v8;
	v48 =	vmul.f32 v48, v7  }
0xd4: {  	v53 =	vld [tilespmem:s26+$0x110];
	v49 =	vmul.f32 v49, v8;
	v50 =	vmul.f32 v50, v7  }
0xd5: {  	v54 =	vld [tilespmem:s26+$0x140];
	v51 =	vmul.f32 v51, v8;
	v52 =	vmul.f32 v52, v7;
	v28 =	vadd.f32 v29, v28  }
0xd6: {  	v26 =	vld [tilespmem:s26+$0xFFFFFFE0];
	v59 =	vmul.f32 v55, v8;
	v30 =	vadd.f32 v31, v30;
	v31 =	vadd.f32 v33, v32  }
0xd7: {  	v27 =	vld [tilespmem:s26+$0x20];
	v61 =	vmul.f32 v56, v7;
	v34 =	vadd.f32 v35, v34;
	v36 =	vadd.f32 v37, v36  }
0xd8: {  	v60 =	vld [tilespmem:s26+$0xA0];
	v63 =	vmul.f32 v57, v8;
	v38 =	vadd.f32 v39, v38;
	v40 =	vadd.f32 v41, v40  }
0xd9: {  	v62 =	vld [tilespmem:s26+$0xE0];
	v29 =	vmul.f32 v53, v8;
	v42 =	vadd.f32 v43, v42;
	v44 =	vadd.f32 v45, v44  }
0xda: {  	v56 =	vld [tilespmem:s26+$0x160];
	v32 =	vmul.f32 v54, v7;
	v46 =	vadd.f32 v47, v46;
	v48 =	vadd.f32 v49, v48  }
0xdb: {  	v24 =	vmul.f32 v24, v9;
	v57 =	vld [tilespmem:s26+$0x1A0];
	v50 =	vadd.f32 v51, v50;
	v41 =	vadd.f32 v63, v61  }
0xdc: {  	v25 =	vmul.f32 v25, v9;
	v53 =	vld [tilespmem:s26+$0x1C0];
	v29 =	vadd.f32 v29, v52;
	v32 =	vadd.f32 v59, v32  }
0xdd: {  	v26 =	vmul.f32 v26, v9;
	v33 =	vld [tilespmem:s26+$0x1D0];
	v19 =	vadd.f32 v19, v28;
	v20 =	vadd.f32 v20, v30  }
0xde: {  	v27 =	vmul.f32 v27, v9;
	v35 =	vld [tilespmem:s26+$0x60];
	v21 =	vadd.f32 v21, v31;
	v22 =	vadd.f32 v22, v34  }
0xdf: {  	v54 =	vld [tilespmem:s26+$0x120];
	v43 =	vmul.f32 v62, v9;
	v23 =	vadd.f32 v23, v36;
	v24 =	vadd.f32 v24, v38  }
0xe0: {  	v62 =	vld [tilespmem:s26+$0xB0];
	v28 =	vmul.f32 v60, v9;
	v25 =	vadd.f32 v25, v40;
	v26 =	vadd.f32 v26, v42  }
0xe1: {  	v18 =	vmul.f32 v18, v10;
	v63 =	vld [tilespmem:s26+$0xF0];
	v27 =	vadd.f32 v27, v44;
	v43 =	vadd.f32 v43, v50  }
0xe2: {  	v45 =	vld [tilespmem:s26+$0x130];
	v61 =	vmul.f32 v56, v9;
	v28 =	vadd.f32 v28, v48;
	v11 =	vadd.f32 v11, v19  }
0xe3: {  	v49 =	vld [tilespmem:s26+$0x1F0];
	v37 =	vmul.f32 v57, v9;
	v12 =	vadd.f32 v12, v20;
	v13 =	vadd.f32 v13, v21  }
0xe4: {  	v14 =	vadd.f32 v14, v22;
	v15 =	vadd.f32 v15, v23;
	v55 =	vmul.f32 v53, v7  }
0xe5: {  	v59 =	vld [tilespmem:s26+$0x1E0];
	v16 =	vadd.f32 v16, v24;
	v33 =	vmul.f32 v33, v8;
	v35 =	vmul.f32 v35, v9  }
0xe6: {  	v30 =	vld [tilespmem:s26+$0x30];
	v17 =	vadd.f32 v17, v25;
	v60 =	vmul.f32 v54, v9;
	v38 =	vmul.f32 v62, v10  }
0xe7: {  	v31 =	vld [tilespmem:s26+$0x70];
	v18 =	vadd.f32 v18, v26;
	v19 =	vmul.f32 v63, v10;
	v20 =	vmul.f32 v45, v10  }
0xe8: {  	v32 =	vadd.f32 v61, v32;
	v25 =	vmul.f32 v49, v10;
	v50 =	vperm.xlane v16, v1  }
0xe9: {  	v48 =	vld [tilespmem:s26+$0x1B0];
	v47 =	vadd.f32 v37, v41;
	v53 =	vperm.xlane v17, v1;
	v54 =	vperm.xlane v18, v1  }
0xea: {  	v33 =	vadd.f32 v33, v55;
	v35 =	vadd.f32 v35, v46;
	v39 =	vmul.f32 v59, v9  }
0xeb: {  	v30 =	vmul.f32 v30, v10;
	v29 =	vadd.f32 v60, v29;
	v26 =	vadd.f32 v38, v28  }
0xec: {  	v31 =	vmul.f32 v31, v10;
	v19 =	vadd.f32 v19, v43;
	v16 =	vadd.f32 v50, v16  }
0xed: {  	v28 =	vperm.xlane v12, v1;
	v17 =	vadd.f32 v53, v17;
	v18 =	vadd.f32 v54, v18  }
0xee: {  	v33 =	vadd.f32 v39, v33;
	v22 =	vmul.f32 v48, v10;
	v23 =	vadd.f32 v30, v27  }
0xef: {  	v46 =	vld [tilespmem:s26+$0x170];
	s26 =	simm.s32 $0xFE80;
	v20 =	vadd.f32 v20, v29;
	v27 =	vperm.xlane v11, v1;
	v29 =	vperm.xlane v13, v1  }
0xf0: {  	v51 =	vld [tilespmem:s26+$0xFFFFFE30];
	v24 =	vadd.f32 v31, v35;
	v30 =	vperm.xlane v14, v1;
	v31 =	vperm.xlane v15, v1  }
0xf1: {  	v36 =	vld [tilespmem:s26+$0xFFFFFE70];
	v57 =	vperm.xlane v26, v1;
	v12 =	vadd.f32 v28, v12;
	v22 =	vadd.f32 v22, v47  }
0xf2: {  	v59 =	vld [tilespmem:s26+$0xFFFFFF70];
	v25 =	vadd.f32 v25, v33;
	v55 =	vperm.xlane v23, v1;
	v56 =	vperm.xlane v24, v1  }
0xf3: {  	v38 =	vld [tilespmem:s26+$0xFFFFFFF0];
	v11 =	vadd.f32 v27, v11;
	v13 =	vadd.f32 v29, v13;
	v29 =	vperm.xlane v19, v1  }
0xf4: {  	v63 =	vld [tilespmem:s26+$0xFFFFFF60];
	v14 =	vadd.f32 v30, v14;
	v15 =	vadd.f32 v31, v15;
	v31 =	vperm.xlane v20, v1  }
0xf5: {  	v52 =	vld [tilespmem:s26+$0xFFFFFFA0];
	v26 =	vadd.f32 v57, v26;
	v21 =	vmul.f32 v46, v10;
	v23 =	vadd.f32 v55, v23  }
0xf6: {  	v53 =	vld [tilespmem:s26+$0xFFFFFFE0];
	v61 =	vperm.xlane v22, v1;
	v24 =	vadd.f32 v56, v24;
	v19 =	vadd.f32 v29, v19  }
0xf7: {  	v54 =	vld [tilespmem:s26+$0xFFFFFE00];
	v29 =	vperm.xlane v25, v1;
	v20 =	vadd.f32 v31, v20;
	v11 =	vsel vm0, v11, v12  }
0xf8: {  	v34 =	vld [tilespmem:s26+$0xFFFFFE80];
	v12 =	vsel vm0, v13, v14;
	v13 =	vsel vm0, v15, v16;
	v21 =	vadd.f32 v21, v32  }
0xf9: {  	v49 =	vld [tilespmem:s26+$0xFFFFFFC0];
	v15 =	vsel vm0, v17, v18;
	v18 =	vperm.xlane v11, v2;
	v22 =	vadd.f32 v61, v22  }
0xfa: {  	v28 =	vld [tilespmem:s26+$0xFFFFFEF0];
	v25 =	vadd.f32 v29, v25;
	v16 =	vsel vm0, v23, v24;
	v60 =	vperm.xlane v21, v1  }
0xfb: {  	v35 =	vld [tilespmem:s26+$0xFFFFFFB0];
	v17 =	vsel vm0, v26, v19;
	v19 =	vperm.xlane v12, v2;
	v23 =	vperm.xlane v15, v2  }
0xfc: {  	v39 =	vld [tilespmem:s26+$0x30];
	v62 =	vperm.xlane v17, v2;
	v11 =	vadd.f32 v18, v11;
	v21 =	vadd.f32 v60, v21  }
0xfd: {  	v27 =	vld [tilespmem:s26+$0xFFFFFEB0];
	v22 =	vsel vm0, v22, v25;
	v25 =	vperm.xlane v16, v2;
	v12 =	vadd.f32 v19, v12  }
0xfe: {  	v30 =	vld [tilespmem:s26+$0xFFFFFF30];
	v15 =	vadd.f32 v23, v15;
	v20 =	vsel vm0, v20, v21;
	v21 =	vperm.xlane v13, v2  }
0xff: {  	v33 =	vld [tilespmem:s26+$0xFFFFFF20];
	v19 =	vperm.xlane v22, v2;
	v17 =	vadd.f32 v62, v17;
	v18 =	vperm.xlane v20, v2  }
0x100: {  	v47 =	vld [tilespmem:s26+$0xFFFFFE50];
	v16 =	vadd.f32 v25, v16;
	v13 =	vadd.f32 v21, v13  }
0x101: {  	v57 =	vld [tilespmem:s26+$0xFFFFFED0];
	v19 =	vadd.f32 v19, v22;
	v18 =	vadd.f32 v18, v20  }
0x102: {  	v46 =	vld [tilespmem:s26+$0xFFFFFE40];
	v11 =	vsel vm1, v11, v12;
	v12 =	vsel vm1, v13, v15;
	v13 =	vsel vm1, v16, v17  }
0x103: {  	v31 =	vld [tilespmem:s26+$0x70];
	v16 =	vperm.xlane v11, v3;
	v15 =	vsel vm1, v18, v19;
	v17 =	vperm.xlane v12, v3  }
0x104: {  	v14 =	vld [tilespmem:s26+$0xFFFFFE60];
	v18 =	vperm.xlane v13, v3;
	v19 =	vperm.xlane v15, v3  }
0x105: {  	v55 =	vld [tilespmem:s26+$0xFFFFFE10];
	v11 =	vadd.f32 v16, v11;
	v16 =	vadd.f32 v17, v12  }
0x106: {  	v56 =	vld [tilespmem:s26+$0xFFFFFE90];
	v13 =	vadd.f32 v18, v13;
	v15 =	vadd.f32 v19, v15  }
0x107: {  	v44 =	vmul.f32 v54, v7;
	v54 =	vld [tilespmem:s26+$0x80]  }
0x108: {  	v29 =	vld [tilespmem:s26+$0xFFFFFE20];
	v11 =	vsel vm2, v11, v16;
	v13 =	vsel vm2, v13, v15  }
0x109: {  	v24 =	vld [tilespmem:s26+$0xFFFFFEA0];
	v18 =	vperm.xlane v11, v4;
	v19 =	vperm.xlane v13, v4  }
0x10a: {  	v0 =	vmul.f32 v51, v10;
	v41 =	vmul.f32 v52, v9;
	v26 =	vld [tilespmem:s26+$0xFFFFFEE0]  }
0x10b: {  	v42 =	vmul.f32 v53, v9;
	v61 =	vld [tilespmem:s26+$0xA0];
	v11 =	vadd.f32 v18, v11;
	v13 =	vadd.f32 v19, v13  }
0x10c: {  	v34 =	vmul.f32 v34, v7;
	v5 =	vmul.f32 v27, v10;
	v27 =	vld [tilespmem:s26+$0xFFFFFEC0]  }
0x10d: {  	v23 =	vmul.f32 v39, v10;
	v39 =	vld [tilespmem:s26+$0xFFFFFF90];
	v21 =	vmul.f32 v31, v10;
	v11 =	vsel vm3, v11, v13  }
0x10e: {  	v60 =	vld [tilespmem:s26+$0x60];
	v19 =	vmul.f32 v30, v10;
	v30 =	vor.u32 s23, v58;
	v31 =	vsub.f32 $0.0e+00, v11  }
0x10f: {  	v49 =	vmul.f32 v49, v7;
	v45 =	vmul.f32 v55, v8;
	v55 =	vld [tilespmem:s26+$0x90];
	vm4 =	vlt.u32 v30, $0xA  }
0x110: {  	v46 =	vmul.f32 v46, v7;
	v43 =	vmul.f32 v61, v9;
	v61 =	vld [tilespmem:s26+$0x10];
	v11 =	vsel vm4, v31, v11  }
0x111: {  	v48 =	vmul.f32 v56, v8;
	v56 =	vld [tilespmem:s26+$0xC0];
	v54 =	vmul.f32 v54, v7;
	v62 =	vand.u32 $0x7FFFFFFF, v11  }
0x112: {  	v22 =	vmul.f32 v35, v10;
	v20 =	vmul.f32 v59, v10;
	v59 =	vld [tilespmem:s26+$0xFFFFFF10];
	v40 =	vsub.f32 $0.0e+00, v62  }
0x113: {  	v25 =	vld [tilespmem:s26+$0x20];
	v29 =	vmul.f32 v29, v9;
	v24 =	vmul.f32 v24, v9  }
0x114: {  	v35 =	vld [tilespmem:s26+$0xFFFFFF50];
	v26 =	vmul.f32 v26, v9;
	v40 =	vmul.f32 $1.442695020e+00, v40  }
0x115: {  	v27 =	vmul.f32 v27, v7;
	v52 =	vmul.f32 v61, v8;
	v61 =	vld [tilespmem:s26+$0x150]  }
0x116: {  	v17 =	vmul.f32 v28, v10;
	v28 =	vld [tilespmem:s26+$0xFFFFFF00];
	(erf) = vpow2.f32 v40  }
0x117: {  	v39 =	vmul.f32 v39, v8;
	v32 =	vmul.f32 v59, v8;
	v59 =	vld [tilespmem:s26+$0x110]  }
0x118: {  	v37 =	vmul.f32 v60, v9;
	v18 =	vmul.f32 v38, v10;
	v38 =	vld [tilespmem:s26+$0xFFFFFF80]  }
0x119: {  	v55 =	vmul.f32 v55, v8;
	v56 =	vmul.f32 v56, v7;
	v58 =	vld [tilespmem:s26+$0x100]  }
0x11a: {  	v16 =	vmul.f32 v36, v10;
	v36 =	vmul.f32 v57, v8;
	v62 =	vld [tilespmem:s26+$0x40]  }
0x11b: {  	v25 =	vmul.f32 v25, v9;
	v35 =	vmul.f32 v35, v8;
	v13 =	vld [tilespmem:s26+$0xFFFFFF40]  }
0x11c: {  	v27 =	vadd.f32 v36, v27;
	v31 =	vmul.f32 v33, v9;
	v33 =	vmul.f32 v63, v9;
	v63 =	vld [tilespmem:s26+$0xFFFFFFD0]  }
0x11d: {  	v34 =	vadd.f32 v48, v34;
	v60 =	vld [tilespmem:s26+$0x0];
	v15 =	vmul.f32 v14, v9;
	v28 =	vmul.f32 v28, v7  }
0x11e: {  	v57 =	vld [tilespmem:s26+$0xD0];
	v36 =	vmul.f32 v61, v8;
	v27 =	vadd.f32 v26, v27;
	v38 =	vmul.f32 v38, v7  }
0x11f: {  	v61 =	vld [tilespmem:s26+$0x1A0];
	v28 =	vadd.f32 v32, v28;
	v58 =	vmul.f32 v58, v7;
	v53 =	vmul.f32 v62, v7;
	v62 =	vpop (erf)  }
0x120: {  	vm4 =	vlt.u32 v30, $0xD2;
	v14 =	vmul.f32 v13, v7;
	v13 =	vld [tilespmem:s26+$0x190];
	v12 =	vadd.f32 $2.000000000e+00, v62  }
0x121: {  	v30 =	vadd.f32 v45, v44;
	v44 =	vmul.f32 v59, v8;
	v50 =	vmul.f32 v63, v8;
	v63 =	vld [tilespmem:s26+$0x180]  }
0x122: {  	v59 =	vadd.f32 v55, v54;
	v40 =	vmul.f32 v47, v8;
	v47 =	vld [tilespmem:s26+$0x50];
	(erf) = vrcp.f32 v12  }
0x123: {  	v51 =	vmul.f32 v60, v7;
	v14 =	vadd.f32 v35, v14;
	v35 =	vadd.f32 v39, v38;
	v38 =	vld [tilespmem:s26+$0x120]  }
0x124: {  	v57 =	vmul.f32 v57, v8;
	v32 =	vld [tilespmem:s26+$0xE0];
	v44 =	vadd.f32 v44, v58;
	v29 =	vadd.f32 v29, v30  }
0x125: {  	v60 =	vld [tilespmem:s26+$0x140];
	v54 =	vmul.f32 v61, v9;
	v31 =	vadd.f32 v31, v28;
	v43 =	vadd.f32 v43, v59  }
0x126: {  	v26 =	vld [tilespmem:s26+$0xB0];
	v29 =	vadd.f32 v0, v29;
	v48 =	vadd.f32 v50, v49;
	v13 =	vmul.f32 v13, v8  }
0x127: {  	v33 =	vadd.f32 v33, v14;
	v63 =	vmul.f32 v63, v7;
	v47 =	vmul.f32 v47, v8  }
0x128: {  	v49 =	vadd.f32 v52, v51;
	v50 =	vld [tilespmem:s26+$0x160];
	v30 =	vmul.f32 v38, v9;
	v55 =	vadd.f32 v42, v48  }
0x129: {  	v32 =	vmul.f32 v32, v9;
	v39 =	vadd.f32 v13, v63;
	v47 =	vadd.f32 v47, v53  }
0x12a: {  	v45 =	vld [tilespmem:s26+$0x1C0];
	v30 =	vadd.f32 v30, v44;
	v12 =	vadd.f32 v40, v46;
	v40 =	vmul.f32 v60, v7  }
0x12b: {  	v59 =	vmul.f32 v26, v10;
	v39 =	vadd.f32 v54, v39;
	v37 =	vadd.f32 v37, v47;
	v46 =	vld [tilespmem:s26+$0x1D0];
	v13 =	vpop (erf)  }
0x12c: {  	v28 =	vld [tilespmem:s26+$0xF0];
	v60 =	vadd.f32 v57, v56;
	v36 =	vadd.f32 v36, v40;
	v13 =	vmul.f32 v13, v62  }
0x12d: {  	v12 =	vadd.f32 v15, v12;
	v15 =	vadd.f32 v24, v34;
	v24 =	vmul.f32 v50, v9  }
0x12e: {  	v56 =	vadd.f32 v25, v49;
	v25 =	vld [tilespmem:s26+$0x130];
	v50 =	vadd.f32 v41, v35;
	v14 =	vmul.f32 v13, v13  }
0x12f: {  	v45 =	vmul.f32 v45, v7;
	v32 =	vadd.f32 v32, v60;
	v36 =	vadd.f32 v24, v36  }
0x130: {  	v57 =	vld [tilespmem:s26+$0x170];
	v26 =	vadd.f32 v16, v12;
	v46 =	vmul.f32 v46, v8;
	v58 =	vmul.f32 $9.090909360e-02, v14  }
0x131: {  	v60 =	vmul.f32 v28, v10;
	v28 =	vadd.f32 v5, v15;
	v16 =	vadd.f32 v20, v33  }
0x132: {  	v38 =	vperm.xlane v29, v1;
	v63 =	vadd.f32 v46, v45;
	v45 =	vadd.f32 $1.111111120e-01, v58  }
0x133: {  	v20 =	vadd.f32 v22, v50;
	v22 =	vadd.f32 v23, v56;
	v12 =	vmul.f32 v25, v10;
	v46 =	vld [tilespmem:s26+$0x1E0]  }
0x134: {  	v24 =	vld [tilespmem:s26+$0x1B0];
	v25 =	vadd.f32 v17, v27;
	v27 =	vadd.f32 v19, v31;
	v15 =	vmul.f32 v45, v14  }
0x135: {  	v61 =	vld [tilespmem:s26+$0x1F0];
	v31 =	vmul.f32 v57, v10;
	v17 =	vadd.f32 v21, v37;
	v19 =	vadd.f32 v60, v32  }
0x136: {  	v33 =	vperm.xlane v26, v1;
	v34 =	vperm.xlane v28, v1;
	v15 =	vadd.f32 $1.428571490e-01, v15  }
0x137: {  	v37 =	vperm.xlane v20, v1;
	v12 =	vadd.f32 v12, v30;
	v35 =	vperm.xlane v25, v1  }
0x138: {  	v21 =	vadd.f32 v31, v36;
	v40 =	vmul.f32 v46, v9;
	v15 =	vmul.f32 v15, v14  }
0x139: {  	v36 =	vperm.xlane v27, v1;
	v62 =	vmul.f32 v24, v10;
	v24 =	vadd.f32 v18, v55  }
0x13a: {  	v40 =	vadd.f32 v40, v63;
	v63 =	vmul.f32 v61, v10;
	v15 =	vadd.f32 $2.000000030e-01, v15  }
0x13b: {  	v31 =	vperm.xlane v16, v1;
	v18 =	vadd.f32 v59, v43;
	v23 =	vadd.f32 v62, v39  }
0x13c: {  	s28 =	simm.s32 $0x10;
	s29 =	simm.s32 $0x20;
	v32 =	vperm.xlane v24, v1;
	v30 =	vadd.f32 v63, v40;
	v15 =	vmul.f32 v15, v14  }
.LBB2_5:
0x13d: {  	v39 =	vperm.xlane v22, v1  }
0x13e: {  	p0 =	sne.s32 s29, $0xD0;
	v40 =	vperm.xlane v17, v1;
	s26 =	sadd.s32 $0x400, s26;
	v15 =	vadd.f32 $3.333333430e-01, v15;
	v29 =	vadd.f32 v38, v29  }
0x13f: {  	v38 =	vperm.xlane v18, v1;
	v42 =	vperm.xlane v19, v1;
	v26 =	vadd.f32 v33, v26;
	v41 =	vld [tilespmem:s26+$0xFFFFFE30]  }
0x140: {  	v28 =	vadd.f32 v34, v28;
	v25 =	vadd.f32 v35, v25;
	v43 =	vld [tilespmem:s26+$0xFFFFFE70];
	v14 =	vmul.f32 v15, v14  }
0x141: {  	v27 =	vadd.f32 v36, v27;
	v33 =	vperm.xlane v12, v1;
	v13 =	vadd.f32 v13, v13;
	v15 =	vld [tilespmem:s26+$0xFFFFFEB0]  }
0x142: {  	v35 =	vperm.xlane v21, v1;
	v16 =	vadd.f32 v31, v16;
	v34 =	vld [tilespmem:s26+$0xFFFFFEF0];
	v14 =	vadd.f32 $1.000000000e+00, v14  }
0x143: {  	v31 =	vperm.xlane v23, v1;
	v11 =	vmax.f32 v11, $0.0e+00;
	v20 =	vadd.f32 v37, v20;
	v36 =	vld [tilespmem:s26+$0xFFFFFF30]  }
0x144: {  	v24 =	vadd.f32 v32, v24;
	v22 =	vadd.f32 v39, v22;
	v37 =	vld [tilespmem:s26+$0xFFFFFF70];
	v13 =	vmul.f32 v14, v13  }
0x145: {  	v0 =	vimm.f32 $0.0e+00;
	v17 =	vadd.f32 v40, v17;
	v18 =	vadd.f32 v38, v18;
	v14 =	vld [tilespmem:s26+$0xFFFFFFB0]  }
0x146: {  	v19 =	vadd.f32 v42, v19;
	v38 =	vperm.xlane v30, v1;
	v32 =	vld [tilespmem:s26+$0xFFFFFFF0];
	v11 =	vadd.f32 v13, v11  }
0x147: {  	v12 =	vadd.f32 v33, v12;
	v21 =	vadd.f32 v35, v21;
	v33 =	vsel vm4, $0x3DCCCCCD, v0;
	v13 =	vld [tilespmem:s26+$0x30]  }
0x148: {  	v23 =	vadd.f32 v31, v23;
	v30 =	vadd.f32 v38, v30;
	v35 =	vld [tilespmem:s26+$0x70];
	v11 =	vmul.f32 v11, v33  }
0x149: {  	v26 =	vsel vm0, v29, v26;
	v25 =	vsel vm0, v28, v25;
	v16 =	vsel vm0, v27, v16;
	v31 =	vld [tilespmem:s26+$0xFFFFFE20]  }
0x14a: {  	v20 =	vsel vm0, v20, v24;
	v17 =	vsel vm0, v22, v17;
	v27 =	vld [tilespmem:s26+$0xFFFFFE60];
	v6 =	vadd.f32 v11, v6  }
0x14b: {  	v18 =	vsel vm0, v18, v19;
	v19 =	vperm.xlane v26, v2;
	v22 =	vperm.xlane v25, v2;
	v11 =	vld [tilespmem:s26+$0xFFFFFEA0]  }
0x14c: {  	v12 =	vsel vm0, v12, v21;
	v21 =	vperm.xlane v16, v2;
	v28 =	vperm.xlane v20, v2;
	v24 =	vld [tilespmem:s26+$0xFFFFFEE0]  }
0x14d: {  	v23 =	vsel vm0, v23, v30;
	v30 =	vperm.xlane v17, v2;
	v33 =	vperm.xlane v18, v2;
	v29 =	vld [tilespmem:s26+$0xFFFFFF20]  }
0x14e: {  	v19 =	vadd.f32 v19, v26;
	v22 =	vadd.f32 v22, v25;
	v25 =	vperm.xlane v12, v2;
	v38 =	vld [tilespmem:s26+$0xFFFFFF60]  }
0x14f: {  	v16 =	vadd.f32 v21, v16;
	v20 =	vadd.f32 v28, v20;
	v21 =	vperm.xlane v23, v2;
	v26 =	vld [tilespmem:s26+$0xFFFFFFA0]  }
0x150: {  	v17 =	vadd.f32 v30, v17;
	v18 =	vadd.f32 v33, v18;
	v28 =	vld [tilespmem:s26+$0xFFFFFFE0]  }
0x151: {  	v12 =	vadd.f32 v25, v12;
	v21 =	vadd.f32 v21, v23;
	v30 =	vld [tilespmem:s26+$0x20]  }
0x152: {  	v19 =	vsel vm1, v19, v22;
	v16 =	vsel vm1, v16, v20;
	v17 =	vsel vm1, v17, v18;
	v25 =	vld [tilespmem:s26+$0x60]  }
0x153: {  	v20 =	vperm.xlane v16, v3;
	v12 =	vsel vm1, v12, v21;
	v18 =	vperm.xlane v19, v3;
	v33 =	vld [tilespmem:s26+$0xA0]  }
0x154: {  	v22 =	vperm.xlane v12, v3;
	v21 =	vperm.xlane v17, v3;
	v39 =	vld [tilespmem:s26+$0xFFFFFE00]  }
0x155: {  	v16 =	vadd.f32 v20, v16;
	v18 =	vadd.f32 v18, v19;
	v40 =	vld [tilespmem:s26+$0xFFFFFE10]  }
0x156: {  	v19 =	vadd.f32 v22, v12;
	v17 =	vadd.f32 v21, v17;
	v42 =	vld [tilespmem:s26+$0xFFFFFE40]  }
0x157: {  	v44 =	vld [tilespmem:s26+$0xFFFFFE50]  }
0x158: {  	v12 =	vmul.f32 v41, v10;
	v18 =	vsel vm2, v18, v16;
	v19 =	vsel vm2, v17, v19;
	v41 =	vld [tilespmem:s26+$0xFFFFFE80]  }
0x159: {  	v20 =	vperm.xlane v18, v4;
	v21 =	vperm.xlane v19, v4;
	v45 =	vld [tilespmem:s26+$0xFFFFFE90]  }
0x15a: {  	v0 =	vlaneseq.u32;
	v15 =	vmul.f32 v15, v10;
	v16 =	vmul.f32 v43, v10;
	v43 =	vld [tilespmem:s26+$0xFFFFFEC0]  }
0x15b: {  	v17 =	vmul.f32 v34, v10;
	v23 =	vadd.f32 v20, v18;
	v21 =	vadd.f32 v21, v19;
	v46 =	vld [tilespmem:s26+$0xFFFFFED0]  }
0x15c: {  	v20 =	vmul.f32 v37, v10;
	v19 =	vmul.f32 v36, v10;
	v36 =	vor.u32 s28, v0;
	s28 =	smov.u32 s29;
	v34 =	vld [tilespmem:s26+$0xFFFFFF00]  }
0x15d: {  	v22 =	vmul.f32 v14, v10;
	v18 =	vmul.f32 v32, v10;
	v14 =	vsel vm3, v23, v21;
	v37 =	vld [tilespmem:s26+$0xFFFFFF10]  }
0x15e: {  	v23 =	vmul.f32 v13, v10;
	v21 =	vmul.f32 v35, v10;
	v13 =	vsub.f32 $0.0e+00, v14;
	v32 =	vld [tilespmem:s26+$0xFFFFFF40]  }
0x15f: {  	v31 =	vmul.f32 v31, v9;
	v27 =	vmul.f32 v27, v9;
	vm4 =	vlt.u32 v36, $0xA;
	v35 =	vld [tilespmem:s26+$0xFFFFFF50]  }
0x160: {  	v47 =	vmul.f32 v11, v9;
	v24 =	vmul.f32 v24, v9;
	v11 =	vsel vm4, v13, v14;
	v48 =	vld [tilespmem:s26+$0xFFFFFF80]  }
0x161: {  	v13 =	vmul.f32 v29, v9;
	v14 =	vmul.f32 v38, v9;
	v38 =	vand.u32 $0x7FFFFFFF, v11;
	v29 =	vld [tilespmem:s26+$0xFFFFFF90]  }
0x162: {  	v26 =	vmul.f32 v26, v9;
	v28 =	vmul.f32 v28, v9;
	v38 =	vsub.f32 $0.0e+00, v38;
	v49 =	vld [tilespmem:s26+$0xFFFFFFC0]  }
0x163: {  	v30 =	vmul.f32 v30, v9;
	v25 =	vmul.f32 v25, v9;
	v50 =	vld [tilespmem:s26+$0xFFFFFFD0]  }
0x164: {  	v33 =	vmul.f32 v33, v9;
	v38 =	vmul.f32 $1.442695020e+00, v38;
	v51 =	vld [tilespmem:s26+$0x0]  }
0x165: {  	v39 =	vmul.f32 v39, v7;
	v40 =	vmul.f32 v40, v8;
	v52 =	vld [tilespmem:s26+$0x10]  }
0x166: {  	v42 =	vmul.f32 v42, v7;
	v53 =	vld [tilespmem:s26+$0x40];
	(erf) = vpow2.f32 v38  }
0x167: {  	v41 =	vmul.f32 v41, v7;
	v38 =	vmul.f32 v44, v8;
	v44 =	vld [tilespmem:s26+$0x50]  }
0x168: {  	v45 =	vmul.f32 v45, v8;
	v43 =	vmul.f32 v43, v7;
	v54 =	vld [tilespmem:s26+$0x80]  }
0x169: {  	v46 =	vmul.f32 v46, v8;
	v34 =	vmul.f32 v34, v7;
	v55 =	vld [tilespmem:s26+$0x90]  }
0x16a: {  	v37 =	vmul.f32 v37, v8;
	v32 =	vmul.f32 v32, v7;
	v56 =	vld [tilespmem:s26+$0xC0]  }
0x16b: {  	v35 =	vmul.f32 v35, v8;
	v48 =	vmul.f32 v48, v7;
	v57 =	vld [tilespmem:s26+$0xD0]  }
0x16c: {  	v29 =	vmul.f32 v29, v8;
	v49 =	vmul.f32 v49, v7;
	v58 =	vld [tilespmem:s26+$0x100]  }
0x16d: {  	v50 =	vmul.f32 v50, v8;
	v51 =	vmul.f32 v51, v7;
	v59 =	vld [tilespmem:s26+$0x110]  }
0x16e: {  	v52 =	vmul.f32 v52, v8;
	v53 =	vmul.f32 v53, v7;
	v60 =	vld [tilespmem:s26+$0x140]  }
0x16f: {  	v44 =	vmul.f32 v44, v8;
	v54 =	vmul.f32 v54, v7;
	v61 =	vld [tilespmem:s26+$0x150];
	v62 =	vpop (erf)  }
0x170: {  	v55 =	vmul.f32 v55, v8;
	v56 =	vmul.f32 v56, v7;
	v63 =	vld [tilespmem:s26+$0x180];
	v0 =	vadd.f32 $2.000000000e+00, v62  }
0x171: {  	vm4 =	vlt.u32 v36, $0xD2;
	v57 =	vmul.f32 v57, v8;
	v58 =	vmul.f32 v58, v7;
	v5 =	vld [tilespmem:s26+$0x190]  }
0x172: {  	v36 =	vadd.f32 v40, v39;
	v39 =	vmul.f32 v59, v8;
	v40 =	vld [tilespmem:s26+$0x1C0];
	(erf) = vrcp.f32 v0  }
0x173: {  	v0 =	vadd.f32 v38, v42;
	v38 =	vadd.f32 v45, v41;
	v41 =	vmul.f32 v60, v7;
	v42 =	vld [tilespmem:s26+$0x1D0]  }
0x174: {  	v43 =	vadd.f32 v46, v43;
	v34 =	vadd.f32 v37, v34;
	v37 =	vld [tilespmem:s26+$0xE0];
	v45 =	vmul.f32 v61, v8  }
0x175: {  	v32 =	vadd.f32 v35, v32;
	v29 =	vadd.f32 v29, v48;
	v35 =	vld [tilespmem:s26+$0x120];
	v46 =	vmul.f32 v63, v7  }
0x176: {  	v48 =	vadd.f32 v50, v49;
	v49 =	vadd.f32 v52, v51;
	v50 =	vld [tilespmem:s26+$0x160];
	v5 =	vmul.f32 v5, v8  }
0x177: {  	v44 =	vadd.f32 v44, v53;
	v51 =	vadd.f32 v55, v54;
	v40 =	vmul.f32 v40, v7  }
0x178: {  	v52 =	vadd.f32 v57, v56;
	v39 =	vadd.f32 v39, v58;
	v53 =	vld [tilespmem:s26+$0x1A0];
	v54 =	vmul.f32 v42, v8  }
0x179: {  	v41 =	vadd.f32 v45, v41;
	v5 =	vadd.f32 v5, v46;
	v37 =	vmul.f32 v37, v9  }
0x17a: {  	v31 =	vadd.f32 v31, v36;
	v35 =	vmul.f32 v35, v9;
	v36 =	vadd.f32 v54, v40;
	v40 =	vld [tilespmem:s26+$0x1E0]  }
0x17b: {  	v0 =	vadd.f32 v27, v0;
	v27 =	vadd.f32 v47, v38;
	v38 =	vmul.f32 v50, v9;
	v42 =	vpop (erf)  }
0x17c: {  	v24 =	vadd.f32 v24, v43;
	v34 =	vadd.f32 v13, v34;
	v43 =	vld [tilespmem:s26+$0xB0];
	v13 =	vmul.f32 v42, v62  }
0x17d: {  	v32 =	vadd.f32 v14, v32;
	v42 =	vadd.f32 v26, v29;
	v26 =	vld [tilespmem:s26+$0xF0];
	v29 =	vmul.f32 v53, v9  }
0x17e: {  	v30 =	vadd.f32 v30, v49;
	v45 =	vadd.f32 v28, v48;
	v28 =	vld [tilespmem:s26+$0x130];
	v14 =	vmul.f32 v13, v13  }
0x17f: {  	v44 =	vadd.f32 v25, v44;
	v33 =	vadd.f32 v33, v51;
	v25 =	vmul.f32 v40, v9  }
0x180: {  	v37 =	vadd.f32 v37, v52;
	v35 =	vadd.f32 v35, v39;
	v39 =	vld [tilespmem:s26+$0x170];
	v40 =	vmul.f32 $9.090909360e-02, v14  }
0x181: {  	v41 =	vadd.f32 v38, v41;
	v5 =	vadd.f32 v29, v5;
	v43 =	vmul.f32 v43, v10;
	v38 =	vld [tilespmem:s26+$0x1B0]  }
0x182: {  	v47 =	vadd.f32 v25, v36;
	v46 =	vmul.f32 v26, v10;
	v36 =	vld [tilespmem:s26+$0x1F0];
	v40 =	vadd.f32 $1.111111120e-01, v40  }
0x183: {  	v29 =	vadd.f32 v12, v31;
	v26 =	vadd.f32 v16, v0;
	v0 =	vmul.f32 v28, v10  }
0x184: {  	v25 =	vadd.f32 v17, v24;
	v28 =	vadd.f32 v15, v27;
	v12 =	vmul.f32 v40, v14  }
0x185: {  	v16 =	vadd.f32 v20, v32;
	v27 =	vadd.f32 v19, v34;
	v15 =	vmul.f32 v39, v10  }
0x186: {  	v20 =	vadd.f32 v22, v42;
	v31 =	vmul.f32 v38, v10;
	v12 =	vadd.f32 $1.428571490e-01, v12  }
0x187: {  	v24 =	vadd.f32 v18, v45;
	v22 =	vadd.f32 v23, v30;
	v30 =	vmul.f32 v36, v10  }
0x188: {  	v17 =	vadd.f32 v21, v44;
	v18 =	vadd.f32 v43, v33;
	v21 =	vmul.f32 v12, v14  }
.Ltmp3:
0x189: {  	v19 =	vadd.f32 v46, v37;
	v38 =	vperm.xlane v29, v1;
	v12 =	vadd.f32 v0, v35;
	(pc) =	sbr.rel @p0 .LBB2_5-.Ltmp3, $4  }
0x18a: {  	v33 =	vperm.xlane v26, v1;
	v34 =	vperm.xlane v28, v1;
	v0 =	vadd.f32 $2.000000030e-01, v21  }
0x18b: {  	v36 =	vperm.xlane v27, v1;
	v35 =	vperm.xlane v25, v1;
	v21 =	vadd.f32 v15, v41  }
0x18c: {  	v23 =	vadd.f32 v31, v5;
	v31 =	vperm.xlane v16, v1;
	v15 =	vmul.f32 v0, v14  }
0x18d: {  	s29 =	sadd.s32 $0x10, s29;
	v32 =	vperm.xlane v24, v1;
	v37 =	vperm.xlane v20, v1;
	v30 =	vadd.f32 v30, v47  }
0x18e: {  	v0 =	vperm.xlane v22, v1  }
0x18f: {  	v5 =	vperm.xlane v17, v1;
	v7 =	vadd.f32 v38, v29;
	v9 =	vadd.f32 v33, v26  }
0x190: {  	v8 =	vperm.xlane v18, v1;
	v10 =	vadd.f32 v34, v28;
	v25 =	vadd.f32 v35, v25  }
0x191: {  	v26 =	vperm.xlane v19, v1;
	v27 =	vadd.f32 v36, v27;
	v16 =	vadd.f32 v31, v16  }
0x192: {  	v28 =	vperm.xlane v12, v1;
	v20 =	vadd.f32 v37, v20;
	v24 =	vadd.f32 v32, v24  }
0x193: {  	v29 =	vperm.xlane v21, v1;
	v0 =	vadd.f32 v0, v22;
	v5 =	vadd.f32 v5, v17  }
0x194: {  	v22 =	vperm.xlane v23, v1;
	v8 =	vadd.f32 v8, v18;
	v17 =	vadd.f32 v26, v19  }
0x195: {  	v18 =	vperm.xlane v30, v1;
	v12 =	vadd.f32 v28, v12;
	v19 =	vadd.f32 v29, v21  }
0x196: {  	v7 =	vsel vm0, v7, v9;
	v9 =	vsel vm0, v10, v25;
	v10 =	vsel vm0, v27, v16  }
0x197: {  	v16 =	vsel vm0, v20, v24;
	v21 =	vadd.f32 v22, v23;
	v18 =	vadd.f32 v18, v30  }
0x198: {  	v0 =	vsel vm0, v0, v5;
	v5 =	vsel vm0, v8, v17;
	v8 =	vperm.xlane v7, v2  }
0x199: {  	v17 =	vperm.xlane v9, v2;
	v12 =	vsel vm0, v12, v19;
	v19 =	vperm.xlane v10, v2  }
0x19a: {  	v20 =	vperm.xlane v16, v2;
	v22 =	vperm.xlane v5, v2  }
0x19b: {  	v18 =	vsel vm0, v21, v18;
	v21 =	vperm.xlane v0, v2;
	v7 =	vadd.f32 v8, v7  }
0x19c: {  	v8 =	vadd.f32 v17, v9;
	v9 =	vperm.xlane v12, v2;
	v10 =	vadd.f32 v19, v10  }
0x19d: {  	v16 =	vadd.f32 v20, v16;
	v17 =	vperm.xlane v18, v2;
	v5 =	vadd.f32 v22, v5  }
0x19e: {  	v0 =	vadd.f32 v21, v0;
	v9 =	vadd.f32 v9, v12  }
0x19f: {  	v7 =	vsel vm1, v7, v8;
	v8 =	vsel vm1, v10, v16;
	v12 =	vadd.f32 v17, v18  }
0x1a0: {  	v10 =	vperm.xlane v8, v3  }
0x1a1: {  	v0 =	vsel vm1, v0, v5;
	v5 =	vsel vm1, v9, v12;
	v9 =	vperm.xlane v7, v3  }
0x1a2: {  	v12 =	vperm.xlane v0, v3;
	v16 =	vperm.xlane v5, v3  }
0x1a3: {  	v8 =	vadd.f32 v10, v8;
	v7 =	vadd.f32 v9, v7  }
0x1a4: {  	v0 =	vadd.f32 v12, v0;
	v5 =	vadd.f32 v16, v5;
	_ =	sdelay $0x1  }
0x1a5: {  	v7 =	vsel vm2, v7, v8;
	v0 =	vsel vm2, v0, v5  }
0x1a6: {  	v5 =	vperm.xlane v7, v4;
	v8 =	vperm.xlane v0, v4;
	_ =	sdelay $0x1  }
0x1a7: {  	v5 =	vadd.f32 v5, v7;
	v0 =	vadd.f32 v8, v0;
	_ =	sdelay $0x1  }
0x1a8: {  	v51 =	vlaneseq.u32;
	v0 =	vsel vm3, v5, v0  }
0x1a9: {  	v16 =	vor.u32 s28, v51;
	v5 =	vsub.f32 $0.0e+00, v0  }
0x1aa: {  	vm5 =	vlt.u32 v16, $0xA  }
0x1ab: {  	v17 =	vsel vm5, v5, v0  }
0x1ac: {  	v0 =	vand.u32 $0x7FFFFFFF, v17  }
0x1ad: {  	v0 =	vsub.f32 $0.0e+00, v0;
	_ =	sdelay $0x1  }
0x1ae: {  	v0 =	vmul.f32 $1.442695020e+00, v0;
	_ =	sdelay $0x1  }
0x1af: {  	(erf) = vpow2.f32 v0;
	_ =	sdelay $0x8  }
0x1b0: {  	v0 =	vpop (erf)  }
0x1b1: {  	v5 =	vadd.f32 $2.000000000e+00, v0;
	_ =	sdelay $0x1  }
0x1b2: {  	(erf) = vrcp.f32 v5;
	_ =	sdelay $0x3  }
0x1b3: {  	p0 =	seq.s32 s24, $0x3F  }
0x1b4: {  	s26 =	smul.u32 @!p0 $0x6C0, s24;
	_ =	sdelay $0x1  }
0x1b5: {  	s26 =	sshra.s32 @!p0 s26, $0x2  }
0x1b6: {  	s29 =	simm.s32 @!p0 $0xF880;
	s26 =	sadd.s32 @!p0 $0x6DB0, s26;
	s28 =	simm.s32 @!p0 $0xD8  }
0x1b7: {  	[tilespmem:s29], [sflag:$0x2] =	stream.indirect.gather @!p0 [hbm4b:s3+s28], $0x40, s26, s28, $0xb8;
	v5 =	vpop (erf);
	[tilespmem:$0x16890] =	vst v63  }
0x1b8: {  	_ =	swait.ge [sflag:s20], $0x3600  }
0x1b9: {  	[sflag:s20] =	ssyncset.done $0x0  }
0x1ba: {  	[sflag:s20] =	ssyncadd.s32 $0xFFFFCA00  }
0x1bb: {  	v7 =	vld [tilespmem:s25+$0xD8C0]  }
0x1bc: {  	v8 =	vld [tilespmem:s25+$0xD8D0]  }
0x1bd: {  	v9 =	vld [tilespmem:s25+$0xD8E0]  }
0x1be: {  	s30 =	simm.s32 $0x13280;
	v10 =	vld [tilespmem:s25+$0xD8F0]  }
0x1bf: {  	v24 =	vld [tilespmem:s30+$0xFFFFFE30]  }
0x1c0: {  	v23 =	vld [tilespmem:s30+$0xFFFFFE70]  }
0x1c1: {  	v22 =	vld [tilespmem:s30+$0xFFFFFEB0]  }
0x1c2: {  	v20 =	vld [tilespmem:s30+$0xFFFFFEF0]  }
0x1c3: {  	v21 =	vld [tilespmem:s30+$0xFFFFFF30]  }
0x1c4: {  	v12 =	vld [tilespmem:s30+$0xFFFFFF70]  }
0x1c5: {  	v19 =	vld [tilespmem:s30+$0xFFFFFFB0]  }
0x1c6: {  	v25 =	vld [tilespmem:s30+$0xFFFFFE20]  }
0x1c7: {  	v26 =	vld [tilespmem:s30+$0xFFFFFE60]  }
0x1c8: {  	v27 =	vld [tilespmem:s30+$0xFFFFFEA0]  }
0x1c9: {  	v30 =	vld [tilespmem:s30+$0xFFFFFE00]  }
0x1ca: {  	v31 =	vld [tilespmem:s30+$0xFFFFFE10]  }
0x1cb: {  	v57 =	vld [tilespmem:s30+$0xFFFFFE40]  }
0x1cc: {  	v58 =	vld [tilespmem:s30+$0xFFFFFE50]  }
0x1cd: {  	v59 =	vld [tilespmem:s30+$0xFFFFFE80]  }
0x1ce: {  	v60 =	vld [tilespmem:s30+$0xFFFFFE90]  }
0x1cf: {  	v61 =	vld [tilespmem:s30+$0xFFFFFEC0]  }
0x1d0: {  	v62 =	vld [tilespmem:s30+$0xFFFFFED0]  }
0x1d1: {  	v63 =	vld [tilespmem:s30+$0xFFFFFF00]  }
0x1d2: {  	v15 =	vadd.f32 $3.333333430e-01, v15;
	v39 =	vld [tilespmem:s30+$0xFFFFFF10]  }
0x1d3: {  	v40 =	vld [tilespmem:s30+$0xFFFFFF40]  }
0x1d4: {  	v14 =	vmul.f32 v15, v14;
	v41 =	vld [tilespmem:s30+$0xFFFFFF50]  }
0x1d5: {  	v42 =	vld [tilespmem:s30+$0xFFFFFF80]  }
0x1d6: {  	v13 =	vadd.f32 v13, v13;
	v14 =	vadd.f32 $1.000000000e+00, v14;
	v43 =	vld [tilespmem:s30+$0xFFFFFF90]  }
0x1d7: {  	v44 =	vld [tilespmem:s30+$0xFFFFFFC0]  }
0x1d8: {  	v13 =	vmul.f32 v14, v13;
	v18 =	vmul.f32 v5, v0;
	v45 =	vld [tilespmem:s30+$0xFFFFFFD0]  }
0x1d9: {  	v46 =	vld [tilespmem:s30+$0x0];
	v5 =	vmul.f32 v30, v7;
	v30 =	vmul.f32 v31, v8  }
0x1da: {  	v47 =	vld [tilespmem:s30+$0x10];
	v32 =	vmul.f32 v57, v7;
	v33 =	vmul.f32 v58, v8  }
0x1db: {  	v48 =	vld [tilespmem:s30+$0x40];
	v34 =	vmul.f32 v59, v7;
	v35 =	vmul.f32 v60, v8  }
0x1dc: {  	v0 =	vld [tilespmem:s30+$0x50];
	v36 =	vmul.f32 v61, v7;
	v37 =	vmul.f32 v62, v8  }
0x1dd: {  	v49 =	vld [tilespmem:s30+$0x90];
	v38 =	vmul.f32 v63, v7;
	v39 =	vmul.f32 v39, v8  }
0x1de: {  	v50 =	vld [tilespmem:s30+$0xC0];
	v40 =	vmul.f32 v40, v7;
	v41 =	vmul.f32 v41, v8  }
0x1df: {  	v28 =	vld [tilespmem:s30+$0xFFFFFEE0];
	v42 =	vmul.f32 v42, v7;
	v43 =	vmul.f32 v43, v8  }
0x1e0: {  	v29 =	vld [tilespmem:s30+$0xFFFFFF20];
	v44 =	vmul.f32 v44, v7;
	v45 =	vmul.f32 v45, v8  }
0x1e1: {  	v52 =	vld [tilespmem:s30+$0x100];
	v46 =	vmul.f32 v46, v7;
	v47 =	vmul.f32 v47, v8  }
0x1e2: {  	v53 =	vld [tilespmem:s30+$0x110];
	v48 =	vmul.f32 v48, v7;
	v0 =	vmul.f32 v0, v8  }
0x1e3: {  	v54 =	vld [tilespmem:s30+$0x140];
	v49 =	vmul.f32 v49, v8;
	v50 =	vmul.f32 v50, v7  }
0x1e4: {  	v55 =	vld [tilespmem:s30+$0x150];
	v25 =	vmul.f32 v25, v9;
	v26 =	vmul.f32 v26, v9  }
0x1e5: {  	v56 =	vld [tilespmem:s30+$0x180];
	v27 =	vmul.f32 v27, v9;
	v28 =	vmul.f32 v28, v9  }
0x1e6: {  	v14 =	vadd.f32 v18, v18;
	v31 =	vld [tilespmem:s30+$0x80];
	v29 =	vmul.f32 v29, v9;
	v24 =	vmul.f32 v24, v10  }
0x1e7: {  	v57 =	vld [tilespmem:s30+$0x190];
	v23 =	vmul.f32 v23, v10;
	v22 =	vmul.f32 v22, v10;
	v5 =	vadd.f32 v30, v5  }
0x1e8: {  	v58 =	vld [tilespmem:s30+$0x1C0];
	v20 =	vmul.f32 v20, v10;
	v32 =	vadd.f32 v33, v32;
	v34 =	vadd.f32 v35, v34  }
0x1e9: {  	v59 =	vld [tilespmem:s30+$0x1D0];
	v21 =	vmul.f32 v21, v10;
	v36 =	vadd.f32 v37, v36;
	v38 =	vadd.f32 v39, v38  }
0x1ea: {  	v60 =	vld [tilespmem:s30+$0xFFFFFF60];
	v12 =	vmul.f32 v12, v10;
	v40 =	vadd.f32 v41, v40;
	v42 =	vadd.f32 v43, v42  }
0x1eb: {  	v61 =	vld [tilespmem:s30+$0xFFFFFFA0];
	v44 =	vadd.f32 v45, v44;
	v33 =	vmul.f32 v52, v7;
	v35 =	vmul.f32 v53, v8  }
0x1ec: {  	v62 =	vld [tilespmem:s30+$0xFFFFFFE0];
	v46 =	vadd.f32 v47, v46;
	v37 =	vmul.f32 v54, v7;
	v39 =	vmul.f32 v55, v8  }
0x1ed: {  	v63 =	vld [tilespmem:s30+$0x20];
	v19 =	vmul.f32 v19, v10;
	v0 =	vadd.f32 v0, v48;
	v33 =	vadd.f32 v35, v33  }
0x1ee: {  	v30 =	vld [tilespmem:s30+$0xD0];
	v41 =	vmul.f32 v56, v7;
	v35 =	vadd.f32 v39, v37;
	v5 =	vadd.f32 v25, v5  }
0x1ef: {  	v52 =	vld [tilespmem:s30+$0x60];
	v26 =	vadd.f32 v26, v32;
	v27 =	vadd.f32 v27, v34;
	v31 =	vmul.f32 v31, v7  }
0x1f0: {  	v55 =	vld [tilespmem:s30+$0xE0];
	v28 =	vadd.f32 v28, v36;
	v43 =	vmul.f32 v57, v8;
	v53 =	vmul.f32 v58, v7  }
0x1f1: {  	v48 =	vld [tilespmem:s30+$0x70];
	v29 =	vadd.f32 v29, v38;
	v54 =	vmul.f32 v59, v8;
	v56 =	vmul.f32 v60, v9  }
0x1f2: {  	v25 =	vld [tilespmem:s30+$0xA0];
	v58 =	vmul.f32 v61, v9;
	v5 =	vadd.f32 v24, v5;
	v23 =	vadd.f32 v23, v26  }
0x1f3: {  	v57 =	vld [tilespmem:s30+$0x120];
	v60 =	vmul.f32 v62, v9;
	v22 =	vadd.f32 v22, v27;
	v20 =	vadd.f32 v20, v28  }
0x1f4: {  	v59 =	vld [tilespmem:s30+$0x160];
	v37 =	vmul.f32 v63, v9;
	v21 =	vadd.f32 v21, v29;
	v31 =	vadd.f32 v49, v31  }
0x1f5: {  	v61 =	vld [tilespmem:s30+$0x1A0];
	v30 =	vmul.f32 v30, v8;
	v39 =	vadd.f32 v43, v41;
	v43 =	vadd.f32 v54, v53  }
0x1f6: {  	v62 =	vld [tilespmem:s30+$0x1E0];
	v32 =	vadd.f32 v56, v40;
	v41 =	vmul.f32 v52, v9;
	v36 =	vadd.f32 v58, v42  }
0x1f7: {  	v63 =	vld [tilespmem:s30+$0xFFFFFFF0];
	v44 =	vadd.f32 v60, v44;
	v45 =	vmul.f32 v55, v9;
	v55 =	vperm.xlane v5, v1  }
0x1f8: {  	v37 =	vadd.f32 v37, v46;
	v56 =	vperm.xlane v23, v1;
	v58 =	vperm.xlane v20, v1  }
0x1f9: {  	v25 =	vmul.f32 v25, v9;
	v0 =	vadd.f32 v41, v0;
	v41 =	vmul.f32 v48, v10  }
0x1fa: {  	v24 =	vld [tilespmem:s30+$0x1B0];
	v30 =	vadd.f32 v30, v50;
	v48 =	vmul.f32 v18, v18;
	v34 =	vmul.f32 v57, v9  }
0x1fb: {  	v26 =	vld [tilespmem:s30+$0x1F0];
	v12 =	vadd.f32 v12, v32;
	v38 =	vmul.f32 v59, v9;
	v40 =	vmul.f32 v61, v9  }
0x1fc: {  	v49 =	vld [tilespmem:s30+$0xB0];
	v19 =	vadd.f32 v19, v36;
	v42 =	vmul.f32 v62, v9;
	v54 =	vmul.f32 v63, v10  }
0x1fd: {  	v52 =	vld [tilespmem:s30+$0x130];
	v57 =	vperm.xlane v22, v1;
	v5 =	vadd.f32 v55, v5;
	v23 =	vadd.f32 v56, v23  }
0x1fe: {  	v53 =	vld [tilespmem:s30+$0x170];
	v59 =	vperm.xlane v21, v1;
	v20 =	vadd.f32 v58, v20;
	v25 =	vadd.f32 v25, v31  }
0x1ff: {  	v30 =	vadd.f32 v45, v30;
	v24 =	vmul.f32 v24, v10;
	v0 =	vadd.f32 v41, v0  }
0x200: {  	v26 =	vmul.f32 v26, v10;
	v60 =	vperm.xlane v12, v1;
	v33 =	vadd.f32 v34, v33  }
0x201: {  	v50 =	vld [tilespmem:s30+$0xF0];
	v61 =	vperm.xlane v19, v1;
	v35 =	vadd.f32 v38, v35;
	v39 =	vadd.f32 v40, v39  }
0x202: {  	v42 =	vadd.f32 v42, v43;
	v34 =	vmul.f32 v49, v10;
	v27 =	vmul.f32 v52, v10  }
0x203: {  	s25 =	simm.s32 $0x13680;
	v28 =	vmul.f32 v53, v10;
	v29 =	vadd.f32 v54, v44;
	v22 =	vadd.f32 v57, v22  }
0x204: {  	v58 =	vld [tilespmem:s25+$0xFFFFFF10];
	v21 =	vadd.f32 v59, v21;
	v5 =	vsel vm0, v5, v23;
	v12 =	vadd.f32 v60, v12  }
0x205: {  	v31 =	vld [tilespmem:s30+$0x30];
	v41 =	vperm.xlane v0, v1;
	v19 =	vadd.f32 v61, v19;
	v25 =	vadd.f32 v34, v25  }
0x206: {  	v38 =	vmul.f32 v50, v10;
	v27 =	vadd.f32 v27, v33;
	v28 =	vadd.f32 v28, v35  }
0x207: {  	v24 =	vadd.f32 v24, v39;
	v26 =	vadd.f32 v26, v42;
	v62 =	vperm.xlane v29, v1  }
0x208: {  	v20 =	vsel vm0, v22, v20;
	v22 =	vperm.xlane v5, v2;
	v0 =	vadd.f32 v41, v0  }
0x209: {  	v54 =	vld [tilespmem:s25+$0xFFFFFEC0];
	v12 =	vsel vm0, v21, v12;
	v23 =	vperm.xlane v20, v2;
	v40 =	vmul.f32 v58, v8  }
0x20a: {  	v31 =	vmul.f32 v31, v10;
	v30 =	vadd.f32 v38, v30;
	v42 =	vperm.xlane v25, v1  }
0x20b: {  	v44 =	vperm.xlane v27, v1;
	v45 =	vperm.xlane v28, v1;
	v29 =	vadd.f32 v62, v29  }
0x20c: {  	v46 =	vperm.xlane v24, v1;
	v47 =	vperm.xlane v26, v1;
	v5 =	vadd.f32 v22, v5  }
0x20d: {  	v20 =	vadd.f32 v23, v20;
	v31 =	vadd.f32 v31, v37;
	v43 =	vperm.xlane v30, v1  }
0x20e: {  	v36 =	vmul.f32 v54, v7;
	v25 =	vadd.f32 v42, v25;
	v27 =	vadd.f32 v44, v27  }
0x20f: {  	v18 =	vld [tilespmem:s25+$0xFFFFFF80];
	v28 =	vadd.f32 v45, v28;
	v63 =	vperm.xlane v31, v1;
	v30 =	vadd.f32 v43, v30  }
0x210: {  	v56 =	vld [tilespmem:s25+$0xFFFFFED0];
	v24 =	vadd.f32 v46, v24;
	v26 =	vadd.f32 v47, v26;
	v19 =	vsel vm0, v19, v29  }
0x211: {  	v49 =	vld [tilespmem:s25+$0xFFFFFE00];
	v5 =	vsel vm1, v5, v20;
	v31 =	vadd.f32 v63, v31;
	v21 =	vsel vm0, v25, v30  }
0x212: {  	v52 =	vld [tilespmem:s25+$0xFFFFFE80];
	v25 =	vsel vm0, v27, v28;
	v27 =	vperm.xlane v12, v2;
	v28 =	vperm.xlane v19, v2  }
0x213: {  	v57 =	vld [tilespmem:s25+$0xFFFFFF00];
	v26 =	vsel vm0, v24, v26;
	v29 =	vperm.xlane v21, v2;
	v22 =	vperm.xlane v25, v2  }
0x214: {  	v59 =	vld [tilespmem:s25+$0xFFFFFF40];
	v0 =	vsel vm0, v31, v0;
	v12 =	vadd.f32 v27, v12;
	v27 =	vperm.xlane v26, v2  }
0x215: {  	v60 =	vld [tilespmem:s25+$0xFFFFFF50];
	v19 =	vadd.f32 v28, v19;
	v24 =	vperm.xlane v0, v2;
	v28 =	vadd.f32 v29, v21  }
0x216: {  	v61 =	vld [tilespmem:s25+$0xFFFFFF90];
	v29 =	vmul.f32 $9.090909360e-02, v48;
	v22 =	vadd.f32 v22, v25;
	v25 =	vadd.f32 v27, v26  }
0x217: {  	v58 =	vld [tilespmem:s25+$0x1C0];
	v12 =	vsel vm1, v12, v19;
	v26 =	vperm.xlane v5, v3;
	v0 =	vadd.f32 v24, v0  }
0x218: {  	v23 =	vld [tilespmem:s25+$0xFFFFFE30];
	v35 =	vmul.f32 v57, v7;
	v27 =	vperm.xlane v12, v3;
	v29 =	vadd.f32 $1.111111120e-01, v29  }
0x219: {  	v54 =	vld [tilespmem:s25+$0x140];
	v25 =	vsel vm1, v22, v25;
	v5 =	vadd.f32 v26, v5;
	v0 =	vsel vm1, v0, v28  }
0x21a: {  	v57 =	vld [tilespmem:s25+$0x190];
	v31 =	vperm.xlane v25, v3;
	v12 =	vadd.f32 v27, v12;
	v30 =	vperm.xlane v0, v3  }
0x21b: {  	v33 =	vmul.f32 v59, v7;
	v59 =	vld [tilespmem:s25+$0xFFFFFF60];
	v29 =	vmul.f32 v29, v48  }
0x21c: {  	v63 =	vld [tilespmem:s25+$0xFFFFFFD0];
	v27 =	vadd.f32 v31, v25;
	v5 =	vsel vm2, v5, v12;
	v0 =	vadd.f32 v30, v0  }
0x21d: {  	v37 =	vmul.f32 v52, v7;
	v52 =	vld [tilespmem:s25+$0xD0];
	v31 =	vadd.f32 $1.428571490e-01, v29;
	v12 =	vperm.xlane v5, v4  }
0x21e: {  	v41 =	vmul.f32 v60, v8;
	v60 =	vld [tilespmem:s25+$0xFFFFFFA0];
	v0 =	vsel vm2, v0, v27  }
0x21f: {  	s31 =	simm.s32 $0x0;
	v20 =	vld [tilespmem:s25+$0xFFFFFEF0];
	v5 =	vadd.f32 v12, v5;
	v12 =	vmul.f32 v31, v48;
	v30 =	vperm.xlane v0, v4  }
0x220: {  	v34 =	vor.u32 s31, v51;
	v24 =	vld [tilespmem:s25+$0xFFFFFE70]  }
0x221: {  	v42 =	vmul.f32 v63, v8;
	v63 =	vld [tilespmem:s25+$0x60];
	v51 =	vadd.f32 $2.000000030e-01, v12;
	v0 =	vadd.f32 v30, v0  }
0x222: {  	v22 =	vld [tilespmem:s25+$0xFFFFFF30]  }
0x223: {  	v11 =	vmax.f32 v11, $0.0e+00;
	v28 =	vld [tilespmem:s25+$0xFFFFFE20];
	v53 =	vmul.f32 v51, v48;
	v0 =	vsel vm3, v5, v0  }
0x224: {  	v11 =	vadd.f32 v13, v11;
	v31 =	vld [tilespmem:s25+$0xFFFFFE40];
	v50 =	vsub.f32 $0.0e+00, v0  }
0x225: {  	v17 =	vmax.f32 v17, $0.0e+00;
	vm5 =	vlt.u32 v34, $0xA;
	v5 =	vld [tilespmem:s25+$0xFFFFFE50];
	v15 =	vadd.f32 $3.333333430e-01, v53  }
0x226: {  	v18 =	vmul.f32 v18, v7;
	v62 =	vimm.f32 $0.0e+00;
	v51 =	vld [tilespmem:s25+$0xC0];
	v12 =	vsel vm5, v50, v0  }
0x227: {  	v35 =	vadd.f32 v40, v35;
	v0 =	vld [tilespmem:s25+$0xFFFFFE90];
	v15 =	vmul.f32 v15, v48;
	v55 =	vand.u32 $0x7FFFFFFF, v12  }
0x228: {  	v39 =	vmul.f32 v52, v8;
	v20 =	vmul.f32 v20, v10;
	v48 =	vld [tilespmem:s25+$0x50];
	v38 =	vsub.f32 $0.0e+00, v55  }
0x229: {  	v22 =	vmul.f32 v22, v10;
	v28 =	vmul.f32 v28, v9;
	v30 =	vld [tilespmem:s25+$0xFFFFFE10];
	v15 =	vadd.f32 $1.000000000e+00, v15  }
0x22a: {  	v33 =	vadd.f32 v41, v33;
	v53 =	vld [tilespmem:s25+$0x110];
	v5 =	vmul.f32 v5, v8;
	v38 =	vmul.f32 $1.442695020e+00, v38  }
0x22b: {  	v55 =	vld [tilespmem:s25+$0x150];
	v13 =	vmul.f32 v15, v14;
	v15 =	vsel vm4, $0x3DCCCCCD, v62;
	vm4 =	vlt.u32 v16, $0xD2  }
0x22c: {  	v14 =	vld [tilespmem:s25+$0xFFFFFFC0];
	v11 =	vmul.f32 v11, v15;
	v16 =	vsel vm4, $0x3DCCCCCD, v62;
	v0 =	vmul.f32 v0, v8  }
0x22d: {  	v15 =	vld [tilespmem:s25+$0x0];
	vm4 =	vlt.u32 v34, $0xD2;
	v32 =	vmul.f32 v48, v8;
	v34 =	vmul.f32 v51, v7  }
0x22e: {  	v48 =	vmul.f32 v58, v7;
	(erf) = vpow2.f32 v38;
	v13 =	vadd.f32 v13, v17;
	v17 =	vld [tilespmem:s25+$0x10]  }
0x22f: {  	v38 =	vmul.f32 v61, v8;
	v61 =	vld [tilespmem:s25+$0xFFFFFFE0];
	v0 =	vadd.f32 v0, v37;
	v37 =	vmul.f32 v53, v8  }
0x230: {  	v6 =	vadd.f32 v11, v6;
	v40 =	vmul.f32 v55, v8;
	v11 =	vmul.f32 v13, v16;
	v13 =	vld [tilespmem:s25+$0x40]  }
0x231: {  	v34 =	vadd.f32 v39, v34;
	v53 =	vmul.f32 v63, v9;
	v16 =	vmul.f32 v49, v7;
	v49 =	vld [tilespmem:s25+$0x90]  }
0x232: {  	v26 =	vld [tilespmem:s25+$0xFFFFFEA0];
	v18 =	vadd.f32 v38, v18;
	v38 =	vmul.f32 v57, v8;
	v14 =	vmul.f32 v14, v7  }
0x233: {  	v25 =	vld [tilespmem:s25+$0xFFFFFE60];
	v6 =	vadd.f32 v11, v6;
	v11 =	vmul.f32 v30, v8;
	v30 =	vmul.f32 v31, v7  }
0x234: {  	v27 =	vld [tilespmem:s25+$0xFFFFFEE0];
	v15 =	vmul.f32 v15, v7;
	v17 =	vmul.f32 v17, v8;
	v14 =	vadd.f32 v42, v14  }
0x235: {  	v29 =	vld [tilespmem:s25+$0xFFFFFF20];
	v39 =	vmul.f32 v61, v9;
	v11 =	vadd.f32 v11, v16;
	v16 =	vmul.f32 v56, v8  }
0x236: {  	v31 =	vld [tilespmem:s25+$0x80];
	v5 =	vadd.f32 v5, v30;
	v13 =	vmul.f32 v13, v7;
	v44 =	vmul.f32 v49, v8  }
0x237: {  	v62 =	vld [tilespmem:s25+$0x20];
	v15 =	vadd.f32 v17, v15;
	v16 =	vadd.f32 v16, v36;
	v36 =	vmul.f32 v54, v7;
	v43 =	vpop (erf)  }
0x238: {  	v30 =	vld [tilespmem:s25+$0x100];
	v28 =	vadd.f32 v28, v11;
	v11 =	vmul.f32 v25, v9;
	v50 =	vadd.f32 $2.000000000e+00, v43  }
0x239: {  	v56 =	vld [tilespmem:s25+$0x180];
	v39 =	vadd.f32 v39, v14;
	v25 =	vmul.f32 v26, v9;
	v26 =	vmul.f32 v27, v9  }
0x23a: {  	v17 =	vld [tilespmem:s25+$0x1D0];
	v27 =	vmul.f32 v29, v9;
	v13 =	vadd.f32 v32, v13;
	(erf) = vrcp.f32 v50  }
0x23b: {  	v49 =	vld [tilespmem:s25+$0xA0];
	v31 =	vmul.f32 v31, v7;
	v36 =	vadd.f32 v40, v36;
	v5 =	vadd.f32 v11, v5  }
0x23c: {  	v29 =	vld [tilespmem:s25+$0xE0];
	v32 =	vmul.f32 v59, v9;
	v0 =	vadd.f32 v25, v0;
	v26 =	vadd.f32 v26, v16  }
0x23d: {  	v51 =	vld [tilespmem:s25+$0x120];
	v27 =	vadd.f32 v27, v35;
	v16 =	vmul.f32 v62, v9;
	v30 =	vmul.f32 v30, v7  }
0x23e: {  	v25 =	vld [tilespmem:s25+$0x160];
	v31 =	vadd.f32 v44, v31;
	v41 =	vmul.f32 v56, v7;
	v32 =	vadd.f32 v32, v33  }
0x23f: {  	v52 =	vld [tilespmem:s25+$0x1A0];
	v33 =	vadd.f32 v53, v13;
	v17 =	vmul.f32 v17, v8;
	v50 =	vmul.f32 v60, v9  }
0x240: {  	v54 =	vld [tilespmem:s25+$0x1E0];
	v55 =	vadd.f32 v16, v15;
	v15 =	vmul.f32 v49, v9;
	v16 =	vmul.f32 v23, v10  }
0x241: {  	v21 =	vld [tilespmem:s25+$0xFFFFFEB0];
	v30 =	vadd.f32 v37, v30;
	v38 =	vadd.f32 v38, v41;
	v13 =	vmul.f32 v29, v9  }
0x242: {  	v19 =	vld [tilespmem:s25+$0xFFFFFF70];
	v17 =	vadd.f32 v17, v48;
	v23 =	vadd.f32 v15, v31;
	v15 =	vmul.f32 v24, v10  }
0x243: {  	v14 =	vld [tilespmem:s25+$0xFFFFFFB0];
	v24 =	vmul.f32 v51, v9;
	v31 =	vadd.f32 v13, v34;
	v13 =	vmul.f32 v25, v9;
	v11 =	vpop (erf)  }
0x244: {  	v59 =	vld [tilespmem:s25+$0xF0];
	v18 =	vadd.f32 v50, v18;
	v25 =	vmul.f32 v52, v9;
	v11 =	vmul.f32 v11, v43  }
0x245: {  	v29 =	vld [tilespmem:s25+$0x30];
	v30 =	vadd.f32 v24, v30;
	v24 =	vmul.f32 v54, v9;
	v36 =	vadd.f32 v13, v36  }
0x246: {  	v56 =	vld [tilespmem:s25+$0xFFFFFFF0];
	v60 =	vadd.f32 v25, v38;
	v25 =	vadd.f32 v16, v28;
	v13 =	vmul.f32 v11, v11  }
0x247: {  	v21 =	vmul.f32 v21, v10;
	v58 =	vld [tilespmem:s25+$0xB0];
	v16 =	vadd.f32 v15, v5;
	v15 =	vadd.f32 v20, v26  }
0x248: {  	v57 =	vld [tilespmem:s25+$0x70];
	v26 =	vadd.f32 v22, v27;
	v61 =	vadd.f32 v24, v17;
	v5 =	vmul.f32 $9.090909360e-02, v13  }
0x249: {  	v28 =	vld [tilespmem:s25+$0x170];
	v24 =	vadd.f32 v21, v0;
	v0 =	vmul.f32 v19, v10;
	v19 =	vmul.f32 v14, v10  }
0x24a: {  	v22 =	vld [tilespmem:s25+$0x1F0];
	v27 =	vmul.f32 v29, v10;
	v29 =	vmul.f32 v59, v10;
	v5 =	vadd.f32 $1.111111120e-01, v5  }
0x24b: {  	v17 =	vld [tilespmem:s25+$0x130];
	v38 =	vperm.xlane v25, v1;
	v14 =	vadd.f32 v0, v32;
	v0 =	vmul.f32 v56, v10  }
0x24c: {  	v21 =	vld [tilespmem:s25+$0x1B0];
	v35 =	vperm.xlane v15, v1;
	v19 =	vadd.f32 v19, v18;
	v5 =	vmul.f32 v5, v13  }
0x24d: {  	v18 =	vmul.f32 v57, v10;
	v34 =	vperm.xlane v24, v1;
	v20 =	vadd.f32 v0, v39  }
0x24e: {  	v0 =	vmul.f32 v58, v10;
	v28 =	vmul.f32 v28, v10;
	v5 =	vadd.f32 $1.428571490e-01, v5  }
0x24f: {  	v27 =	vadd.f32 v27, v55;
	v63 =	vmul.f32 v22, v10;
	v37 =	vperm.xlane v19, v1  }
0x250: {  	v58 =	vlaneseq.u32;
	v22 =	vadd.f32 v0, v23;
	v0 =	vmul.f32 v5, v13  }
0x251: {  	v43 =	vimm.f32 $0.0e+00;
	v17 =	vmul.f32 v17, v10;
	v62 =	vmul.f32 v21, v10  }
0x252: {  	v21 =	vadd.f32 v18, v33;
	v33 =	vperm.xlane v16, v1;
	v0 =	vadd.f32 $2.000000030e-01, v0  }
0x253: {  	v23 =	vadd.f32 v29, v31;
	v28 =	vadd.f32 v28, v36;
	v36 =	vperm.xlane v26, v1  }
0x254: {  	v31 =	vperm.xlane v14, v1;
	v18 =	vadd.f32 v17, v30;
	v17 =	vmul.f32 v0, v13  }
0x255: {  	s26 =	simm.s32 $0x10;
	s28 =	simm.s32 $0x20;
	v32 =	vperm.xlane v20, v1;
	v29 =	vadd.f32 v62, v60;
	v30 =	vadd.f32 v63, v61  }
.LBB2_7:
0x256: {  	p1 =	sne.s32 s28, $0xD0;
	v0 =	vperm.xlane v27, v1;
	v5 =	vperm.xlane v21, v1;
	s25 =	sadd.s32 $0x400, s25;
	v17 =	vadd.f32 $3.333333430e-01, v17  }
0x257: {  	v25 =	vadd.f32 v38, v25;
	v38 =	vperm.xlane v22, v1;
	v40 =	vperm.xlane v23, v1;
	v39 =	vld [tilespmem:s25+$0xFFFFFE30]  }
0x258: {  	v16 =	vadd.f32 v33, v16;
	v24 =	vadd.f32 v34, v24;
	v41 =	vld [tilespmem:s25+$0xFFFFFE70];
	v13 =	vmul.f32 v17, v13  }
0x259: {  	v15 =	vadd.f32 v35, v15;
	v26 =	vadd.f32 v36, v26;
	v33 =	vperm.xlane v18, v1;
	v17 =	vld [tilespmem:s25+$0xFFFFFEB0]  }
0x25a: {  	v35 =	vperm.xlane v28, v1;
	v11 =	vadd.f32 v11, v11;
	v34 =	vld [tilespmem:s25+$0xFFFFFEF0];
	v13 =	vadd.f32 $1.000000000e+00, v13  }
0x25b: {  	v14 =	vadd.f32 v31, v14;
	v31 =	vperm.xlane v29, v1;
	v19 =	vadd.f32 v37, v19;
	v36 =	vld [tilespmem:s25+$0xFFFFFF30]  }
0x25c: {  	v20 =	vadd.f32 v32, v20;
	v0 =	vadd.f32 v0, v27;
	v37 =	vld [tilespmem:s25+$0xFFFFFF70];
	v11 =	vmul.f32 v13, v11  }
0x25d: {  	v12 =	vmax.f32 v12, $0.0e+00;
	v5 =	vadd.f32 v5, v21;
	v21 =	vadd.f32 v38, v22;
	v13 =	vld [tilespmem:s25+$0xFFFFFFB0]  }
0x25e: {  	v22 =	vadd.f32 v40, v23;
	v23 =	vperm.xlane v30, v1;
	v27 =	vld [tilespmem:s25+$0xFFFFFFF0];
	v11 =	vadd.f32 v11, v12  }
0x25f: {  	v32 =	vsel vm4, $0x3DCCCCCD, v43;
	v18 =	vadd.f32 v33, v18;
	v28 =	vadd.f32 v35, v28;
	v12 =	vld [tilespmem:s25+$0x30]  }
0x260: {  	v29 =	vadd.f32 v31, v29;
	v23 =	vadd.f32 v23, v30;
	v33 =	vld [tilespmem:s25+$0x70];
	v11 =	vmul.f32 v11, v32  }
0x261: {  	v16 =	vsel vm0, v25, v16;
	v15 =	vsel vm0, v24, v15;
	v14 =	vsel vm0, v26, v14;
	v30 =	vld [tilespmem:s25+$0xFFFFFE20]  }
0x262: {  	v19 =	vsel vm0, v19, v20;
	v0 =	vsel vm0, v0, v5;
	v24 =	vld [tilespmem:s25+$0xFFFFFE60];
	v6 =	vadd.f32 v11, v6  }
0x263: {  	v20 =	vperm.xlane v16, v2;
	v11 =	vsel vm0, v21, v22;
	v21 =	vperm.xlane v15, v2;
	v5 =	vld [tilespmem:s25+$0xFFFFFEA0]  }
0x264: {  	v18 =	vsel vm0, v18, v28;
	v26 =	vperm.xlane v19, v2;
	v22 =	vperm.xlane v14, v2;
	v25 =	vld [tilespmem:s25+$0xFFFFFEE0]  }
0x265: {  	v23 =	vsel vm0, v29, v23;
	v29 =	vperm.xlane v0, v2;
	v31 =	vperm.xlane v11, v2;
	v28 =	vld [tilespmem:s25+$0xFFFFFF20]  }
0x266: {  	v16 =	vadd.f32 v20, v16;
	v20 =	vperm.xlane v18, v2;
	v15 =	vadd.f32 v21, v15;
	v32 =	vld [tilespmem:s25+$0xFFFFFF60]  }
0x267: {  	v19 =	vadd.f32 v26, v19;
	v14 =	vadd.f32 v22, v14;
	v21 =	vperm.xlane v23, v2;
	v35 =	vld [tilespmem:s25+$0xFFFFFFA0]  }
0x268: {  	v0 =	vadd.f32 v29, v0;
	v11 =	vadd.f32 v31, v11;
	v26 =	vld [tilespmem:s25+$0xFFFFFFE0]  }
0x269: {  	v18 =	vadd.f32 v20, v18;
	v20 =	vadd.f32 v21, v23;
	v29 =	vld [tilespmem:s25+$0x20]  }
0x26a: {  	v15 =	vsel vm1, v16, v15;
	v14 =	vsel vm1, v14, v19;
	v0 =	vsel vm1, v0, v11;
	v31 =	vld [tilespmem:s25+$0x60]  }
0x26b: {  	v19 =	vperm.xlane v14, v3;
	v16 =	vsel vm1, v18, v20;
	v18 =	vperm.xlane v15, v3;
	v11 =	vld [tilespmem:s25+$0xA0]  }
0x26c: {  	v20 =	vperm.xlane v0, v3;
	v21 =	vperm.xlane v16, v3;
	v38 =	vld [tilespmem:s25+$0xFFFFFE00]  }
0x26d: {  	v15 =	vadd.f32 v18, v15;
	v18 =	vadd.f32 v19, v14;
	v40 =	vld [tilespmem:s25+$0xFFFFFE10]  }
0x26e: {  	v0 =	vadd.f32 v20, v0;
	v16 =	vadd.f32 v21, v16;
	v42 =	vld [tilespmem:s25+$0xFFFFFE40]  }
0x26f: {  	v43 =	vld [tilespmem:s25+$0xFFFFFE50]  }
0x270: {  	v14 =	vmul.f32 v39, v10;
	v18 =	vsel vm2, v15, v18;
	v0 =	vsel vm2, v0, v16;
	v39 =	vld [tilespmem:s25+$0xFFFFFE80]  }
0x271: {  	v19 =	vperm.xlane v18, v4;
	v20 =	vperm.xlane v0, v4;
	v44 =	vld [tilespmem:s25+$0xFFFFFE90]  }
0x272: {  	v15 =	vmul.f32 v17, v10;
	v16 =	vmul.f32 v41, v10;
	v41 =	vld [tilespmem:s25+$0xFFFFFEC0]  }
0x273: {  	v17 =	vmul.f32 v34, v10;
	v21 =	vadd.f32 v19, v18;
	v0 =	vadd.f32 v20, v0;
	v45 =	vld [tilespmem:s25+$0xFFFFFED0]  }
0x274: {  	v19 =	vmul.f32 v36, v10;
	v36 =	vor.u32 s26, v58;
	s26 =	smov.u32 s28;
	v20 =	vmul.f32 v37, v10;
	v34 =	vld [tilespmem:s25+$0xFFFFFF00]  }
0x275: {  	v22 =	vmul.f32 v13, v10;
	v18 =	vmul.f32 v27, v10;
	v0 =	vsel vm3, v21, v0;
	v37 =	vld [tilespmem:s25+$0xFFFFFF10]  }
0x276: {  	v23 =	vmul.f32 v12, v10;
	v21 =	vmul.f32 v33, v10;
	v12 =	vsub.f32 $0.0e+00, v0;
	v13 =	vld [tilespmem:s25+$0xFFFFFF40]  }
0x277: {  	v24 =	vmul.f32 v24, v9;
	v27 =	vmul.f32 v30, v9;
	vm4 =	vlt.u32 v36, $0xA;
	v30 =	vld [tilespmem:s25+$0xFFFFFF50]  }
0x278: {  	v5 =	vmul.f32 v5, v9;
	v25 =	vmul.f32 v25, v9;
	v12 =	vsel vm4, v12, v0;
	v33 =	vld [tilespmem:s25+$0xFFFFFF80]  }
0x279: {  	v0 =	vmul.f32 v28, v9;
	v28 =	vmul.f32 v32, v9;
	v46 =	vand.u32 $0x7FFFFFFF, v12;
	v32 =	vld [tilespmem:s25+$0xFFFFFF90]  }
0x27a: {  	v35 =	vmul.f32 v35, v9;
	v26 =	vmul.f32 v26, v9;
	v46 =	vsub.f32 $0.0e+00, v46;
	v47 =	vld [tilespmem:s25+$0xFFFFFFC0]  }
0x27b: {  	v29 =	vmul.f32 v29, v9;
	v31 =	vmul.f32 v31, v9;
	v48 =	vld [tilespmem:s25+$0xFFFFFFD0]  }
0x27c: {  	v50 =	vmul.f32 v11, v9;
	v11 =	vmul.f32 $1.442695020e+00, v46;
	v49 =	vld [tilespmem:s25+$0x0]  }
0x27d: {  	v38 =	vmul.f32 v38, v7;
	v40 =	vmul.f32 v40, v8;
	v46 =	vld [tilespmem:s25+$0x10]  }
0x27e: {  	v42 =	vmul.f32 v42, v7;
	v51 =	vld [tilespmem:s25+$0x40];
	(erf) = vpow2.f32 v11  }
0x27f: {  	v39 =	vmul.f32 v39, v7;
	v11 =	vmul.f32 v43, v8;
	v43 =	vld [tilespmem:s25+$0x50]  }
0x280: {  	v44 =	vmul.f32 v44, v8;
	v41 =	vmul.f32 v41, v7;
	v52 =	vld [tilespmem:s25+$0x80]  }
0x281: {  	v45 =	vmul.f32 v45, v8;
	v34 =	vmul.f32 v34, v7;
	v53 =	vld [tilespmem:s25+$0x90]  }
0x282: {  	v37 =	vmul.f32 v37, v8;
	v13 =	vmul.f32 v13, v7;
	v54 =	vld [tilespmem:s25+$0xC0]  }
0x283: {  	v30 =	vmul.f32 v30, v8;
	v33 =	vmul.f32 v33, v7;
	v55 =	vld [tilespmem:s25+$0xD0]  }
0x284: {  	v32 =	vmul.f32 v32, v8;
	v47 =	vmul.f32 v47, v7;
	v56 =	vld [tilespmem:s25+$0x100]  }
0x285: {  	v48 =	vmul.f32 v48, v8;
	v49 =	vmul.f32 v49, v7;
	v57 =	vld [tilespmem:s25+$0x110]  }
0x286: {  	vm4 =	vlt.u32 v36, $0xD2;
	v46 =	vmul.f32 v46, v8;
	v51 =	vmul.f32 v51, v7;
	v58 =	vld [tilespmem:s25+$0x140]  }
0x287: {  	v36 =	vadd.f32 v40, v38;
	v43 =	vmul.f32 v43, v8;
	v52 =	vmul.f32 v52, v7;
	v59 =	vld [tilespmem:s25+$0x150];
	v60 =	vpop (erf)  }
0x288: {  	v53 =	vmul.f32 v53, v8;
	v54 =	vmul.f32 v54, v7;
	v61 =	vld [tilespmem:s25+$0x180];
	v62 =	vadd.f32 $2.000000000e+00, v60  }
0x289: {  	v27 =	vadd.f32 v27, v36;
	v55 =	vmul.f32 v55, v8;
	v56 =	vmul.f32 v56, v7;
	v63 =	vld [tilespmem:s25+$0x190]  }
0x28a: {  	v39 =	vadd.f32 v44, v39;
	v38 =	vmul.f32 v57, v8;
	v40 =	vld [tilespmem:s25+$0x1C0];
	(erf) = vrcp.f32 v62  }
0x28b: {  	v11 =	vadd.f32 v11, v42;
	v42 =	vmul.f32 v58, v7;
	v58 =	vlaneseq.u32;
	v44 =	vld [tilespmem:s25+$0x1D0]  }
0x28c: {  	v41 =	vadd.f32 v45, v41;
	v34 =	vadd.f32 v37, v34;
	v37 =	vld [tilespmem:s25+$0xE0];
	v45 =	vmul.f32 v59, v8  }
0x28d: {  	v13 =	vadd.f32 v30, v13;
	v30 =	vadd.f32 v32, v33;
	v32 =	vld [tilespmem:s25+$0x120];
	v33 =	vmul.f32 v61, v7  }
0x28e: {  	v47 =	vadd.f32 v48, v47;
	v46 =	vadd.f32 v46, v49;
	v48 =	vld [tilespmem:s25+$0x160];
	v49 =	vmul.f32 v63, v8  }
0x28f: {  	v43 =	vadd.f32 v43, v51;
	v51 =	vadd.f32 v53, v52;
	v40 =	vmul.f32 v40, v7  }
0x290: {  	v52 =	vadd.f32 v55, v54;
	v38 =	vadd.f32 v38, v56;
	v53 =	vld [tilespmem:s25+$0x1A0];
	v44 =	vmul.f32 v44, v8  }
0x291: {  	v42 =	vadd.f32 v45, v42;
	v33 =	vadd.f32 v49, v33;
	v37 =	vmul.f32 v37, v9  }
0x292: {  	v5 =	vadd.f32 v5, v39;
	v32 =	vmul.f32 v32, v9;
	v36 =	vadd.f32 v44, v40;
	v40 =	vld [tilespmem:s25+$0x1E0]  }
0x293: {  	v41 =	vadd.f32 v25, v41;
	v24 =	vadd.f32 v24, v11;
	v39 =	vmul.f32 v48, v9;
	v11 =	vpop (erf)  }
0x294: {  	v0 =	vadd.f32 v0, v34;
	v28 =	vadd.f32 v28, v13;
	v25 =	vld [tilespmem:s25+$0xB0];
	v11 =	vmul.f32 v11, v60  }
0x295: {  	v30 =	vadd.f32 v35, v30;
	v16 =	vadd.f32 v16, v24;
	v34 =	vld [tilespmem:s25+$0xF0];
	v35 =	vmul.f32 v53, v9  }
0x296: {  	v29 =	vadd.f32 v29, v46;
	v44 =	vadd.f32 v26, v47;
	v26 =	vld [tilespmem:s25+$0x130];
	v13 =	vmul.f32 v11, v11  }
0x297: {  	v31 =	vadd.f32 v31, v43;
	v43 =	vadd.f32 v50, v51;
	v40 =	vmul.f32 v40, v9  }
0x298: {  	v37 =	vadd.f32 v37, v52;
	v32 =	vadd.f32 v32, v38;
	v38 =	vld [tilespmem:s25+$0x170];
	v45 =	vmul.f32 $9.090909360e-02, v13  }
0x299: {  	v39 =	vadd.f32 v39, v42;
	v42 =	vadd.f32 v35, v33;
	v46 =	vmul.f32 v25, v10;
	v33 =	vld [tilespmem:s25+$0x1B0]  }
0x29a: {  	v40 =	vadd.f32 v40, v36;
	v34 =	vmul.f32 v34, v10;
	v35 =	vld [tilespmem:s25+$0x1F0];
	v36 =	vadd.f32 $1.111111120e-01, v45  }
0x29b: {  	v24 =	vadd.f32 v15, v5;
	v25 =	vadd.f32 v14, v27;
	v45 =	vmul.f32 v26, v10  }
0x29c: {  	v15 =	vadd.f32 v17, v41;
	v21 =	vadd.f32 v21, v31;
	v5 =	vmul.f32 v36, v13  }
0x29d: {  	v14 =	vadd.f32 v20, v28;
	v26 =	vadd.f32 v19, v0;
	v0 =	vmul.f32 v38, v10  }
0x29e: {  	v19 =	vadd.f32 v22, v30;
	v17 =	vmul.f32 v33, v10;
	v5 =	vadd.f32 $1.428571490e-01, v5  }
0x29f: {  	v20 =	vadd.f32 v18, v44;
	v27 =	vadd.f32 v23, v29;
	v30 =	vmul.f32 v35, v10  }
0x2a0: {  	v22 =	vadd.f32 v46, v43;
	v43 =	vimm.f32 $0.0e+00;
	v5 =	vmul.f32 v5, v13  }
.Ltmp4:
0x2a1: {  	v23 =	vadd.f32 v34, v37;
	v18 =	vadd.f32 v45, v32;
	v38 =	vperm.xlane v25, v1;
	(pc) =	sbr.rel @p1 .LBB2_7-.Ltmp4, $4  }
0x2a2: {  	v34 =	vperm.xlane v24, v1;
	v33 =	vperm.xlane v16, v1;
	v5 =	vadd.f32 $2.000000030e-01, v5  }
0x2a3: {  	v36 =	vperm.xlane v26, v1;
	v28 =	vadd.f32 v0, v39;
	v35 =	vperm.xlane v15, v1  }
0x2a4: {  	v31 =	vperm.xlane v14, v1;
	v29 =	vadd.f32 v17, v42;
	v17 =	vmul.f32 v5, v13  }
0x2a5: {  	s28 =	sadd.s32 $0x10, s28;
	v37 =	vperm.xlane v19, v1;
	v32 =	vperm.xlane v20, v1;
	v30 =	vadd.f32 v30, v40  }
0x2a6: {  	v0 =	vperm.xlane v27, v1;
	v5 =	vperm.xlane v21, v1;
	v7 =	vadd.f32 v38, v25  }
0x2a7: {  	v8 =	vperm.xlane v22, v1;
	v9 =	vadd.f32 v33, v16;
	v10 =	vadd.f32 v34, v24  }
0x2a8: {  	v38 =	vperm.xlane v23, v1;
	v15 =	vadd.f32 v35, v15;
	v39 =	vadd.f32 v36, v26  }
0x2a9: {  	v40 =	vperm.xlane v18, v1;
	v14 =	vadd.f32 v31, v14;
	v19 =	vadd.f32 v37, v19  }
0x2aa: {  	v41 =	vperm.xlane v28, v1;
	v20 =	vadd.f32 v32, v20;
	v0 =	vadd.f32 v0, v27  }
0x2ab: {  	v42 =	vperm.xlane v29, v1;
	v5 =	vadd.f32 v5, v21;
	v8 =	vadd.f32 v8, v22  }
0x2ac: {  	v16 =	vadd.f32 v38, v23;
	v18 =	vadd.f32 v40, v18  }
0x2ad: {  	v44 =	vperm.xlane v30, v1;
	v45 =	vadd.f32 v41, v28;
	v46 =	vadd.f32 v42, v29  }
0x2ae: {  	v7 =	vsel vm0, v7, v9;
	v47 =	vsel vm0, v10, v15;
	v48 =	vsel vm0, v39, v14  }
0x2af: {  	v21 =	vadd.f32 v44, v30;
	v49 =	vsel vm0, v19, v20;
	v15 =	vperm.xlane v47, v2  }
0x2b0: {  	v51 =	vperm.xlane v48, v2;
	v0 =	vsel vm0, v0, v5;
	v5 =	vsel vm0, v8, v16  }
0x2b1: {  	v8 =	vperm.xlane v7, v2;
	v50 =	vsel vm0, v18, v45;
	v19 =	vperm.xlane v49, v2  }
0x2b2: {  	v52 =	vsel vm0, v46, v21;
	v53 =	vperm.xlane v0, v2;
	v54 =	vperm.xlane v5, v2  }
0x2b3: {  	v55 =	vperm.xlane v50, v2;
	v10 =	vadd.f32 v51, v48;
	v7 =	vadd.f32 v8, v7  }
0x2b4: {  	v8 =	vadd.f32 v15, v47;
	v14 =	vadd.f32 v19, v49;
	v56 =	vperm.xlane v52, v2  }
0x2b5: {  	v0 =	vadd.f32 v53, v0;
	v5 =	vadd.f32 v54, v5  }
0x2b6: {  	v9 =	vadd.f32 v55, v50;
	v15 =	vadd.f32 v56, v52  }
0x2b7: {  	v7 =	vsel vm1, v7, v8;
	v8 =	vsel vm1, v10, v14;
	v0 =	vsel vm1, v0, v5  }
0x2b8: {  	v57 =	vperm.xlane v7, v3;
	v10 =	vperm.xlane v8, v3;
	v5 =	vsel vm1, v9, v15  }
0x2b9: {  	v59 =	vperm.xlane v0, v3;
	v15 =	vperm.xlane v5, v3  }
0x2ba: {  	v7 =	vadd.f32 v57, v7;
	v8 =	vadd.f32 v10, v8  }
0x2bb: {  	v0 =	vadd.f32 v59, v0;
	v5 =	vadd.f32 v15, v5;
	_ =	sdelay $0x1  }
0x2bc: {  	v7 =	vsel vm2, v7, v8;
	v0 =	vsel vm2, v0, v5  }
0x2bd: {  	v5 =	vperm.xlane v7, v4;
	v8 =	vperm.xlane v0, v4;
	_ =	sdelay $0x1  }
0x2be: {  	v5 =	vadd.f32 v5, v7;
	v0 =	vadd.f32 v8, v0;
	_ =	sdelay $0x1  }
0x2bf: {  	v0 =	vsel vm3, v5, v0  }
0x2c0: {  	v5 =	vor.u32 s26, v58;
	v7 =	vsub.f32 $0.0e+00, v0  }
0x2c1: {  	vm5 =	vlt.u32 v5, $0xA  }
0x2c2: {  	v0 =	vsel vm5, v7, v0  }
0x2c3: {  	v7 =	vand.u32 $0x7FFFFFFF, v0  }
0x2c4: {  	v7 =	vsub.f32 $0.0e+00, v7;
	_ =	sdelay $0x1  }
0x2c5: {  	v7 =	vmul.f32 $1.442695020e+00, v7;
	_ =	sdelay $0x1  }
0x2c6: {  	(erf) = vpow2.f32 v7;
	_ =	sdelay $0x8  }
0x2c7: {  	v7 =	vpop (erf)  }
0x2c8: {  	v8 =	vadd.f32 $2.000000000e+00, v7;
	_ =	sdelay $0x1  }
0x2c9: {  	(erf) = vrcp.f32 v8;
	_ =	sdelay $0x8  }
0x2ca: {  	v8 =	vpop (erf)  }
0x2cb: {  	v7 =	vmul.f32 v8, v7;
	_ =	sdelay $0x1  }
0x2cc: {  	v8 =	vmul.f32 v7, v7;
	_ =	sdelay $0x1  }
0x2cd: {  	v60 =	vmul.f32 $9.090909360e-02, v8;
	_ =	sdelay $0x1  }
0x2ce: {  	v9 =	vadd.f32 $1.111111120e-01, v60;
	_ =	sdelay $0x1  }
0x2cf: {  	v9 =	vmul.f32 v9, v8;
	_ =	sdelay $0x1  }
0x2d0: {  	v9 =	vadd.f32 $1.428571490e-01, v9;
	_ =	sdelay $0x1  }
0x2d1: {  	v9 =	vmul.f32 v9, v8;
	_ =	sdelay $0x1  }
0x2d2: {  	v9 =	vadd.f32 $2.000000030e-01, v9;
	_ =	sdelay $0x1  }
0x2d3: {  	v61 =	vadd.f32 $3.333333430e-01, v17;
	v9 =	vmul.f32 v9, v8;
	_ =	sdelay $0x1  }
0x2d4: {  	v10 =	vmul.f32 v61, v13;
	v9 =	vadd.f32 $3.333333430e-01, v9;
	_ =	sdelay $0x1  }
0x2d5: {  	v11 =	vadd.f32 v11, v11;
	v10 =	vadd.f32 $1.000000000e+00, v10;
	v8 =	vmul.f32 v9, v8;
	_ =	sdelay $0x1  }
0x2d6: {  	v62 =	vmul.f32 v10, v11;
	v7 =	vadd.f32 v7, v7;
	v8 =	vadd.f32 $1.000000000e+00, v8  }
0x2d7: {  	v63 =	vmax.f32 v12, $0.0e+00  }
0x2d8: {  	v9 =	vadd.f32 v62, v63;
	v7 =	vmul.f32 v8, v7  }
0x2d9: {  	v0 =	vmax.f32 v0, $0.0e+00;
	v8 =	vsel vm4, $0x3DCCCCCD, v43  }
0x2da: {  	vm4 =	vlt.u32 v5, $0xD2;
	v8 =	vmul.f32 v9, v8;
	v0 =	vadd.f32 v7, v0  }
.Ltmp5:
0x2db: {  	v5 =	vsel vm4, $0x3DCCCCCD, v43;
	(pc) =	sbr.rel @p0 .LBB2_10-.Ltmp5, $2  }
0x2dc: {  	v6 =	vadd.f32 v8, v6;
	v0 =	vmul.f32 v0, v5;
	_ =	sdelay $0x1  }
0x2dd: {  	v6 =	vadd.f32 v0, v6;
	_ =	sdelay $0x1  }
0x2de: {  	s25 =	smul.u32 $0x6C0, s24  }
.Ltmp6:
0x2df: {  	_ = 	snop;
	(pc) =	sbr.rel .LBB2_4-.Ltmp6, $4  }
0x2e0: {  	_ = 	snop  }
0x2e1: {  	s25 =	sshra.s32 s25, $0x2  }
0x2e2: {  	s24 =	sadd.s32 $0x1, s24;
	s25 =	sadd.s32 $0x6E88, s25  }
0x2e3: {  	[tilespmem:s18], [sflag:$0x3] =	stream.indirect.gather [hbm4b:s3+s14], $0x40, s25, s14, $0xb8;
	[tilespmem:$0x16890] =	vst v63  }
.LBB2_11:
0x2e4: {  	_ =	sfence.sel $0x180000  }
0x2e5: {  	[bflag:$0x0] =	sbarrier.arrive $0xFFFF  }
0x2e6: {  	p0 =	sne.s32 s0, $0x0;
	_ =	strace $0x90000047  }
0x2e7: {  	s0 =	sadd.s32 @!p0 $0x100000, s1;
	[bflag:$0x2] =	sbarrier.arrive $0xFFFF  }
0x2e8: {  	[sflag:s0] =	ssyncadd.tile.s32 @!p0 $0x1;
	_ =	shalt  }
.Lfunc_end2:
_tile_overlayer_lowered:
.L_overlay_start_2:
0x2e9: {  	(tag) =	ssettag $0x2  }
0x2ea: {  	s0 =	rddreg [dreg:$0x0];
	s2 =	stileid.u32  }
0x2eb: {  	s1 =	rddreg [dreg:$0x1];
	p0 =	sne.s32 s2, $0x0  }
0x2ec: {  	s3 =	rddreg [dreg:$0x2];
	[bflag:$0x3] =	sbarrier.arrive $0xFFFF;
	s2 =	simm.s32 @!p0 $0x1C04  }
0x2ed: {  	[timem:s3], [sflag:s2] =	dma.local @!p0 [hbm:s0], s1  }
0x2ee: {  	s0 =	simm.s32 @!p0 $0x4  }
0x2ef: {  	_ =	swait.ge @!p0 [sflag:s0], s1  }
0x2f0: {  	s1 =	ssub.s32 @!p0 $0x0, s1;
	[sflag:s0] =	ssyncset.done @!p0 $0x0  }
0x2f1: {  	[sflag:s0] =	ssyncadd.s32 @!p0 s1  }
0x2f2: {  	[bflag:$0x3] =	sbarrier.arrive $0xFFFF  }
0x2f3: {  	_ =	shalt  }

</sc_bundles>
